<compile_context>
chip_gen: v7x
topology: tpu7x:2x2x1
jax: 0.10.2.dev20260603
libtpu: 0.0.44.dev20260713+nightly
codegen_flags: <defaults>
</compile_context>

<pallas_src>
import functools
import jax
import jax.numpy as jnp
from jax import lax
from jax.experimental import pallas as pl
from jax.experimental.pallas import tpu as pltpu, tpu_sc as plsc

RADIUS2 = 1.0
SHELL2 = 0.25
NBINS = 16
M = 4
K = NBINS * M
QTILE = 256
NW = 32
L = 16


def _knn_tc_kernel(xyz_ref, q_ref, fea_ref, v_ref, m2_ref,
                   idx_ref, s_ref, g_ref, nq):
    t = pl.program_id(1)
    p = xyz_ref[0]
    q = q_ref[0]
    N = p.shape[1]
    Q = q.shape[1]

    x2p = jnp.sum(p * p, axis=0)
    x2q = jnp.sum(q * q, axis=0)
    inner = lax.dot_general(q, p, (((0,), (0,)), ((), ())),
                            preferred_element_type=jnp.float32)
    dist2 = x2q[:, None] + x2p[None, :] - 2.0 * inner

    dxp = p[0][None, :] - q[0][:, None]
    dyp = p[1][None, :] - q[1][:, None]
    dzp = p[2][None, :] - q[2][:, None]
    grp = ((dxp > 0).astype(jnp.int32) * 8 + (dyp > 0).astype(jnp.int32) * 4
           + (dzp > 0).astype(jnp.int32) * 2
           + (dist2 > SHELL2).astype(jnp.int32))
    grp = jnp.where(dist2 <= RADIUS2, grp, NBINS)

    iota = lax.broadcasted_iota(jnp.int32, (Q, N), 1)
    qi = lax.broadcasted_iota(jnp.int32, (Q, 1), 0)[:, 0] + t * nq

    qd = jnp.minimum(dist2 * jnp.float32(1048576.0),
                     jnp.float32(1048575.0)).astype(jnp.int32)
    ikey = (qd << 11) | iota
    MAXI = jnp.int32(0x7FFFFFFF)
    half = N // 2
    for g in range(NBINS):
        d = jnp.where(grp == g, ikey, MAXI)
        dA = d[:, :half]
        dB = d[:, half:]
        pmin = jnp.minimum(dA, dB)
        pmax = jnp.maximum(dA, dB)
        for r in range(M):
            m = jnp.min(pmin, axis=1)
            hit = m != MAXI
            am = m & 2047
            idx_ref[0, 0, g * M + r, :] = jnp.where(hit, am, qi)
            if r < M - 1:
                eq = pmin == m[:, None]
                pmin = jnp.where(eq, pmax, pmin)
                pmax = jnp.where(eq, MAXI, pmax)

    fq = fea_ref[0, :, pl.ds(t * nq, nq)]
    v = v_ref[...]
    s_ref[0, 0, :] = lax.dot_general(v, fq, (((1,), (0,)), ((), ())),
                                     preferred_element_type=jnp.float32)[0]
    g_ref[0] = lax.dot_general(m2_ref[...], fq, (((1,), (0,)), ((), ())),
                               preferred_element_type=jnp.float32)


def _make_sc_kernel(B, N):
    npw = (B * N) // NW
    tiles_pb = N // npw
    ngrp = npw // L
    mesh = plsc.VectorSubcoreMesh(core_axis_name="c", subcore_axis_name="s")

    @functools.partial(
        pl.kernel, mesh=mesh,
        compiler_params=pltpu.CompilerParams(needs_layout_passes=False),
        out_type=jax.ShapeDtypeStruct((NW, 32 * npw), jnp.float32),
        scratch_types=[
            pltpu.VMEM((32 * N,), jnp.float32),
            pltpu.VMEM((N,), jnp.float32),
            pltpu.VMEM((K * npw,), jnp.int32),
            pltpu.VMEM((K * L,), jnp.float32),
            pltpu.VMEM((K * L,), jnp.float32),
            pltpu.VMEM((32 * L,), jnp.float32),
            pltpu.VMEM((32 * npw,), jnp.float32),
        ],
    )
    def sc_fn(g_hbm, s_hbm, idx_hbm, bias_hbm, out_hbm,
              g_v, s_v, idx_v, sbuf, wbuf, bias_v, out_v):
        wid = lax.axis_index("s") * 2 + lax.axis_index("c")
        b = wid // tiles_pb
        pltpu.sync_copy(g_hbm.at[b], g_v)
        pltpu.sync_copy(s_hbm.at[b], s_v)
        pltpu.sync_copy(idx_hbm.at[wid], idx_v)
        pltpu.sync_copy(bias_hbm, bias_v)

        def group_body(t, carry):
            def p1(k, mx):
                iv = idx_v[pl.ds(k * npw + t * L, L)]
                sv = plsc.load_gather(s_v, [iv])
                sbuf[pl.ds(k * L, L)] = sv
                return jnp.maximum(mx, sv)
            mx = lax.fori_loop(0, K, p1, jnp.full((L,), -jnp.inf, jnp.float32))

            def p2(k, den):
                e = jnp.exp(sbuf[pl.ds(k * L, L)] - mx)
                wbuf[pl.ds(k * L, L)] = e
                return den + e
            den = lax.fori_loop(0, K, p2, jnp.zeros((L,), jnp.float32))
            rcp = 1.0 / den

            for h in range(2):
                def p3(k, accs):
                    iv = idx_v[pl.ds(k * npw + t * L, L)]
                    wv = wbuf[pl.ds(k * L, L)]
                    return tuple(
                        accs[ci] + wv * plsc.load_gather(
                            g_v, [iv + (h * 16 + ci) * N])
                        for ci in range(16))
                accs = lax.fori_loop(
                    0, K, p3,
                    tuple(jnp.zeros((L,), jnp.float32) for _ in range(16)))
                for ci in range(16):
                    c = h * 16 + ci
                    bv = bias_v[pl.ds(c * L, L)]
                    out_v[pl.ds(c * npw + t * L, L)] = jnp.maximum(
                        accs[ci] * rcp + bv, 0.0)
            return carry

        lax.fori_loop(0, ngrp, group_body, 0)
        pltpu.sync_copy(out_v, out_hbm.at[wid])

    return sc_fn, npw, tiles_pb


def kernel(xyz, fea, W, altha, mlp_w, mlp_b):
    B, _, N = xyz.shape
    Q = QTILE
    v = altha @ W
    M2 = mlp_w @ W

    grid = (B, N // Q)
    idx4, s2, g = pl.pallas_call(
        functools.partial(_knn_tc_kernel, nq=Q),
        grid=grid,
        in_specs=[
            pl.BlockSpec((1, 3, N), lambda b, t: (b, 0, 0)),
            pl.BlockSpec((1, 3, Q), lambda b, t: (b, 0, t)),
            pl.BlockSpec((1, 32, N), lambda b, t: (b, 0, 0)),
            pl.BlockSpec((1, 32), lambda b, t: (0, 0)),
            pl.BlockSpec((32, 32), lambda b, t: (0, 0)),
        ],
        out_specs=[
            pl.BlockSpec((1, 1, K, Q), lambda b, t: (b, t, 0, 0)),
            pl.BlockSpec((1, 1, Q), lambda b, t: (b, 0, t)),
            pl.BlockSpec((1, 32, Q), lambda b, t: (b, 0, t)),
        ],
        out_shape=[
            jax.ShapeDtypeStruct((B, N // Q, K, Q), jnp.int32),
            jax.ShapeDtypeStruct((B, 1, N), jnp.float32),
            jax.ShapeDtypeStruct((B, 32, N), jnp.float32),
        ],
    )(xyz, xyz, fea, v, M2)

    sc_fn, npw, tiles_pb = _make_sc_kernel(B, N)
    g_flat = g.reshape(B, 32 * N)
    s_flat = s2.reshape(B, N)
    idx_flat = idx4.reshape(NW, K * npw)
    bias_tab = jnp.broadcast_to(mlp_b.reshape(32, 1), (32, L)).reshape(32 * L)
    out_w = sc_fn(g_flat, s_flat, idx_flat, bias_tab)
    out = out_w.reshape(B, tiles_pb, 32, npw).transpose(0, 2, 1, 3).reshape(B, 32, N)
    return out

# --- scband reference (transcript-rebuilt; emitter-appended) ---
"""Pipeline reference for scband-laeconv-32298154066790 (READ-ONLY COPY).

The authoritative reference and input builder live on the scoring server;
editing this copy changes nothing except your own understanding.
"""

import jax, jax.numpy as jnp
import numpy as np

RADIUS = 1.0
M = 4

def multi_directional_knn(xyz_t, radius, m):
    # xyz_t: [B, N, 3]. 16 direction bins = 8 sign-octants x 2 radial shells;
    # m nearest neighbors within radius per bin, self-index fallback.
    B, N, _ = xyz_t.shape
    x2 = jnp.sum(xyz_t ** 2, axis=-1)
    inner = jnp.einsum('bnd,bmd->bnm', xyz_t, xyz_t)
    dist2 = x2[:, :, None] + x2[:, None, :] - 2.0 * inner
    dx = xyz_t[:, None, :, 0] - xyz_t[:, :, None, 0]
    dy = xyz_t[:, None, :, 1] - xyz_t[:, :, None, 1]
    dz = xyz_t[:, None, :, 2] - xyz_t[:, :, None, 2]
    sx = (dx > 0).astype(jnp.int32)
    sy = (dy > 0).astype(jnp.int32)
    sz = (dz > 0).astype(jnp.int32)
    shell = (dist2 > (0.5 * radius) ** 2).astype(jnp.int32)
    group = sx * 8 + sy * 4 + sz * 2 + shell
    valid = dist2 <= radius ** 2
    self_idx = jnp.broadcast_to(jnp.arange(N)[None, :, None], (B, N, m))
    parts = []
    for g in range(16):
        mask = valid & (group == g)
        d = jnp.where(mask, dist2, jnp.inf)
        neg_d, idxg = jax.lax.top_k(-d, m)
        idxg = jnp.where(neg_d > -jnp.inf, idxg, self_idx)
        parts.append(idxg)
    return jnp.concatenate(parts, axis=-1)  # [B, N, 16*m]

def group_points(fea, idx):
    # fea: [B, C, N], idx: [B, N, K] -> [B, C, N, K]
    return jax.vmap(lambda f, i: f[:, i])(fea, idx)

def setup_inputs(seed: int = 0):
    key = jax.random.key(seed)
    k1, k2, k3, k4, k5, k6 = jax.random.split(key, 6)
    B, N = 4, 2048
    Cin, Cout = 32, 32
    xyz = jax.random.normal(k1, (B, 3, N), dtype=jnp.float32)
    fea = jax.random.normal(k2, (B, Cin, N), dtype=jnp.float32)
    W = jax.random.normal(k3, (Cout, Cin), dtype=jnp.float32) * (1.0 / np.sqrt(Cin))
    altha = jax.random.normal(k4, (1, Cout), dtype=jnp.float32) * (1.0 / np.sqrt(Cout))
    mlp_w = jax.random.normal(k5, (Cout, Cout), dtype=jnp.float32) * (1.0 / np.sqrt(Cout))
    mlp_b = jnp.zeros((Cout,), dtype=jnp.float32)
    return {"xyz": xyz, "fea": fea, "W": W, "altha": altha, "mlp_w": mlp_w, "mlp_b": mlp_b}

def reference(xyz, fea, W, altha, mlp_w, mlp_b):
    xyz_t = jnp.transpose(xyz, (0, 2, 1))  # [B, N, 3]
    idx = multi_directional_knn(xyz_t, RADIUS, M)
    grouped = group_points(fea, idx)                 # [B, Cin, N, K]
    grouped_r = grouped - fea[:, :, :, None]         # subtract center feature
    w = jnp.einsum('oi,bink->bonk', W, grouped_r)    # 1x1 conv2d W
    a = jnp.einsum('oc,bcnk->bonk', altha, w)        # 1x1 conv2d altha -> [B,1,N,K]
    weight = jax.nn.softmax(a, axis=-1)
    gf = jnp.einsum('oi,bink->bonk', W, grouped)
    gf = weight * gf
    new_fea = jnp.sum(gf, axis=-1)                   # [B, Cout, N]
    out = jnp.einsum('oi,bin->bon', mlp_w, new_fea) + mlp_b[None, :, None]
    return jax.nn.relu(out)

if __name__ == "__main__":
    import jax
    _d = setup_inputs()
    print(jax.jit(kernel)(*tuple(_d.values())))

</pallas_src>

<mosaic_0001>
#map = affine_map<(d0, d1) -> (0, 0)>
#map1 = affine_map<(d0, d1) -> (0)>
module attributes {stable_mosaic.version = 14 : i64} {
  func.func @sc_fn(%arg0: i32, %arg1: i32, %arg2: memref<4x65536xf32, #tpu.memory_space<hbm>>, %arg3: memref<4x2048xf32, #tpu.memory_space<hbm>>, %arg4: memref<32x16384xi32, #tpu.memory_space<hbm>>, %arg5: memref<512xf32, #tpu.memory_space<hbm>>, %arg6: memref<32x8192xf32, #tpu.memory_space<hbm>>, %arg7: memref<65536xf32, #tpu.memory_space<vmem>>, %arg8: memref<2048xf32, #tpu.memory_space<vmem>>, %arg9: memref<16384xi32, #tpu.memory_space<vmem>>, %arg10: memref<1024xf32, #tpu.memory_space<vmem>>, %arg11: memref<1024xf32, #tpu.memory_space<vmem>>, %arg12: memref<512xf32, #tpu.memory_space<vmem>>, %arg13: memref<8192xf32, #tpu.memory_space<vmem>>) attributes {dimension_semantics = [#tpu.dimension_semantics<core_parallel>, #tpu.dimension_semantics<subcore_parallel>], iteration_bounds = array<i64: 2, 16>, scalar_prefetch = 0 : i64, scratch_operands = 7 : i64, tpu.core_type = #tpu.core_type<sc_vector_subcore>, window_params = [{transform_indices = #map}, {transform_indices = #map}, {transform_indices = #map}, {transform_indices = #map1}, {transform_indices = #map}]} {
    %mul3A = arith.constant 2 : i32
    %mul3A_0 = arith.muli %arg1, %mul3A : i32
    %add3A = arith.addi %mul3A_0, %arg0 : i32
    %jit3A = arith.constant 8 : i32
    %div3A = arith.divsi %add3A, %jit3A : i32
    %sign3A = arith.constant 0 : i32
    %sign3A_1 = arith.cmpi sgt, %add3A, %sign3A : i32
    %sign3A_2 = arith.extui %sign3A_1 : i1 to i32
    %sign3A_3 = arith.constant 0 : i32
    %sign3A_4 = arith.cmpi slt, %add3A, %sign3A_3 : i32
    %sign3A_5 = arith.extui %sign3A_4 : i1 to i32
    %sign3A_6 = arith.subi %sign3A_2, %sign3A_5 : i32
    %sign3A_7 = arith.constant 0 : i32
    %sign3A_8 = arith.cmpi sgt, %jit3A, %sign3A_7 : i32
    %sign3A_9 = arith.extui %sign3A_8 : i1 to i32
    %sign3A_10 = arith.constant 0 : i32
    %sign3A_11 = arith.cmpi slt, %jit3A, %sign3A_10 : i32
    %sign3A_12 = arith.extui %sign3A_11 : i1 to i32
    %sign3A_13 = arith.subi %sign3A_9, %sign3A_12 : i32
    %ne3A = arith.cmpi ne, %sign3A_6, %sign3A_13 : i32
    %rem3A = arith.remsi %add3A, %jit3A : i32
    %ne3A_14 = arith.constant 0 : i32
    %ne3A_15 = arith.cmpi ne, %rem3A, %ne3A_14 : i32
    %and3A = arith.andi %ne3A, %ne3A_15 : i1
    %sub3A = arith.constant 1 : i32
    %sub3A_16 = arith.subi %div3A, %sub3A : i32
    %select_n3A = arith.select %and3A, %sub3A_16, %div3A : i32
    "tpu.region"() ({
      %run_scoped3A = tpu.sem_alloc : memref<!tpu.dma_semaphore, #tpu.memory_space<semaphore_mem>>
      %dma_start3A = arith.constant 0 : i32
      %dma_start3A_22 = tpu.memref_slice %arg2[%select_n3A, %dma_start3A] : memref<4x65536xf32, #tpu.memory_space<hbm>> -> memref<1x65536xf32, #tpu.memory_space<hbm>>
      %dma_start3A_23 = tpu.memref_squeeze %dma_start3A_22 : memref<1x65536xf32, #tpu.memory_space<hbm>> -> memref<65536xf32, #tpu.memory_space<hbm>>
      %dma_start3A_24 = arith.constant 0 : i32
      %dma_start3A_25 = tpu.memref_slice %arg2[%select_n3A, %dma_start3A_24] : memref<4x65536xf32, #tpu.memory_space<hbm>> -> memref<1x65536xf32, #tpu.memory_space<hbm>>
      %dma_start3A_26 = tpu.memref_squeeze %dma_start3A_25 : memref<1x65536xf32, #tpu.memory_space<hbm>> -> memref<65536xf32, #tpu.memory_space<hbm>>
      tpu.enqueue_dma source(%dma_start3A_26 : memref<65536xf32, #tpu.memory_space<hbm>>) target(%arg7 : memref<65536xf32, #tpu.memory_space<vmem>>) target_semaphore(%run_scoped3A : memref<!tpu.dma_semaphore, #tpu.memory_space<semaphore_mem>>)
      %dma_wait3A = arith.constant 0 : i32
      %dma_wait3A_27 = tpu.memref_slice %arg2[%select_n3A, %dma_wait3A] : memref<4x65536xf32, #tpu.memory_space<hbm>> -> memref<1x65536xf32, #tpu.memory_space<hbm>>
      %dma_wait3A_28 = tpu.memref_squeeze %dma_wait3A_27 : memref<1x65536xf32, #tpu.memory_space<hbm>> -> memref<65536xf32, #tpu.memory_space<hbm>>
      %dma_wait3A_29 = arith.constant 0 : i32
      %dma_wait3A_30 = tpu.memref_slice %arg2[%select_n3A, %dma_wait3A_29] : memref<4x65536xf32, #tpu.memory_space<hbm>> -> memref<1x65536xf32, #tpu.memory_space<hbm>>
      %dma_wait3A_31 = tpu.memref_squeeze %dma_wait3A_30 : memref<1x65536xf32, #tpu.memory_space<hbm>> -> memref<65536xf32, #tpu.memory_space<hbm>>
      tpu.wait_dma2 semaphore(%run_scoped3A : memref<!tpu.dma_semaphore, #tpu.memory_space<semaphore_mem>>) src(%dma_wait3A_31 : memref<65536xf32, #tpu.memory_space<hbm>>) dst(%arg7 : memref<65536xf32, #tpu.memory_space<vmem>>)
      tpu.yield
    }) : () -> ()
    "tpu.region"() ({
      %run_scoped3A = tpu.sem_alloc : memref<!tpu.dma_semaphore, #tpu.memory_space<semaphore_mem>>
      %dma_start3A = arith.constant 0 : i32
      %dma_start3A_22 = tpu.memref_slice %arg3[%select_n3A, %dma_start3A] : memref<4x2048xf32, #tpu.memory_space<hbm>> -> memref<1x2048xf32, #tpu.memory_space<hbm>>
      %dma_start3A_23 = tpu.memref_squeeze %dma_start3A_22 : memref<1x2048xf32, #tpu.memory_space<hbm>> -> memref<2048xf32, #tpu.memory_space<hbm>>
      %dma_start3A_24 = arith.constant 0 : i32
      %dma_start3A_25 = tpu.memref_slice %arg3[%select_n3A, %dma_start3A_24] : memref<4x2048xf32, #tpu.memory_space<hbm>> -> memref<1x2048xf32, #tpu.memory_space<hbm>>
      %dma_start3A_26 = tpu.memref_squeeze %dma_start3A_25 : memref<1x2048xf32, #tpu.memory_space<hbm>> -> memref<2048xf32, #tpu.memory_space<hbm>>
      tpu.enqueue_dma source(%dma_start3A_26 : memref<2048xf32, #tpu.memory_space<hbm>>) target(%arg8 : memref<2048xf32, #tpu.memory_space<vmem>>) target_semaphore(%run_scoped3A : memref<!tpu.dma_semaphore, #tpu.memory_space<semaphore_mem>>)
      %dma_wait3A = arith.constant 0 : i32
      %dma_wait3A_27 = tpu.memref_slice %arg3[%select_n3A, %dma_wait3A] : memref<4x2048xf32, #tpu.memory_space<hbm>> -> memref<1x2048xf32, #tpu.memory_space<hbm>>
      %dma_wait3A_28 = tpu.memref_squeeze %dma_wait3A_27 : memref<1x2048xf32, #tpu.memory_space<hbm>> -> memref<2048xf32, #tpu.memory_space<hbm>>
      %dma_wait3A_29 = arith.constant 0 : i32
      %dma_wait3A_30 = tpu.memref_slice %arg3[%select_n3A, %dma_wait3A_29] : memref<4x2048xf32, #tpu.memory_space<hbm>> -> memref<1x2048xf32, #tpu.memory_space<hbm>>
      %dma_wait3A_31 = tpu.memref_squeeze %dma_wait3A_30 : memref<1x2048xf32, #tpu.memory_space<hbm>> -> memref<2048xf32, #tpu.memory_space<hbm>>
      tpu.wait_dma2 semaphore(%run_scoped3A : memref<!tpu.dma_semaphore, #tpu.memory_space<semaphore_mem>>) src(%dma_wait3A_31 : memref<2048xf32, #tpu.memory_space<hbm>>) dst(%arg8 : memref<2048xf32, #tpu.memory_space<vmem>>)
      tpu.yield
    }) : () -> ()
    "tpu.region"() ({
      %run_scoped3A = tpu.sem_alloc : memref<!tpu.dma_semaphore, #tpu.memory_space<semaphore_mem>>
      %dma_start3A = arith.constant 0 : i32
      %dma_start3A_22 = tpu.memref_slice %arg4[%add3A, %dma_start3A] : memref<32x16384xi32, #tpu.memory_space<hbm>> -> memref<1x16384xi32, #tpu.memory_space<hbm>>
      %dma_start3A_23 = tpu.memref_squeeze %dma_start3A_22 : memref<1x16384xi32, #tpu.memory_space<hbm>> -> memref<16384xi32, #tpu.memory_space<hbm>>
      %dma_start3A_24 = arith.constant 0 : i32
      %dma_start3A_25 = tpu.memref_slice %arg4[%add3A, %dma_start3A_24] : memref<32x16384xi32, #tpu.memory_space<hbm>> -> memref<1x16384xi32, #tpu.memory_space<hbm>>
      %dma_start3A_26 = tpu.memref_squeeze %dma_start3A_25 : memref<1x16384xi32, #tpu.memory_space<hbm>> -> memref<16384xi32, #tpu.memory_space<hbm>>
      tpu.enqueue_dma source(%dma_start3A_26 : memref<16384xi32, #tpu.memory_space<hbm>>) target(%arg9 : memref<16384xi32, #tpu.memory_space<vmem>>) target_semaphore(%run_scoped3A : memref<!tpu.dma_semaphore, #tpu.memory_space<semaphore_mem>>)
      %dma_wait3A = arith.constant 0 : i32
      %dma_wait3A_27 = tpu.memref_slice %arg4[%add3A, %dma_wait3A] : memref<32x16384xi32, #tpu.memory_space<hbm>> -> memref<1x16384xi32, #tpu.memory_space<hbm>>
      %dma_wait3A_28 = tpu.memref_squeeze %dma_wait3A_27 : memref<1x16384xi32, #tpu.memory_space<hbm>> -> memref<16384xi32, #tpu.memory_space<hbm>>
      %dma_wait3A_29 = arith.constant 0 : i32
      %dma_wait3A_30 = tpu.memref_slice %arg4[%add3A, %dma_wait3A_29] : memref<32x16384xi32, #tpu.memory_space<hbm>> -> memref<1x16384xi32, #tpu.memory_space<hbm>>
      %dma_wait3A_31 = tpu.memref_squeeze %dma_wait3A_30 : memref<1x16384xi32, #tpu.memory_space<hbm>> -> memref<16384xi32, #tpu.memory_space<hbm>>
      tpu.wait_dma2 semaphore(%run_scoped3A : memref<!tpu.dma_semaphore, #tpu.memory_space<semaphore_mem>>) src(%dma_wait3A_31 : memref<16384xi32, #tpu.memory_space<hbm>>) dst(%arg9 : memref<16384xi32, #tpu.memory_space<vmem>>)
      tpu.yield
    }) : () -> ()
    "tpu.region"() ({
      %run_scoped3A = tpu.sem_alloc : memref<!tpu.dma_semaphore, #tpu.memory_space<semaphore_mem>>
      tpu.enqueue_dma source(%arg5 : memref<512xf32, #tpu.memory_space<hbm>>) target(%arg12 : memref<512xf32, #tpu.memory_space<vmem>>) target_semaphore(%run_scoped3A : memref<!tpu.dma_semaphore, #tpu.memory_space<semaphore_mem>>)
      tpu.wait_dma2 semaphore(%run_scoped3A : memref<!tpu.dma_semaphore, #tpu.memory_space<semaphore_mem>>) src(%arg5 : memref<512xf32, #tpu.memory_space<hbm>>) dst(%arg12 : memref<512xf32, #tpu.memory_space<vmem>>)
      tpu.yield
    }) : () -> ()
    %scan3A = arith.constant 0 : i32
    %scan3A_17 = arith.constant 0 : i32
    %scan3A_18 = arith.constant 16 : i32
    %scan3A_19 = arith.addi %scan3A_17, %scan3A_18 : i32
    %scan3A_20 = arith.constant 1 : i32
    scf.for %scan3A_22 = %scan3A_17 to %scan3A_19 step %scan3A_20  : i32 {
      %broadcast_in_dim3A = arith.constant 0xFF800000 : f32
      %broadcast_in_dim3A_23 = vector.broadcast %broadcast_in_dim3A : f32 to vector<16xf32>
      %scan3A_24 = arith.constant 0 : i32
      %scan3A_25 = arith.constant 64 : i32
      %scan3A_26 = arith.addi %scan3A_24, %scan3A_25 : i32
      %scan3A_27 = arith.constant 1 : i32
      %scan3A_28 = scf.for %scan3A_530 = %scan3A_24 to %scan3A_26 step %scan3A_27 iter_args(%scan3A_531 = %broadcast_in_dim3A_23) -> (vector<16xf32>)  : i32 {
        %mul3A_532 = arith.constant 256 : i32
        %mul3A_533 = arith.muli %scan3A_530, %mul3A_532 : i32
        %mul3A_534 = arith.constant 16 : i32
        %mul3A_535 = arith.muli %scan3A_22, %mul3A_534 : i32
        %add3A_536 = arith.addi %mul3A_533, %mul3A_535 : i32
        %get3A_537 = arith.index_cast %add3A_536 : i32 to index
        %get3A_538 = tpu.vector_load %arg9[%get3A_537] {strides = array<i32>} : memref<16384xi32, #tpu.memory_space<vmem>>, vector<16xi32>,
        %gather3A = tpu.vector_load_idx %arg8[%get3A_538] : memref<2048xf32, #tpu.memory_space<vmem>>[vector<16xi32>], vector<16xf32>,
        %mul3A_539 = arith.constant 16 : i32
        %mul3A_540 = arith.muli %scan3A_530, %mul3A_539 : i32
        %swap3A_541 = arith.index_cast %mul3A_540 : i32 to index
        %swap3A_542 = tpu.vector_load %arg10[%swap3A_541] {strides = array<i32>} : memref<1024xf32, #tpu.memory_space<vmem>>, vector<16xf32>,
        tpu.vector_store %arg10[%swap3A_541], %gather3A {strides = array<i32>} : memref<1024xf32, #tpu.memory_space<vmem>>, vector<16xf32>,
        %max3A_543 = arith.maximumf %scan3A_531, %gather3A : vector<16xf32>
        scf.yield %max3A_543 : vector<16xf32>
      }
      %scan3A_29 = arith.constant 64 : i32
      %broadcast_in_dim3A_30 = arith.constant 0.000000e+00 : f32
      %broadcast_in_dim3A_31 = vector.broadcast %broadcast_in_dim3A_30 : f32 to vector<16xf32>
      %scan3A_32 = arith.constant 0 : i32
      %scan3A_33 = arith.constant 64 : i32
      %scan3A_34 = arith.addi %scan3A_32, %scan3A_33 : i32
      %scan3A_35 = arith.constant 1 : i32
      %scan3A_36 = scf.for %scan3A_530 = %scan3A_32 to %scan3A_34 step %scan3A_35 iter_args(%scan3A_531 = %broadcast_in_dim3A_31) -> (vector<16xf32>)  : i32 {
        %mul3A_532 = arith.constant 16 : i32
        %mul3A_533 = arith.muli %scan3A_530, %mul3A_532 : i32
        %get3A_534 = arith.index_cast %mul3A_533 : i32 to index
        %get3A_535 = tpu.vector_load %arg10[%get3A_534] {strides = array<i32>} : memref<1024xf32, #tpu.memory_space<vmem>>, vector<16xf32>,
        %sub3A_536 = arith.subf %get3A_535, %scan3A_28 : vector<16xf32>
        %exp3A = math.exp %sub3A_536 : vector<16xf32>
        %mul3A_537 = arith.constant 16 : i32
        %mul3A_538 = arith.muli %scan3A_530, %mul3A_537 : i32
        %swap3A_539 = arith.index_cast %mul3A_538 : i32 to index
        %swap3A_540 = tpu.vector_load %arg11[%swap3A_539] {strides = array<i32>} : memref<1024xf32, #tpu.memory_space<vmem>>, vector<16xf32>,
        tpu.vector_store %arg11[%swap3A_539], %exp3A {strides = array<i32>} : memref<1024xf32, #tpu.memory_space<vmem>>, vector<16xf32>,
        %add3A_541 = arith.addf %scan3A_531, %exp3A : vector<16xf32>
        scf.yield %add3A_541 : vector<16xf32>
      }
      %scan3A_37 = arith.constant 64 : i32
      %div3A_38 = arith.constant 1.000000e+00 : f32
      %div3A_39 = vector.broadcast %div3A_38 : f32 to vector<16xf32>
      %div3A_40 = arith.divf %div3A_39, %scan3A_36 : vector<16xf32>
      %broadcast_in_dim3A_41 = arith.constant 0.000000e+00 : f32
      %broadcast_in_dim3A_42 = vector.broadcast %broadcast_in_dim3A_41 : f32 to vector<16xf32>
      %broadcast_in_dim3A_43 = arith.constant 0.000000e+00 : f32
      %broadcast_in_dim3A_44 = vector.broadcast %broadcast_in_dim3A_43 : f32 to vector<16xf32>
      %broadcast_in_dim3A_45 = arith.constant 0.000000e+00 : f32
      %broadcast_in_dim3A_46 = vector.broadcast %broadcast_in_dim3A_45 : f32 to vector<16xf32>
      %broadcast_in_dim3A_47 = arith.constant 0.000000e+00 : f32
      %broadcast_in_dim3A_48 = vector.broadcast %broadcast_in_dim3A_47 : f32 to vector<16xf32>
      %broadcast_in_dim3A_49 = arith.constant 0.000000e+00 : f32
      %broadcast_in_dim3A_50 = vector.broadcast %broadcast_in_dim3A_49 : f32 to vector<16xf32>
      %broadcast_in_dim3A_51 = arith.constant 0.000000e+00 : f32
      %broadcast_in_dim3A_52 = vector.broadcast %broadcast_in_dim3A_51 : f32 to vector<16xf32>
      %broadcast_in_dim3A_53 = arith.constant 0.000000e+00 : f32
      %broadcast_in_dim3A_54 = vector.broadcast %broadcast_in_dim3A_53 : f32 to vector<16xf32>
      %broadcast_in_dim3A_55 = arith.constant 0.000000e+00 : f32
      %broadcast_in_dim3A_56 = vector.broadcast %broadcast_in_dim3A_55 : f32 to vector<16xf32>
      %broadcast_in_dim3A_57 = arith.constant 0.000000e+00 : f32
      %broadcast_in_dim3A_58 = vector.broadcast %broadcast_in_dim3A_57 : f32 to vector<16xf32>
      %broadcast_in_dim3A_59 = arith.constant 0.000000e+00 : f32
      %broadcast_in_dim3A_60 = vector.broadcast %broadcast_in_dim3A_59 : f32 to vector<16xf32>
      %broadcast_in_dim3A_61 = arith.constant 0.000000e+00 : f32
      %broadcast_in_dim3A_62 = vector.broadcast %broadcast_in_dim3A_61 : f32 to vector<16xf32>
      %broadcast_in_dim3A_63 = arith.constant 0.000000e+00 : f32
      %broadcast_in_dim3A_64 = vector.broadcast %broadcast_in_dim3A_63 : f32 to vector<16xf32>
      %broadcast_in_dim3A_65 = arith.constant 0.000000e+00 : f32
      %broadcast_in_dim3A_66 = vector.broadcast %broadcast_in_dim3A_65 : f32 to vector<16xf32>
      %broadcast_in_dim3A_67 = arith.constant 0.000000e+00 : f32
      %broadcast_in_dim3A_68 = vector.broadcast %broadcast_in_dim3A_67 : f32 to vector<16xf32>
      %broadcast_in_dim3A_69 = arith.constant 0.000000e+00 : f32
      %broadcast_in_dim3A_70 = vector.broadcast %broadcast_in_dim3A_69 : f32 to vector<16xf32>
      %broadcast_in_dim3A_71 = arith.constant 0.000000e+00 : f32
      %broadcast_in_dim3A_72 = vector.broadcast %broadcast_in_dim3A_71 : f32 to vector<16xf32>
      %scan3A_73 = arith.constant 0 : i32
      %scan3A_74 = arith.constant 64 : i32
      %scan3A_75 = arith.addi %scan3A_73, %scan3A_74 : i32
      %scan3A_76 = arith.constant 1 : i32
      %scan3A_77:16 = scf.for %scan3A_530 = %scan3A_73 to %scan3A_75 step %scan3A_76 iter_args(%scan3A_531 = %broadcast_in_dim3A_42, %scan3A_532 = %broadcast_in_dim3A_44, %scan3A_533 = %broadcast_in_dim3A_46, %scan3A_534 = %broadcast_in_dim3A_48, %scan3A_535 = %broadcast_in_dim3A_50, %scan3A_536 = %broadcast_in_dim3A_52, %scan3A_537 = %broadcast_in_dim3A_54, %scan3A_538 = %broadcast_in_dim3A_56, %scan3A_539 = %broadcast_in_dim3A_58, %scan3A_540 = %broadcast_in_dim3A_60, %scan3A_541 = %broadcast_in_dim3A_62, %scan3A_542 = %broadcast_in_dim3A_64, %scan3A_543 = %broadcast_in_dim3A_66, %scan3A_544 = %broadcast_in_dim3A_68, %scan3A_545 = %broadcast_in_dim3A_70, %scan3A_546 = %broadcast_in_dim3A_72) -> (vector<16xf32>, vector<16xf32>, vector<16xf32>, vector<16xf32>, vector<16xf32>, vector<16xf32>, vector<16xf32>, vector<16xf32>, vector<16xf32>, vector<16xf32>, vector<16xf32>, vector<16xf32>, vector<16xf32>, vector<16xf32>, vector<16xf32>, vector<16xf32>)  : i32 {
        %mul3A_547 = arith.constant 256 : i32
        %mul3A_548 = arith.muli %scan3A_530, %mul3A_547 : i32
        %mul3A_549 = arith.constant 16 : i32
        %mul3A_550 = arith.muli %scan3A_22, %mul3A_549 : i32
        %add3A_551 = arith.addi %mul3A_548, %mul3A_550 : i32
        %get3A_552 = arith.index_cast %add3A_551 : i32 to index
        %get3A_553 = tpu.vector_load %arg9[%get3A_552] {strides = array<i32>} : memref<16384xi32, #tpu.memory_space<vmem>>, vector<16xi32>,
        %mul3A_554 = arith.constant 16 : i32
        %mul3A_555 = arith.muli %scan3A_530, %mul3A_554 : i32
        %get3A_556 = arith.index_cast %mul3A_555 : i32 to index
        %get3A_557 = tpu.vector_load %arg11[%get3A_556] {strides = array<i32>} : memref<1024xf32, #tpu.memory_space<vmem>>, vector<16xf32>,
        %add3A_558 = arith.constant 0 : i32
        %add3A_559 = vector.broadcast %add3A_558 : i32 to vector<16xi32>
        %add3A_560 = arith.addi %get3A_553, %add3A_559 : vector<16xi32>
        %gather3A = tpu.vector_load_idx %arg7[%add3A_560] : memref<65536xf32, #tpu.memory_space<vmem>>[vector<16xi32>], vector<16xf32>,
        %mul3A_561 = arith.mulf %get3A_557, %gather3A : vector<16xf32>
        %add3A_562 = arith.addf %scan3A_531, %mul3A_561 : vector<16xf32>
        %add3A_563 = arith.constant 2048 : i32
        %add3A_564 = vector.broadcast %add3A_563 : i32 to vector<16xi32>
        %add3A_565 = arith.addi %get3A_553, %add3A_564 : vector<16xi32>
        %gather3A_566 = tpu.vector_load_idx %arg7[%add3A_565] : memref<65536xf32, #tpu.memory_space<vmem>>[vector<16xi32>], vector<16xf32>,
        %mul3A_567 = arith.mulf %get3A_557, %gather3A_566 : vector<16xf32>
        %add3A_568 = arith.addf %scan3A_532, %mul3A_567 : vector<16xf32>
        %add3A_569 = arith.constant 4096 : i32
        %add3A_570 = vector.broadcast %add3A_569 : i32 to vector<16xi32>
        %add3A_571 = arith.addi %get3A_553, %add3A_570 : vector<16xi32>
        %gather3A_572 = tpu.vector_load_idx %arg7[%add3A_571] : memref<65536xf32, #tpu.memory_space<vmem>>[vector<16xi32>], vector<16xf32>,
        %mul3A_573 = arith.mulf %get3A_557, %gather3A_572 : vector<16xf32>
        %add3A_574 = arith.addf %scan3A_533, %mul3A_573 : vector<16xf32>
        %add3A_575 = arith.constant 6144 : i32
        %add3A_576 = vector.broadcast %add3A_575 : i32 to vector<16xi32>
        %add3A_577 = arith.addi %get3A_553, %add3A_576 : vector<16xi32>
        %gather3A_578 = tpu.vector_load_idx %arg7[%add3A_577] : memref<65536xf32, #tpu.memory_space<vmem>>[vector<16xi32>], vector<16xf32>,
        %mul3A_579 = arith.mulf %get3A_557, %gather3A_578 : vector<16xf32>
        %add3A_580 = arith.addf %scan3A_534, %mul3A_579 : vector<16xf32>
        %add3A_581 = arith.constant 8192 : i32
        %add3A_582 = vector.broadcast %add3A_581 : i32 to vector<16xi32>
        %add3A_583 = arith.addi %get3A_553, %add3A_582 : vector<16xi32>
        %gather3A_584 = tpu.vector_load_idx %arg7[%add3A_583] : memref<65536xf32, #tpu.memory_space<vmem>>[vector<16xi32>], vector<16xf32>,
        %mul3A_585 = arith.mulf %get3A_557, %gather3A_584 : vector<16xf32>
        %add3A_586 = arith.addf %scan3A_535, %mul3A_585 : vector<16xf32>
        %add3A_587 = arith.constant 10240 : i32
        %add3A_588 = vector.broadcast %add3A_587 : i32 to vector<16xi32>
        %add3A_589 = arith.addi %get3A_553, %add3A_588 : vector<16xi32>
        %gather3A_590 = tpu.vector_load_idx %arg7[%add3A_589] : memref<65536xf32, #tpu.memory_space<vmem>>[vector<16xi32>], vector<16xf32>,
        %mul3A_591 = arith.mulf %get3A_557, %gather3A_590 : vector<16xf32>
        %add3A_592 = arith.addf %scan3A_536, %mul3A_591 : vector<16xf32>
        %add3A_593 = arith.constant 12288 : i32
        %add3A_594 = vector.broadcast %add3A_593 : i32 to vector<16xi32>
        %add3A_595 = arith.addi %get3A_553, %add3A_594 : vector<16xi32>
        %gather3A_596 = tpu.vector_load_idx %arg7[%add3A_595] : memref<65536xf32, #tpu.memory_space<vmem>>[vector<16xi32>], vector<16xf32>,
        %mul3A_597 = arith.mulf %get3A_557, %gather3A_596 : vector<16xf32>
        %add3A_598 = arith.addf %scan3A_537, %mul3A_597 : vector<16xf32>
        %add3A_599 = arith.constant 14336 : i32
        %add3A_600 = vector.broadcast %add3A_599 : i32 to vector<16xi32>
        %add3A_601 = arith.addi %get3A_553, %add3A_600 : vector<16xi32>
        %gather3A_602 = tpu.vector_load_idx %arg7[%add3A_601] : memref<65536xf32, #tpu.memory_space<vmem>>[vector<16xi32>], vector<16xf32>,
        %mul3A_603 = arith.mulf %get3A_557, %gather3A_602 : vector<16xf32>
        %add3A_604 = arith.addf %scan3A_538, %mul3A_603 : vector<16xf32>
        %add3A_605 = arith.constant 16384 : i32
        %add3A_606 = vector.broadcast %add3A_605 : i32 to vector<16xi32>
        %add3A_607 = arith.addi %get3A_553, %add3A_606 : vector<16xi32>
        %gather3A_608 = tpu.vector_load_idx %arg7[%add3A_607] : memref<65536xf32, #tpu.memory_space<vmem>>[vector<16xi32>], vector<16xf32>,
        %mul3A_609 = arith.mulf %get3A_557, %gather3A_608 : vector<16xf32>
        %add3A_610 = arith.addf %scan3A_539, %mul3A_609 : vector<16xf32>
        %add3A_611 = arith.constant 18432 : i32
        %add3A_612 = vector.broadcast %add3A_611 : i32 to vector<16xi32>
        %add3A_613 = arith.addi %get3A_553, %add3A_612 : vector<16xi32>
        %gather3A_614 = tpu.vector_load_idx %arg7[%add3A_613] : memref<65536xf32, #tpu.memory_space<vmem>>[vector<16xi32>], vector<16xf32>,
        %mul3A_615 = arith.mulf %get3A_557, %gather3A_614 : vector<16xf32>
        %add3A_616 = arith.addf %scan3A_540, %mul3A_615 : vector<16xf32>
        %add3A_617 = arith.constant 20480 : i32
        %add3A_618 = vector.broadcast %add3A_617 : i32 to vector<16xi32>
        %add3A_619 = arith.addi %get3A_553, %add3A_618 : vector<16xi32>
        %gather3A_620 = tpu.vector_load_idx %arg7[%add3A_619] : memref<65536xf32, #tpu.memory_space<vmem>>[vector<16xi32>], vector<16xf32>,
        %mul3A_621 = arith.mulf %get3A_557, %gather3A_620 : vector<16xf32>
        %add3A_622 = arith.addf %scan3A_541, %mul3A_621 : vector<16xf32>
        %add3A_623 = arith.constant 22528 : i32
        %add3A_624 = vector.broadcast %add3A_623 : i32 to vector<16xi32>
        %add3A_625 = arith.addi %get3A_553, %add3A_624 : vector<16xi32>
        %gather3A_626 = tpu.vector_load_idx %arg7[%add3A_625] : memref<65536xf32, #tpu.memory_space<vmem>>[vector<16xi32>], vector<16xf32>,
        %mul3A_627 = arith.mulf %get3A_557, %gather3A_626 : vector<16xf32>
        %add3A_628 = arith.addf %scan3A_542, %mul3A_627 : vector<16xf32>
        %add3A_629 = arith.constant 24576 : i32
        %add3A_630 = vector.broadcast %add3A_629 : i32 to vector<16xi32>
        %add3A_631 = arith.addi %get3A_553, %add3A_630 : vector<16xi32>
        %gather3A_632 = tpu.vector_load_idx %arg7[%add3A_631] : memref<65536xf32, #tpu.memory_space<vmem>>[vector<16xi32>], vector<16xf32>,
        %mul3A_633 = arith.mulf %get3A_557, %gather3A_632 : vector<16xf32>
        %add3A_634 = arith.addf %scan3A_543, %mul3A_633 : vector<16xf32>
        %add3A_635 = arith.constant 26624 : i32
        %add3A_636 = vector.broadcast %add3A_635 : i32 to vector<16xi32>
        %add3A_637 = arith.addi %get3A_553, %add3A_636 : vector<16xi32>
        %gather3A_638 = tpu.vector_load_idx %arg7[%add3A_637] : memref<65536xf32, #tpu.memory_space<vmem>>[vector<16xi32>], vector<16xf32>,
        %mul3A_639 = arith.mulf %get3A_557, %gather3A_638 : vector<16xf32>
        %add3A_640 = arith.addf %scan3A_544, %mul3A_639 : vector<16xf32>
        %add3A_641 = arith.constant 28672 : i32
        %add3A_642 = vector.broadcast %add3A_641 : i32 to vector<16xi32>
        %add3A_643 = arith.addi %get3A_553, %add3A_642 : vector<16xi32>
        %gather3A_644 = tpu.vector_load_idx %arg7[%add3A_643] : memref<65536xf32, #tpu.memory_space<vmem>>[vector<16xi32>], vector<16xf32>,
        %mul3A_645 = arith.mulf %get3A_557, %gather3A_644 : vector<16xf32>
        %add3A_646 = arith.addf %scan3A_545, %mul3A_645 : vector<16xf32>
        %add3A_647 = arith.constant 30720 : i32
        %add3A_648 = vector.broadcast %add3A_647 : i32 to vector<16xi32>
        %add3A_649 = arith.addi %get3A_553, %add3A_648 : vector<16xi32>
        %gather3A_650 = tpu.vector_load_idx %arg7[%add3A_649] : memref<65536xf32, #tpu.memory_space<vmem>>[vector<16xi32>], vector<16xf32>,
        %mul3A_651 = arith.mulf %get3A_557, %gather3A_650 : vector<16xf32>
        %add3A_652 = arith.addf %scan3A_546, %mul3A_651 : vector<16xf32>
        scf.yield %add3A_562, %add3A_568, %add3A_574, %add3A_580, %add3A_586, %add3A_592, %add3A_598, %add3A_604, %add3A_610, %add3A_616, %add3A_622, %add3A_628, %add3A_634, %add3A_640, %add3A_646, %add3A_652 : vector<16xf32>, vector<16xf32>, vector<16xf32>, vector<16xf32>, vector<16xf32>, vector<16xf32>, vector<16xf32>, vector<16xf32>, vector<16xf32>, vector<16xf32>, vector<16xf32>, vector<16xf32>, vector<16xf32>, vector<16xf32>, vector<16xf32>, vector<16xf32>
      }
      %scan3A_78 = arith.constant 64 : i32
      %get3A = arith.constant 0 : index
      %get3A_79 = tpu.vector_load %arg12[%get3A] {strides = array<i32>} : memref<512xf32, #tpu.memory_space<vmem>>, vector<16xf32>,
      %mul3A_80 = arith.mulf %scan3A_77#0, %div3A_40 : vector<16xf32>
      %add3A_81 = arith.addf %mul3A_80, %get3A_79 : vector<16xf32>
      %max3A = arith.constant 0.000000e+00 : f32
      %max3A_82 = vector.broadcast %max3A : f32 to vector<16xf32>
      %max3A_83 = arith.maximumf %add3A_81, %max3A_82 : vector<16xf32>
      %mul3A_84 = arith.constant 16 : i32
      %mul3A_85 = arith.muli %scan3A_22, %mul3A_84 : i32
      %add3A_86 = arith.constant 0 : i32
      %add3A_87 = arith.addi %add3A_86, %mul3A_85 : i32
      %swap3A = arith.index_cast %add3A_87 : i32 to index
      %swap3A_88 = tpu.vector_load %arg13[%swap3A] {strides = array<i32>} : memref<8192xf32, #tpu.memory_space<vmem>>, vector<16xf32>,
      tpu.vector_store %arg13[%swap3A], %max3A_83 {strides = array<i32>} : memref<8192xf32, #tpu.memory_space<vmem>>, vector<16xf32>,
      %get3A_89 = arith.constant 16 : index
      %get3A_90 = tpu.vector_load %arg12[%get3A_89] {strides = array<i32>} : memref<512xf32, #tpu.memory_space<vmem>>, vector<16xf32>,
      %mul3A_91 = arith.mulf %scan3A_77#1, %div3A_40 : vector<16xf32>
      %add3A_92 = arith.addf %mul3A_91, %get3A_90 : vector<16xf32>
      %max3A_93 = arith.constant 0.000000e+00 : f32
      %max3A_94 = vector.broadcast %max3A_93 : f32 to vector<16xf32>
      %max3A_95 = arith.maximumf %add3A_92, %max3A_94 : vector<16xf32>
      %mul3A_96 = arith.constant 16 : i32
      %mul3A_97 = arith.muli %scan3A_22, %mul3A_96 : i32
      %add3A_98 = arith.constant 256 : i32
      %add3A_99 = arith.addi %add3A_98, %mul3A_97 : i32
      %swap3A_100 = arith.index_cast %add3A_99 : i32 to index
      %swap3A_101 = tpu.vector_load %arg13[%swap3A_100] {strides = array<i32>} : memref<8192xf32, #tpu.memory_space<vmem>>, vector<16xf32>,
      tpu.vector_store %arg13[%swap3A_100], %max3A_95 {strides = array<i32>} : memref<8192xf32, #tpu.memory_space<vmem>>, vector<16xf32>,
      %get3A_102 = arith.constant 32 : index
      %get3A_103 = tpu.vector_load %arg12[%get3A_102] {strides = array<i32>} : memref<512xf32, #tpu.memory_space<vmem>>, vector<16xf32>,
      %mul3A_104 = arith.mulf %scan3A_77#2, %div3A_40 : vector<16xf32>
      %add3A_105 = arith.addf %mul3A_104, %get3A_103 : vector<16xf32>
      %max3A_106 = arith.constant 0.000000e+00 : f32
      %max3A_107 = vector.broadcast %max3A_106 : f32 to vector<16xf32>
      %max3A_108 = arith.maximumf %add3A_105, %max3A_107 : vector<16xf32>
      %mul3A_109 = arith.constant 16 : i32
      %mul3A_110 = arith.muli %scan3A_22, %mul3A_109 : i32
      %add3A_111 = arith.constant 512 : i32
      %add3A_112 = arith.addi %add3A_111, %mul3A_110 : i32
      %swap3A_113 = arith.index_cast %add3A_112 : i32 to index
      %swap3A_114 = tpu.vector_load %arg13[%swap3A_113] {strides = array<i32>} : memref<8192xf32, #tpu.memory_space<vmem>>, vector<16xf32>,
      tpu.vector_store %arg13[%swap3A_113], %max3A_108 {strides = array<i32>} : memref<8192xf32, #tpu.memory_space<vmem>>, vector<16xf32>,
      %get3A_115 = arith.constant 48 : index
      %get3A_116 = tpu.vector_load %arg12[%get3A_115] {strides = array<i32>} : memref<512xf32, #tpu.memory_space<vmem>>, vector<16xf32>,
      %mul3A_117 = arith.mulf %scan3A_77#3, %div3A_40 : vector<16xf32>
      %add3A_118 = arith.addf %mul3A_117, %get3A_116 : vector<16xf32>
      %max3A_119 = arith.constant 0.000000e+00 : f32
      %max3A_120 = vector.broadcast %max3A_119 : f32 to vector<16xf32>
      %max3A_121 = arith.maximumf %add3A_118, %max3A_120 : vector<16xf32>
      %mul3A_122 = arith.constant 16 : i32
      %mul3A_123 = arith.muli %scan3A_22, %mul3A_122 : i32
      %add3A_124 = arith.constant 768 : i32
      %add3A_125 = arith.addi %add3A_124, %mul3A_123 : i32
      %swap3A_126 = arith.index_cast %add3A_125 : i32 to index
      %swap3A_127 = tpu.vector_load %arg13[%swap3A_126] {strides = array<i32>} : memref<8192xf32, #tpu.memory_space<vmem>>, vector<16xf32>,
      tpu.vector_store %arg13[%swap3A_126], %max3A_121 {strides = array<i32>} : memref<8192xf32, #tpu.memory_space<vmem>>, vector<16xf32>,
      %get3A_128 = arith.constant 64 : index
      %get3A_129 = tpu.vector_load %arg12[%get3A_128] {strides = array<i32>} : memref<512xf32, #tpu.memory_space<vmem>>, vector<16xf32>,
      %mul3A_130 = arith.mulf %scan3A_77#4, %div3A_40 : vector<16xf32>
      %add3A_131 = arith.addf %mul3A_130, %get3A_129 : vector<16xf32>
      %max3A_132 = arith.constant 0.000000e+00 : f32
      %max3A_133 = vector.broadcast %max3A_132 : f32 to vector<16xf32>
      %max3A_134 = arith.maximumf %add3A_131, %max3A_133 : vector<16xf32>
      %mul3A_135 = arith.constant 16 : i32
      %mul3A_136 = arith.muli %scan3A_22, %mul3A_135 : i32
      %add3A_137 = arith.constant 1024 : i32
      %add3A_138 = arith.addi %add3A_137, %mul3A_136 : i32
      %swap3A_139 = arith.index_cast %add3A_138 : i32 to index
      %swap3A_140 = tpu.vector_load %arg13[%swap3A_139] {strides = array<i32>} : memref<8192xf32, #tpu.memory_space<vmem>>, vector<16xf32>,
      tpu.vector_store %arg13[%swap3A_139], %max3A_134 {strides = array<i32>} : memref<8192xf32, #tpu.memory_space<vmem>>, vector<16xf32>,
      %get3A_141 = arith.constant 80 : index
      %get3A_142 = tpu.vector_load %arg12[%get3A_141] {strides = array<i32>} : memref<512xf32, #tpu.memory_space<vmem>>, vector<16xf32>,
      %mul3A_143 = arith.mulf %scan3A_77#5, %div3A_40 : vector<16xf32>
      %add3A_144 = arith.addf %mul3A_143, %get3A_142 : vector<16xf32>
      %max3A_145 = arith.constant 0.000000e+00 : f32
      %max3A_146 = vector.broadcast %max3A_145 : f32 to vector<16xf32>
      %max3A_147 = arith.maximumf %add3A_144, %max3A_146 : vector<16xf32>
      %mul3A_148 = arith.constant 16 : i32
      %mul3A_149 = arith.muli %scan3A_22, %mul3A_148 : i32
      %add3A_150 = arith.constant 1280 : i32
      %add3A_151 = arith.addi %add3A_150, %mul3A_149 : i32
      %swap3A_152 = arith.index_cast %add3A_151 : i32 to index
      %swap3A_153 = tpu.vector_load %arg13[%swap3A_152] {strides = array<i32>} : memref<8192xf32, #tpu.memory_space<vmem>>, vector<16xf32>,
      tpu.vector_store %arg13[%swap3A_152], %max3A_147 {strides = array<i32>} : memref<8192xf32, #tpu.memory_space<vmem>>, vector<16xf32>,
      %get3A_154 = arith.constant 96 : index
      %get3A_155 = tpu.vector_load %arg12[%get3A_154] {strides = array<i32>} : memref<512xf32, #tpu.memory_space<vmem>>, vector<16xf32>,
      %mul3A_156 = arith.mulf %scan3A_77#6, %div3A_40 : vector<16xf32>
      %add3A_157 = arith.addf %mul3A_156, %get3A_155 : vector<16xf32>
      %max3A_158 = arith.constant 0.000000e+00 : f32
      %max3A_159 = vector.broadcast %max3A_158 : f32 to vector<16xf32>
      %max3A_160 = arith.maximumf %add3A_157, %max3A_159 : vector<16xf32>
      %mul3A_161 = arith.constant 16 : i32
      %mul3A_162 = arith.muli %scan3A_22, %mul3A_161 : i32
      %add3A_163 = arith.constant 1536 : i32
      %add3A_164 = arith.addi %add3A_163, %mul3A_162 : i32
      %swap3A_165 = arith.index_cast %add3A_164 : i32 to index
      %swap3A_166 = tpu.vector_load %arg13[%swap3A_165] {strides = array<i32>} : memref<8192xf32, #tpu.memory_space<vmem>>, vector<16xf32>,
      tpu.vector_store %arg13[%swap3A_165], %max3A_160 {strides = array<i32>} : memref<8192xf32, #tpu.memory_space<vmem>>, vector<16xf32>,
      %get3A_167 = arith.constant 112 : index
      %get3A_168 = tpu.vector_load %arg12[%get3A_167] {strides = array<i32>} : memref<512xf32, #tpu.memory_space<vmem>>, vector<16xf32>,
      %mul3A_169 = arith.mulf %scan3A_77#7, %div3A_40 : vector<16xf32>
      %add3A_170 = arith.addf %mul3A_169, %get3A_168 : vector<16xf32>
      %max3A_171 = arith.constant 0.000000e+00 : f32
      %max3A_172 = vector.broadcast %max3A_171 : f32 to vector<16xf32>
      %max3A_173 = arith.maximumf %add3A_170, %max3A_172 : vector<16xf32>
      %mul3A_174 = arith.constant 16 : i32
      %mul3A_175 = arith.muli %scan3A_22, %mul3A_174 : i32
      %add3A_176 = arith.constant 1792 : i32
      %add3A_177 = arith.addi %add3A_176, %mul3A_175 : i32
      %swap3A_178 = arith.index_cast %add3A_177 : i32 to index
      %swap3A_179 = tpu.vector_load %arg13[%swap3A_178] {strides = array<i32>} : memref<8192xf32, #tpu.memory_space<vmem>>, vector<16xf32>,
      tpu.vector_store %arg13[%swap3A_178], %max3A_173 {strides = array<i32>} : memref<8192xf32, #tpu.memory_space<vmem>>, vector<16xf32>,
      %get3A_180 = arith.constant 128 : index
      %get3A_181 = tpu.vector_load %arg12[%get3A_180] {strides = array<i32>} : memref<512xf32, #tpu.memory_space<vmem>>, vector<16xf32>,
      %mul3A_182 = arith.mulf %scan3A_77#8, %div3A_40 : vector<16xf32>
      %add3A_183 = arith.addf %mul3A_182, %get3A_181 : vector<16xf32>
      %max3A_184 = arith.constant 0.000000e+00 : f32
      %max3A_185 = vector.broadcast %max3A_184 : f32 to vector<16xf32>
      %max3A_186 = arith.maximumf %add3A_183, %max3A_185 : vector<16xf32>
      %mul3A_187 = arith.constant 16 : i32
      %mul3A_188 = arith.muli %scan3A_22, %mul3A_187 : i32
      %add3A_189 = arith.constant 2048 : i32
      %add3A_190 = arith.addi %add3A_189, %mul3A_188 : i32
      %swap3A_191 = arith.index_cast %add3A_190 : i32 to index
      %swap3A_192 = tpu.vector_load %arg13[%swap3A_191] {strides = array<i32>} : memref<8192xf32, #tpu.memory_space<vmem>>, vector<16xf32>,
      tpu.vector_store %arg13[%swap3A_191], %max3A_186 {strides = array<i32>} : memref<8192xf32, #tpu.memory_space<vmem>>, vector<16xf32>,
      %get3A_193 = arith.constant 144 : index
      %get3A_194 = tpu.vector_load %arg12[%get3A_193] {strides = array<i32>} : memref<512xf32, #tpu.memory_space<vmem>>, vector<16xf32>,
      %mul3A_195 = arith.mulf %scan3A_77#9, %div3A_40 : vector<16xf32>
      %add3A_196 = arith.addf %mul3A_195, %get3A_194 : vector<16xf32>
      %max3A_197 = arith.constant 0.000000e+00 : f32
      %max3A_198 = vector.broadcast %max3A_197 : f32 to vector<16xf32>
      %max3A_199 = arith.maximumf %add3A_196, %max3A_198 : vector<16xf32>
      %mul3A_200 = arith.constant 16 : i32
      %mul3A_201 = arith.muli %scan3A_22, %mul3A_200 : i32
      %add3A_202 = arith.constant 2304 : i32
      %add3A_203 = arith.addi %add3A_202, %mul3A_201 : i32
      %swap3A_204 = arith.index_cast %add3A_203 : i32 to index
      %swap3A_205 = tpu.vector_load %arg13[%swap3A_204] {strides = array<i32>} : memref<8192xf32, #tpu.memory_space<vmem>>, vector<16xf32>,
      tpu.vector_store %arg13[%swap3A_204], %max3A_199 {strides = array<i32>} : memref<8192xf32, #tpu.memory_space<vmem>>, vector<16xf32>,
      %get3A_206 = arith.constant 160 : index
      %get3A_207 = tpu.vector_load %arg12[%get3A_206] {strides = array<i32>} : memref<512xf32, #tpu.memory_space<vmem>>, vector<16xf32>,
      %mul3A_208 = arith.mulf %scan3A_77#10, %div3A_40 : vector<16xf32>
      %add3A_209 = arith.addf %mul3A_208, %get3A_207 : vector<16xf32>
      %max3A_210 = arith.constant 0.000000e+00 : f32
      %max3A_211 = vector.broadcast %max3A_210 : f32 to vector<16xf32>
      %max3A_212 = arith.maximumf %add3A_209, %max3A_211 : vector<16xf32>
      %mul3A_213 = arith.constant 16 : i32
      %mul3A_214 = arith.muli %scan3A_22, %mul3A_213 : i32
      %add3A_215 = arith.constant 2560 : i32
      %add3A_216 = arith.addi %add3A_215, %mul3A_214 : i32
      %swap3A_217 = arith.index_cast %add3A_216 : i32 to index
      %swap3A_218 = tpu.vector_load %arg13[%swap3A_217] {strides = array<i32>} : memref<8192xf32, #tpu.memory_space<vmem>>, vector<16xf32>,
      tpu.vector_store %arg13[%swap3A_217], %max3A_212 {strides = array<i32>} : memref<8192xf32, #tpu.memory_space<vmem>>, vector<16xf32>,
      %get3A_219 = arith.constant 176 : index
      %get3A_220 = tpu.vector_load %arg12[%get3A_219] {strides = array<i32>} : memref<512xf32, #tpu.memory_space<vmem>>, vector<16xf32>,
      %mul3A_221 = arith.mulf %scan3A_77#11, %div3A_40 : vector<16xf32>
      %add3A_222 = arith.addf %mul3A_221, %get3A_220 : vector<16xf32>
      %max3A_223 = arith.constant 0.000000e+00 : f32
      %max3A_224 = vector.broadcast %max3A_223 : f32 to vector<16xf32>
      %max3A_225 = arith.maximumf %add3A_222, %max3A_224 : vector<16xf32>
      %mul3A_226 = arith.constant 16 : i32
      %mul3A_227 = arith.muli %scan3A_22, %mul3A_226 : i32
      %add3A_228 = arith.constant 2816 : i32
      %add3A_229 = arith.addi %add3A_228, %mul3A_227 : i32
      %swap3A_230 = arith.index_cast %add3A_229 : i32 to index
      %swap3A_231 = tpu.vector_load %arg13[%swap3A_230] {strides = array<i32>} : memref<8192xf32, #tpu.memory_space<vmem>>, vector<16xf32>,
      tpu.vector_store %arg13[%swap3A_230], %max3A_225 {strides = array<i32>} : memref<8192xf32, #tpu.memory_space<vmem>>, vector<16xf32>,
      %get3A_232 = arith.constant 192 : index
      %get3A_233 = tpu.vector_load %arg12[%get3A_232] {strides = array<i32>} : memref<512xf32, #tpu.memory_space<vmem>>, vector<16xf32>,
      %mul3A_234 = arith.mulf %scan3A_77#12, %div3A_40 : vector<16xf32>
      %add3A_235 = arith.addf %mul3A_234, %get3A_233 : vector<16xf32>
      %max3A_236 = arith.constant 0.000000e+00 : f32
      %max3A_237 = vector.broadcast %max3A_236 : f32 to vector<16xf32>
      %max3A_238 = arith.maximumf %add3A_235, %max3A_237 : vector<16xf32>
      %mul3A_239 = arith.constant 16 : i32
      %mul3A_240 = arith.muli %scan3A_22, %mul3A_239 : i32
      %add3A_241 = arith.constant 3072 : i32
      %add3A_242 = arith.addi %add3A_241, %mul3A_240 : i32
      %swap3A_243 = arith.index_cast %add3A_242 : i32 to index
      %swap3A_244 = tpu.vector_load %arg13[%swap3A_243] {strides = array<i32>} : memref<8192xf32, #tpu.memory_space<vmem>>, vector<16xf32>,
      tpu.vector_store %arg13[%swap3A_243], %max3A_238 {strides = array<i32>} : memref<8192xf32, #tpu.memory_space<vmem>>, vector<16xf32>,
      %get3A_245 = arith.constant 208 : index
      %get3A_246 = tpu.vector_load %arg12[%get3A_245] {strides = array<i32>} : memref<512xf32, #tpu.memory_space<vmem>>, vector<16xf32>,
      %mul3A_247 = arith.mulf %scan3A_77#13, %div3A_40 : vector<16xf32>
      %add3A_248 = arith.addf %mul3A_247, %get3A_246 : vector<16xf32>
      %max3A_249 = arith.constant 0.000000e+00 : f32
      %max3A_250 = vector.broadcast %max3A_249 : f32 to vector<16xf32>
      %max3A_251 = arith.maximumf %add3A_248, %max3A_250 : vector<16xf32>
      %mul3A_252 = arith.constant 16 : i32
      %mul3A_253 = arith.muli %scan3A_22, %mul3A_252 : i32
      %add3A_254 = arith.constant 3328 : i32
      %add3A_255 = arith.addi %add3A_254, %mul3A_253 : i32
      %swap3A_256 = arith.index_cast %add3A_255 : i32 to index
      %swap3A_257 = tpu.vector_load %arg13[%swap3A_256] {strides = array<i32>} : memref<8192xf32, #tpu.memory_space<vmem>>, vector<16xf32>,
      tpu.vector_store %arg13[%swap3A_256], %max3A_251 {strides = array<i32>} : memref<8192xf32, #tpu.memory_space<vmem>>, vector<16xf32>,
      %get3A_258 = arith.constant 224 : index
      %get3A_259 = tpu.vector_load %arg12[%get3A_258] {strides = array<i32>} : memref<512xf32, #tpu.memory_space<vmem>>, vector<16xf32>,
      %mul3A_260 = arith.mulf %scan3A_77#14, %div3A_40 : vector<16xf32>
      %add3A_261 = arith.addf %mul3A_260, %get3A_259 : vector<16xf32>
      %max3A_262 = arith.constant 0.000000e+00 : f32
      %max3A_263 = vector.broadcast %max3A_262 : f32 to vector<16xf32>
      %max3A_264 = arith.maximumf %add3A_261, %max3A_263 : vector<16xf32>
      %mul3A_265 = arith.constant 16 : i32
      %mul3A_266 = arith.muli %scan3A_22, %mul3A_265 : i32
      %add3A_267 = arith.constant 3584 : i32
      %add3A_268 = arith.addi %add3A_267, %mul3A_266 : i32
      %swap3A_269 = arith.index_cast %add3A_268 : i32 to index
      %swap3A_270 = tpu.vector_load %arg13[%swap3A_269] {strides = array<i32>} : memref<8192xf32, #tpu.memory_space<vmem>>, vector<16xf32>,
      tpu.vector_store %arg13[%swap3A_269], %max3A_264 {strides = array<i32>} : memref<8192xf32, #tpu.memory_space<vmem>>, vector<16xf32>,
      %get3A_271 = arith.constant 240 : index
      %get3A_272 = tpu.vector_load %arg12[%get3A_271] {strides = array<i32>} : memref<512xf32, #tpu.memory_space<vmem>>, vector<16xf32>,
      %mul3A_273 = arith.mulf %scan3A_77#15, %div3A_40 : vector<16xf32>
      %add3A_274 = arith.addf %mul3A_273, %get3A_272 : vector<16xf32>
      %max3A_275 = arith.constant 0.000000e+00 : f32
      %max3A_276 = vector.broadcast %max3A_275 : f32 to vector<16xf32>
      %max3A_277 = arith.maximumf %add3A_274, %max3A_276 : vector<16xf32>
      %mul3A_278 = arith.constant 16 : i32
      %mul3A_279 = arith.muli %scan3A_22, %mul3A_278 : i32
      %add3A_280 = arith.constant 3840 : i32
      %add3A_281 = arith.addi %add3A_280, %mul3A_279 : i32
      %swap3A_282 = arith.index_cast %add3A_281 : i32 to index
      %swap3A_283 = tpu.vector_load %arg13[%swap3A_282] {strides = array<i32>} : memref<8192xf32, #tpu.memory_space<vmem>>, vector<16xf32>,
      tpu.vector_store %arg13[%swap3A_282], %max3A_277 {strides = array<i32>} : memref<8192xf32, #tpu.memory_space<vmem>>, vector<16xf32>,
      %broadcast_in_dim3A_284 = arith.constant 0.000000e+00 : f32
      %broadcast_in_dim3A_285 = vector.broadcast %broadcast_in_dim3A_284 : f32 to vector<16xf32>
      %broadcast_in_dim3A_286 = arith.constant 0.000000e+00 : f32
      %broadcast_in_dim3A_287 = vector.broadcast %broadcast_in_dim3A_286 : f32 to vector<16xf32>
      %broadcast_in_dim3A_288 = arith.constant 0.000000e+00 : f32
      %broadcast_in_dim3A_289 = vector.broadcast %broadcast_in_dim3A_288 : f32 to vector<16xf32>
      %broadcast_in_dim3A_290 = arith.constant 0.000000e+00 : f32
      %broadcast_in_dim3A_291 = vector.broadcast %broadcast_in_dim3A_290 : f32 to vector<16xf32>
      %broadcast_in_dim3A_292 = arith.constant 0.000000e+00 : f32
      %broadcast_in_dim3A_293 = vector.broadcast %broadcast_in_dim3A_292 : f32 to vector<16xf32>
      %broadcast_in_dim3A_294 = arith.constant 0.000000e+00 : f32
      %broadcast_in_dim3A_295 = vector.broadcast %broadcast_in_dim3A_294 : f32 to vector<16xf32>
      %broadcast_in_dim3A_296 = arith.constant 0.000000e+00 : f32
      %broadcast_in_dim3A_297 = vector.broadcast %broadcast_in_dim3A_296 : f32 to vector<16xf32>
      %broadcast_in_dim3A_298 = arith.constant 0.000000e+00 : f32
      %broadcast_in_dim3A_299 = vector.broadcast %broadcast_in_dim3A_298 : f32 to vector<16xf32>
      %broadcast_in_dim3A_300 = arith.constant 0.000000e+00 : f32
      %broadcast_in_dim3A_301 = vector.broadcast %broadcast_in_dim3A_300 : f32 to vector<16xf32>
      %broadcast_in_dim3A_302 = arith.constant 0.000000e+00 : f32
      %broadcast_in_dim3A_303 = vector.broadcast %broadcast_in_dim3A_302 : f32 to vector<16xf32>
      %broadcast_in_dim3A_304 = arith.constant 0.000000e+00 : f32
      %broadcast_in_dim3A_305 = vector.broadcast %broadcast_in_dim3A_304 : f32 to vector<16xf32>
      %broadcast_in_dim3A_306 = arith.constant 0.000000e+00 : f32
      %broadcast_in_dim3A_307 = vector.broadcast %broadcast_in_dim3A_306 : f32 to vector<16xf32>
      %broadcast_in_dim3A_308 = arith.constant 0.000000e+00 : f32
      %broadcast_in_dim3A_309 = vector.broadcast %broadcast_in_dim3A_308 : f32 to vector<16xf32>
      %broadcast_in_dim3A_310 = arith.constant 0.000000e+00 : f32
      %broadcast_in_dim3A_311 = vector.broadcast %broadcast_in_dim3A_310 : f32 to vector<16xf32>
      %broadcast_in_dim3A_312 = arith.constant 0.000000e+00 : f32
      %broadcast_in_dim3A_313 = vector.broadcast %broadcast_in_dim3A_312 : f32 to vector<16xf32>
      %broadcast_in_dim3A_314 = arith.constant 0.000000e+00 : f32
      %broadcast_in_dim3A_315 = vector.broadcast %broadcast_in_dim3A_314 : f32 to vector<16xf32>
      %scan3A_316 = arith.constant 0 : i32
      %scan3A_317 = arith.constant 64 : i32
      %scan3A_318 = arith.addi %scan3A_316, %scan3A_317 : i32
      %scan3A_319 = arith.constant 1 : i32
      %scan3A_320:16 = scf.for %scan3A_530 = %scan3A_316 to %scan3A_318 step %scan3A_319 iter_args(%scan3A_531 = %broadcast_in_dim3A_285, %scan3A_532 = %broadcast_in_dim3A_287, %scan3A_533 = %broadcast_in_dim3A_289, %scan3A_534 = %broadcast_in_dim3A_291, %scan3A_535 = %broadcast_in_dim3A_293, %scan3A_536 = %broadcast_in_dim3A_295, %scan3A_537 = %broadcast_in_dim3A_297, %scan3A_538 = %broadcast_in_dim3A_299, %scan3A_539 = %broadcast_in_dim3A_301, %scan3A_540 = %broadcast_in_dim3A_303, %scan3A_541 = %broadcast_in_dim3A_305, %scan3A_542 = %broadcast_in_dim3A_307, %scan3A_543 = %broadcast_in_dim3A_309, %scan3A_544 = %broadcast_in_dim3A_311, %scan3A_545 = %broadcast_in_dim3A_313, %scan3A_546 = %broadcast_in_dim3A_315) -> (vector<16xf32>, vector<16xf32>, vector<16xf32>, vector<16xf32>, vector<16xf32>, vector<16xf32>, vector<16xf32>, vector<16xf32>, vector<16xf32>, vector<16xf32>, vector<16xf32>, vector<16xf32>, vector<16xf32>, vector<16xf32>, vector<16xf32>, vector<16xf32>)  : i32 {
        %mul3A_547 = arith.constant 256 : i32
        %mul3A_548 = arith.muli %scan3A_530, %mul3A_547 : i32
        %mul3A_549 = arith.constant 16 : i32
        %mul3A_550 = arith.muli %scan3A_22, %mul3A_549 : i32
        %add3A_551 = arith.addi %mul3A_548, %mul3A_550 : i32
        %get3A_552 = arith.index_cast %add3A_551 : i32 to index
        %get3A_553 = tpu.vector_load %arg9[%get3A_552] {strides = array<i32>} : memref<16384xi32, #tpu.memory_space<vmem>>, vector<16xi32>,
        %mul3A_554 = arith.constant 16 : i32
        %mul3A_555 = arith.muli %scan3A_530, %mul3A_554 : i32
        %get3A_556 = arith.index_cast %mul3A_555 : i32 to index
        %get3A_557 = tpu.vector_load %arg11[%get3A_556] {strides = array<i32>} : memref<1024xf32, #tpu.memory_space<vmem>>, vector<16xf32>,
        %add3A_558 = arith.constant 32768 : i32
        %add3A_559 = vector.broadcast %add3A_558 : i32 to vector<16xi32>
        %add3A_560 = arith.addi %get3A_553, %add3A_559 : vector<16xi32>
        %gather3A = tpu.vector_load_idx %arg7[%add3A_560] : memref<65536xf32, #tpu.memory_space<vmem>>[vector<16xi32>], vector<16xf32>,
        %mul3A_561 = arith.mulf %get3A_557, %gather3A : vector<16xf32>
        %add3A_562 = arith.addf %scan3A_531, %mul3A_561 : vector<16xf32>
        %add3A_563 = arith.constant 34816 : i32
        %add3A_564 = vector.broadcast %add3A_563 : i32 to vector<16xi32>
        %add3A_565 = arith.addi %get3A_553, %add3A_564 : vector<16xi32>
        %gather3A_566 = tpu.vector_load_idx %arg7[%add3A_565] : memref<65536xf32, #tpu.memory_space<vmem>>[vector<16xi32>], vector<16xf32>,
        %mul3A_567 = arith.mulf %get3A_557, %gather3A_566 : vector<16xf32>
        %add3A_568 = arith.addf %scan3A_532, %mul3A_567 : vector<16xf32>
        %add3A_569 = arith.constant 36864 : i32
        %add3A_570 = vector.broadcast %add3A_569 : i32 to vector<16xi32>
        %add3A_571 = arith.addi %get3A_553, %add3A_570 : vector<16xi32>
        %gather3A_572 = tpu.vector_load_idx %arg7[%add3A_571] : memref<65536xf32, #tpu.memory_space<vmem>>[vector<16xi32>], vector<16xf32>,
        %mul3A_573 = arith.mulf %get3A_557, %gather3A_572 : vector<16xf32>
        %add3A_574 = arith.addf %scan3A_533, %mul3A_573 : vector<16xf32>
        %add3A_575 = arith.constant 38912 : i32
        %add3A_576 = vector.broadcast %add3A_575 : i32 to vector<16xi32>
        %add3A_577 = arith.addi %get3A_553, %add3A_576 : vector<16xi32>
        %gather3A_578 = tpu.vector_load_idx %arg7[%add3A_577] : memref<65536xf32, #tpu.memory_space<vmem>>[vector<16xi32>], vector<16xf32>,
        %mul3A_579 = arith.mulf %get3A_557, %gather3A_578 : vector<16xf32>
        %add3A_580 = arith.addf %scan3A_534, %mul3A_579 : vector<16xf32>
        %add3A_581 = arith.constant 40960 : i32
        %add3A_582 = vector.broadcast %add3A_581 : i32 to vector<16xi32>
        %add3A_583 = arith.addi %get3A_553, %add3A_582 : vector<16xi32>
        %gather3A_584 = tpu.vector_load_idx %arg7[%add3A_583] : memref<65536xf32, #tpu.memory_space<vmem>>[vector<16xi32>], vector<16xf32>,
        %mul3A_585 = arith.mulf %get3A_557, %gather3A_584 : vector<16xf32>
        %add3A_586 = arith.addf %scan3A_535, %mul3A_585 : vector<16xf32>
        %add3A_587 = arith.constant 43008 : i32
        %add3A_588 = vector.broadcast %add3A_587 : i32 to vector<16xi32>
        %add3A_589 = arith.addi %get3A_553, %add3A_588 : vector<16xi32>
        %gather3A_590 = tpu.vector_load_idx %arg7[%add3A_589] : memref<65536xf32, #tpu.memory_space<vmem>>[vector<16xi32>], vector<16xf32>,
        %mul3A_591 = arith.mulf %get3A_557, %gather3A_590 : vector<16xf32>
        %add3A_592 = arith.addf %scan3A_536, %mul3A_591 : vector<16xf32>
        %add3A_593 = arith.constant 45056 : i32
        %add3A_594 = vector.broadcast %add3A_593 : i32 to vector<16xi32>
        %add3A_595 = arith.addi %get3A_553, %add3A_594 : vector<16xi32>
        %gather3A_596 = tpu.vector_load_idx %arg7[%add3A_595] : memref<65536xf32, #tpu.memory_space<vmem>>[vector<16xi32>], vector<16xf32>,
        %mul3A_597 = arith.mulf %get3A_557, %gather3A_596 : vector<16xf32>
        %add3A_598 = arith.addf %scan3A_537, %mul3A_597 : vector<16xf32>
        %add3A_599 = arith.constant 47104 : i32
        %add3A_600 = vector.broadcast %add3A_599 : i32 to vector<16xi32>
        %add3A_601 = arith.addi %get3A_553, %add3A_600 : vector<16xi32>
        %gather3A_602 = tpu.vector_load_idx %arg7[%add3A_601] : memref<65536xf32, #tpu.memory_space<vmem>>[vector<16xi32>], vector<16xf32>,
        %mul3A_603 = arith.mulf %get3A_557, %gather3A_602 : vector<16xf32>
        %add3A_604 = arith.addf %scan3A_538, %mul3A_603 : vector<16xf32>
        %add3A_605 = arith.constant 49152 : i32
        %add3A_606 = vector.broadcast %add3A_605 : i32 to vector<16xi32>
        %add3A_607 = arith.addi %get3A_553, %add3A_606 : vector<16xi32>
        %gather3A_608 = tpu.vector_load_idx %arg7[%add3A_607] : memref<65536xf32, #tpu.memory_space<vmem>>[vector<16xi32>], vector<16xf32>,
        %mul3A_609 = arith.mulf %get3A_557, %gather3A_608 : vector<16xf32>
        %add3A_610 = arith.addf %scan3A_539, %mul3A_609 : vector<16xf32>
        %add3A_611 = arith.constant 51200 : i32
        %add3A_612 = vector.broadcast %add3A_611 : i32 to vector<16xi32>
        %add3A_613 = arith.addi %get3A_553, %add3A_612 : vector<16xi32>
        %gather3A_614 = tpu.vector_load_idx %arg7[%add3A_613] : memref<65536xf32, #tpu.memory_space<vmem>>[vector<16xi32>], vector<16xf32>,
        %mul3A_615 = arith.mulf %get3A_557, %gather3A_614 : vector<16xf32>
        %add3A_616 = arith.addf %scan3A_540, %mul3A_615 : vector<16xf32>
        %add3A_617 = arith.constant 53248 : i32
        %add3A_618 = vector.broadcast %add3A_617 : i32 to vector<16xi32>
        %add3A_619 = arith.addi %get3A_553, %add3A_618 : vector<16xi32>
        %gather3A_620 = tpu.vector_load_idx %arg7[%add3A_619] : memref<65536xf32, #tpu.memory_space<vmem>>[vector<16xi32>], vector<16xf32>,
        %mul3A_621 = arith.mulf %get3A_557, %gather3A_620 : vector<16xf32>
        %add3A_622 = arith.addf %scan3A_541, %mul3A_621 : vector<16xf32>
        %add3A_623 = arith.constant 55296 : i32
        %add3A_624 = vector.broadcast %add3A_623 : i32 to vector<16xi32>
        %add3A_625 = arith.addi %get3A_553, %add3A_624 : vector<16xi32>
        %gather3A_626 = tpu.vector_load_idx %arg7[%add3A_625] : memref<65536xf32, #tpu.memory_space<vmem>>[vector<16xi32>], vector<16xf32>,
        %mul3A_627 = arith.mulf %get3A_557, %gather3A_626 : vector<16xf32>
        %add3A_628 = arith.addf %scan3A_542, %mul3A_627 : vector<16xf32>
        %add3A_629 = arith.constant 57344 : i32
        %add3A_630 = vector.broadcast %add3A_629 : i32 to vector<16xi32>
        %add3A_631 = arith.addi %get3A_553, %add3A_630 : vector<16xi32>
        %gather3A_632 = tpu.vector_load_idx %arg7[%add3A_631] : memref<65536xf32, #tpu.memory_space<vmem>>[vector<16xi32>], vector<16xf32>,
        %mul3A_633 = arith.mulf %get3A_557, %gather3A_632 : vector<16xf32>
        %add3A_634 = arith.addf %scan3A_543, %mul3A_633 : vector<16xf32>
        %add3A_635 = arith.constant 59392 : i32
        %add3A_636 = vector.broadcast %add3A_635 : i32 to vector<16xi32>
        %add3A_637 = arith.addi %get3A_553, %add3A_636 : vector<16xi32>
        %gather3A_638 = tpu.vector_load_idx %arg7[%add3A_637] : memref<65536xf32, #tpu.memory_space<vmem>>[vector<16xi32>], vector<16xf32>,
        %mul3A_639 = arith.mulf %get3A_557, %gather3A_638 : vector<16xf32>
        %add3A_640 = arith.addf %scan3A_544, %mul3A_639 : vector<16xf32>
        %add3A_641 = arith.constant 61440 : i32
        %add3A_642 = vector.broadcast %add3A_641 : i32 to vector<16xi32>
        %add3A_643 = arith.addi %get3A_553, %add3A_642 : vector<16xi32>
        %gather3A_644 = tpu.vector_load_idx %arg7[%add3A_643] : memref<65536xf32, #tpu.memory_space<vmem>>[vector<16xi32>], vector<16xf32>,
        %mul3A_645 = arith.mulf %get3A_557, %gather3A_644 : vector<16xf32>
        %add3A_646 = arith.addf %scan3A_545, %mul3A_645 : vector<16xf32>
        %add3A_647 = arith.constant 63488 : i32
        %add3A_648 = vector.broadcast %add3A_647 : i32 to vector<16xi32>
        %add3A_649 = arith.addi %get3A_553, %add3A_648 : vector<16xi32>
        %gather3A_650 = tpu.vector_load_idx %arg7[%add3A_649] : memref<65536xf32, #tpu.memory_space<vmem>>[vector<16xi32>], vector<16xf32>,
        %mul3A_651 = arith.mulf %get3A_557, %gather3A_650 : vector<16xf32>
        %add3A_652 = arith.addf %scan3A_546, %mul3A_651 : vector<16xf32>
        scf.yield %add3A_562, %add3A_568, %add3A_574, %add3A_580, %add3A_586, %add3A_592, %add3A_598, %add3A_604, %add3A_610, %add3A_616, %add3A_622, %add3A_628, %add3A_634, %add3A_640, %add3A_646, %add3A_652 : vector<16xf32>, vector<16xf32>, vector<16xf32>, vector<16xf32>, vector<16xf32>, vector<16xf32>, vector<16xf32>, vector<16xf32>, vector<16xf32>, vector<16xf32>, vector<16xf32>, vector<16xf32>, vector<16xf32>, vector<16xf32>, vector<16xf32>, vector<16xf32>
      }
      %scan3A_321 = arith.constant 64 : i32
      %get3A_322 = arith.constant 256 : index
      %get3A_323 = tpu.vector_load %arg12[%get3A_322] {strides = array<i32>} : memref<512xf32, #tpu.memory_space<vmem>>, vector<16xf32>,
      %mul3A_324 = arith.mulf %scan3A_320#0, %div3A_40 : vector<16xf32>
      %add3A_325 = arith.addf %mul3A_324, %get3A_323 : vector<16xf32>
      %max3A_326 = arith.constant 0.000000e+00 : f32
      %max3A_327 = vector.broadcast %max3A_326 : f32 to vector<16xf32>
      %max3A_328 = arith.maximumf %add3A_325, %max3A_327 : vector<16xf32>
      %mul3A_329 = arith.constant 16 : i32
      %mul3A_330 = arith.muli %scan3A_22, %mul3A_329 : i32
      %add3A_331 = arith.constant 4096 : i32
      %add3A_332 = arith.addi %add3A_331, %mul3A_330 : i32
      %swap3A_333 = arith.index_cast %add3A_332 : i32 to index
      %swap3A_334 = tpu.vector_load %arg13[%swap3A_333] {strides = array<i32>} : memref<8192xf32, #tpu.memory_space<vmem>>, vector<16xf32>,
      tpu.vector_store %arg13[%swap3A_333], %max3A_328 {strides = array<i32>} : memref<8192xf32, #tpu.memory_space<vmem>>, vector<16xf32>,
      %get3A_335 = arith.constant 272 : index
      %get3A_336 = tpu.vector_load %arg12[%get3A_335] {strides = array<i32>} : memref<512xf32, #tpu.memory_space<vmem>>, vector<16xf32>,
      %mul3A_337 = arith.mulf %scan3A_320#1, %div3A_40 : vector<16xf32>
      %add3A_338 = arith.addf %mul3A_337, %get3A_336 : vector<16xf32>
      %max3A_339 = arith.constant 0.000000e+00 : f32
      %max3A_340 = vector.broadcast %max3A_339 : f32 to vector<16xf32>
      %max3A_341 = arith.maximumf %add3A_338, %max3A_340 : vector<16xf32>
      %mul3A_342 = arith.constant 16 : i32
      %mul3A_343 = arith.muli %scan3A_22, %mul3A_342 : i32
      %add3A_344 = arith.constant 4352 : i32
      %add3A_345 = arith.addi %add3A_344, %mul3A_343 : i32
      %swap3A_346 = arith.index_cast %add3A_345 : i32 to index
      %swap3A_347 = tpu.vector_load %arg13[%swap3A_346] {strides = array<i32>} : memref<8192xf32, #tpu.memory_space<vmem>>, vector<16xf32>,
      tpu.vector_store %arg13[%swap3A_346], %max3A_341 {strides = array<i32>} : memref<8192xf32, #tpu.memory_space<vmem>>, vector<16xf32>,
      %get3A_348 = arith.constant 288 : index
      %get3A_349 = tpu.vector_load %arg12[%get3A_348] {strides = array<i32>} : memref<512xf32, #tpu.memory_space<vmem>>, vector<16xf32>,
      %mul3A_350 = arith.mulf %scan3A_320#2, %div3A_40 : vector<16xf32>
      %add3A_351 = arith.addf %mul3A_350, %get3A_349 : vector<16xf32>
      %max3A_352 = arith.constant 0.000000e+00 : f32
      %max3A_353 = vector.broadcast %max3A_352 : f32 to vector<16xf32>
      %max3A_354 = arith.maximumf %add3A_351, %max3A_353 : vector<16xf32>
      %mul3A_355 = arith.constant 16 : i32
      %mul3A_356 = arith.muli %scan3A_22, %mul3A_355 : i32
      %add3A_357 = arith.constant 4608 : i32
      %add3A_358 = arith.addi %add3A_357, %mul3A_356 : i32
      %swap3A_359 = arith.index_cast %add3A_358 : i32 to index
      %swap3A_360 = tpu.vector_load %arg13[%swap3A_359] {strides = array<i32>} : memref<8192xf32, #tpu.memory_space<vmem>>, vector<16xf32>,
      tpu.vector_store %arg13[%swap3A_359], %max3A_354 {strides = array<i32>} : memref<8192xf32, #tpu.memory_space<vmem>>, vector<16xf32>,
      %get3A_361 = arith.constant 304 : index
      %get3A_362 = tpu.vector_load %arg12[%get3A_361] {strides = array<i32>} : memref<512xf32, #tpu.memory_space<vmem>>, vector<16xf32>,
      %mul3A_363 = arith.mulf %scan3A_320#3, %div3A_40 : vector<16xf32>
      %add3A_364 = arith.addf %mul3A_363, %get3A_362 : vector<16xf32>
      %max3A_365 = arith.constant 0.000000e+00 : f32
      %max3A_366 = vector.broadcast %max3A_365 : f32 to vector<16xf32>
      %max3A_367 = arith.maximumf %add3A_364, %max3A_366 : vector<16xf32>
      %mul3A_368 = arith.constant 16 : i32
      %mul3A_369 = arith.muli %scan3A_22, %mul3A_368 : i32
      %add3A_370 = arith.constant 4864 : i32
      %add3A_371 = arith.addi %add3A_370, %mul3A_369 : i32
      %swap3A_372 = arith.index_cast %add3A_371 : i32 to index
      %swap3A_373 = tpu.vector_load %arg13[%swap3A_372] {strides = array<i32>} : memref<8192xf32, #tpu.memory_space<vmem>>, vector<16xf32>,
      tpu.vector_store %arg13[%swap3A_372], %max3A_367 {strides = array<i32>} : memref<8192xf32, #tpu.memory_space<vmem>>, vector<16xf32>,
      %get3A_374 = arith.constant 320 : index
      %get3A_375 = tpu.vector_load %arg12[%get3A_374] {strides = array<i32>} : memref<512xf32, #tpu.memory_space<vmem>>, vector<16xf32>,
      %mul3A_376 = arith.mulf %scan3A_320#4, %div3A_40 : vector<16xf32>
      %add3A_377 = arith.addf %mul3A_376, %get3A_375 : vector<16xf32>
      %max3A_378 = arith.constant 0.000000e+00 : f32
      %max3A_379 = vector.broadcast %max3A_378 : f32 to vector<16xf32>
      %max3A_380 = arith.maximumf %add3A_377, %max3A_379 : vector<16xf32>
      %mul3A_381 = arith.constant 16 : i32
      %mul3A_382 = arith.muli %scan3A_22, %mul3A_381 : i32
      %add3A_383 = arith.constant 5120 : i32
      %add3A_384 = arith.addi %add3A_383, %mul3A_382 : i32
      %swap3A_385 = arith.index_cast %add3A_384 : i32 to index
      %swap3A_386 = tpu.vector_load %arg13[%swap3A_385] {strides = array<i32>} : memref<8192xf32, #tpu.memory_space<vmem>>, vector<16xf32>,
      tpu.vector_store %arg13[%swap3A_385], %max3A_380 {strides = array<i32>} : memref<8192xf32, #tpu.memory_space<vmem>>, vector<16xf32>,
      %get3A_387 = arith.constant 336 : index
      %get3A_388 = tpu.vector_load %arg12[%get3A_387] {strides = array<i32>} : memref<512xf32, #tpu.memory_space<vmem>>, vector<16xf32>,
      %mul3A_389 = arith.mulf %scan3A_320#5, %div3A_40 : vector<16xf32>
      %add3A_390 = arith.addf %mul3A_389, %get3A_388 : vector<16xf32>
      %max3A_391 = arith.constant 0.000000e+00 : f32
      %max3A_392 = vector.broadcast %max3A_391 : f32 to vector<16xf32>
      %max3A_393 = arith.maximumf %add3A_390, %max3A_392 : vector<16xf32>
      %mul3A_394 = arith.constant 16 : i32
      %mul3A_395 = arith.muli %scan3A_22, %mul3A_394 : i32
      %add3A_396 = arith.constant 5376 : i32
      %add3A_397 = arith.addi %add3A_396, %mul3A_395 : i32
      %swap3A_398 = arith.index_cast %add3A_397 : i32 to index
      %swap3A_399 = tpu.vector_load %arg13[%swap3A_398] {strides = array<i32>} : memref<8192xf32, #tpu.memory_space<vmem>>, vector<16xf32>,
      tpu.vector_store %arg13[%swap3A_398], %max3A_393 {strides = array<i32>} : memref<8192xf32, #tpu.memory_space<vmem>>, vector<16xf32>,
      %get3A_400 = arith.constant 352 : index
      %get3A_401 = tpu.vector_load %arg12[%get3A_400] {strides = array<i32>} : memref<512xf32, #tpu.memory_space<vmem>>, vector<16xf32>,
      %mul3A_402 = arith.mulf %scan3A_320#6, %div3A_40 : vector<16xf32>
      %add3A_403 = arith.addf %mul3A_402, %get3A_401 : vector<16xf32>
      %max3A_404 = arith.constant 0.000000e+00 : f32
      %max3A_405 = vector.broadcast %max3A_404 : f32 to vector<16xf32>
      %max3A_406 = arith.maximumf %add3A_403, %max3A_405 : vector<16xf32>
      %mul3A_407 = arith.constant 16 : i32
      %mul3A_408 = arith.muli %scan3A_22, %mul3A_407 : i32
      %add3A_409 = arith.constant 5632 : i32
      %add3A_410 = arith.addi %add3A_409, %mul3A_408 : i32
      %swap3A_411 = arith.index_cast %add3A_410 : i32 to index
      %swap3A_412 = tpu.vector_load %arg13[%swap3A_411] {strides = array<i32>} : memref<8192xf32, #tpu.memory_space<vmem>>, vector<16xf32>,
      tpu.vector_store %arg13[%swap3A_411], %max3A_406 {strides = array<i32>} : memref<8192xf32, #tpu.memory_space<vmem>>, vector<16xf32>,
      %get3A_413 = arith.constant 368 : index
      %get3A_414 = tpu.vector_load %arg12[%get3A_413] {strides = array<i32>} : memref<512xf32, #tpu.memory_space<vmem>>, vector<16xf32>,
      %mul3A_415 = arith.mulf %scan3A_320#7, %div3A_40 : vector<16xf32>
      %add3A_416 = arith.addf %mul3A_415, %get3A_414 : vector<16xf32>
      %max3A_417 = arith.constant 0.000000e+00 : f32
      %max3A_418 = vector.broadcast %max3A_417 : f32 to vector<16xf32>
      %max3A_419 = arith.maximumf %add3A_416, %max3A_418 : vector<16xf32>
      %mul3A_420 = arith.constant 16 : i32
      %mul3A_421 = arith.muli %scan3A_22, %mul3A_420 : i32
      %add3A_422 = arith.constant 5888 : i32
      %add3A_423 = arith.addi %add3A_422, %mul3A_421 : i32
      %swap3A_424 = arith.index_cast %add3A_423 : i32 to index
      %swap3A_425 = tpu.vector_load %arg13[%swap3A_424] {strides = array<i32>} : memref<8192xf32, #tpu.memory_space<vmem>>, vector<16xf32>,
      tpu.vector_store %arg13[%swap3A_424], %max3A_419 {strides = array<i32>} : memref<8192xf32, #tpu.memory_space<vmem>>, vector<16xf32>,
      %get3A_426 = arith.constant 384 : index
      %get3A_427 = tpu.vector_load %arg12[%get3A_426] {strides = array<i32>} : memref<512xf32, #tpu.memory_space<vmem>>, vector<16xf32>,
      %mul3A_428 = arith.mulf %scan3A_320#8, %div3A_40 : vector<16xf32>
      %add3A_429 = arith.addf %mul3A_428, %get3A_427 : vector<16xf32>
      %max3A_430 = arith.constant 0.000000e+00 : f32
      %max3A_431 = vector.broadcast %max3A_430 : f32 to vector<16xf32>
      %max3A_432 = arith.maximumf %add3A_429, %max3A_431 : vector<16xf32>
      %mul3A_433 = arith.constant 16 : i32
      %mul3A_434 = arith.muli %scan3A_22, %mul3A_433 : i32
      %add3A_435 = arith.constant 6144 : i32
      %add3A_436 = arith.addi %add3A_435, %mul3A_434 : i32
      %swap3A_437 = arith.index_cast %add3A_436 : i32 to index
      %swap3A_438 = tpu.vector_load %arg13[%swap3A_437] {strides = array<i32>} : memref<8192xf32, #tpu.memory_space<vmem>>, vector<16xf32>,
      tpu.vector_store %arg13[%swap3A_437], %max3A_432 {strides = array<i32>} : memref<8192xf32, #tpu.memory_space<vmem>>, vector<16xf32>,
      %get3A_439 = arith.constant 400 : index
      %get3A_440 = tpu.vector_load %arg12[%get3A_439] {strides = array<i32>} : memref<512xf32, #tpu.memory_space<vmem>>, vector<16xf32>,
      %mul3A_441 = arith.mulf %scan3A_320#9, %div3A_40 : vector<16xf32>
      %add3A_442 = arith.addf %mul3A_441, %get3A_440 : vector<16xf32>
      %max3A_443 = arith.constant 0.000000e+00 : f32
      %max3A_444 = vector.broadcast %max3A_443 : f32 to vector<16xf32>
      %max3A_445 = arith.maximumf %add3A_442, %max3A_444 : vector<16xf32>
      %mul3A_446 = arith.constant 16 : i32
      %mul3A_447 = arith.muli %scan3A_22, %mul3A_446 : i32
      %add3A_448 = arith.constant 6400 : i32
      %add3A_449 = arith.addi %add3A_448, %mul3A_447 : i32
      %swap3A_450 = arith.index_cast %add3A_449 : i32 to index
      %swap3A_451 = tpu.vector_load %arg13[%swap3A_450] {strides = array<i32>} : memref<8192xf32, #tpu.memory_space<vmem>>, vector<16xf32>,
      tpu.vector_store %arg13[%swap3A_450], %max3A_445 {strides = array<i32>} : memref<8192xf32, #tpu.memory_space<vmem>>, vector<16xf32>,
      %get3A_452 = arith.constant 416 : index
      %get3A_453 = tpu.vector_load %arg12[%get3A_452] {strides = array<i32>} : memref<512xf32, #tpu.memory_space<vmem>>, vector<16xf32>,
      %mul3A_454 = arith.mulf %scan3A_320#10, %div3A_40 : vector<16xf32>
      %add3A_455 = arith.addf %mul3A_454, %get3A_453 : vector<16xf32>
      %max3A_456 = arith.constant 0.000000e+00 : f32
      %max3A_457 = vector.broadcast %max3A_456 : f32 to vector<16xf32>
      %max3A_458 = arith.maximumf %add3A_455, %max3A_457 : vector<16xf32>
      %mul3A_459 = arith.constant 16 : i32
      %mul3A_460 = arith.muli %scan3A_22, %mul3A_459 : i32
      %add3A_461 = arith.constant 6656 : i32
      %add3A_462 = arith.addi %add3A_461, %mul3A_460 : i32
      %swap3A_463 = arith.index_cast %add3A_462 : i32 to index
      %swap3A_464 = tpu.vector_load %arg13[%swap3A_463] {strides = array<i32>} : memref<8192xf32, #tpu.memory_space<vmem>>, vector<16xf32>,
      tpu.vector_store %arg13[%swap3A_463], %max3A_458 {strides = array<i32>} : memref<8192xf32, #tpu.memory_space<vmem>>, vector<16xf32>,
      %get3A_465 = arith.constant 432 : index
      %get3A_466 = tpu.vector_load %arg12[%get3A_465] {strides = array<i32>} : memref<512xf32, #tpu.memory_space<vmem>>, vector<16xf32>,
      %mul3A_467 = arith.mulf %scan3A_320#11, %div3A_40 : vector<16xf32>
      %add3A_468 = arith.addf %mul3A_467, %get3A_466 : vector<16xf32>
      %max3A_469 = arith.constant 0.000000e+00 : f32
      %max3A_470 = vector.broadcast %max3A_469 : f32 to vector<16xf32>
      %max3A_471 = arith.maximumf %add3A_468, %max3A_470 : vector<16xf32>
      %mul3A_472 = arith.constant 16 : i32
      %mul3A_473 = arith.muli %scan3A_22, %mul3A_472 : i32
      %add3A_474 = arith.constant 6912 : i32
      %add3A_475 = arith.addi %add3A_474, %mul3A_473 : i32
      %swap3A_476 = arith.index_cast %add3A_475 : i32 to index
      %swap3A_477 = tpu.vector_load %arg13[%swap3A_476] {strides = array<i32>} : memref<8192xf32, #tpu.memory_space<vmem>>, vector<16xf32>,
      tpu.vector_store %arg13[%swap3A_476], %max3A_471 {strides = array<i32>} : memref<8192xf32, #tpu.memory_space<vmem>>, vector<16xf32>,
      %get3A_478 = arith.constant 448 : index
      %get3A_479 = tpu.vector_load %arg12[%get3A_478] {strides = array<i32>} : memref<512xf32, #tpu.memory_space<vmem>>, vector<16xf32>,
      %mul3A_480 = arith.mulf %scan3A_320#12, %div3A_40 : vector<16xf32>
      %add3A_481 = arith.addf %mul3A_480, %get3A_479 : vector<16xf32>
      %max3A_482 = arith.constant 0.000000e+00 : f32
      %max3A_483 = vector.broadcast %max3A_482 : f32 to vector<16xf32>
      %max3A_484 = arith.maximumf %add3A_481, %max3A_483 : vector<16xf32>
      %mul3A_485 = arith.constant 16 : i32
      %mul3A_486 = arith.muli %scan3A_22, %mul3A_485 : i32
      %add3A_487 = arith.constant 7168 : i32
      %add3A_488 = arith.addi %add3A_487, %mul3A_486 : i32
      %swap3A_489 = arith.index_cast %add3A_488 : i32 to index
      %swap3A_490 = tpu.vector_load %arg13[%swap3A_489] {strides = array<i32>} : memref<8192xf32, #tpu.memory_space<vmem>>, vector<16xf32>,
      tpu.vector_store %arg13[%swap3A_489], %max3A_484 {strides = array<i32>} : memref<8192xf32, #tpu.memory_space<vmem>>, vector<16xf32>,
      %get3A_491 = arith.constant 464 : index
      %get3A_492 = tpu.vector_load %arg12[%get3A_491] {strides = array<i32>} : memref<512xf32, #tpu.memory_space<vmem>>, vector<16xf32>,
      %mul3A_493 = arith.mulf %scan3A_320#13, %div3A_40 : vector<16xf32>
      %add3A_494 = arith.addf %mul3A_493, %get3A_492 : vector<16xf32>
      %max3A_495 = arith.constant 0.000000e+00 : f32
      %max3A_496 = vector.broadcast %max3A_495 : f32 to vector<16xf32>
      %max3A_497 = arith.maximumf %add3A_494, %max3A_496 : vector<16xf32>
      %mul3A_498 = arith.constant 16 : i32
      %mul3A_499 = arith.muli %scan3A_22, %mul3A_498 : i32
      %add3A_500 = arith.constant 7424 : i32
      %add3A_501 = arith.addi %add3A_500, %mul3A_499 : i32
      %swap3A_502 = arith.index_cast %add3A_501 : i32 to index
      %swap3A_503 = tpu.vector_load %arg13[%swap3A_502] {strides = array<i32>} : memref<8192xf32, #tpu.memory_space<vmem>>, vector<16xf32>,
      tpu.vector_store %arg13[%swap3A_502], %max3A_497 {strides = array<i32>} : memref<8192xf32, #tpu.memory_space<vmem>>, vector<16xf32>,
      %get3A_504 = arith.constant 480 : index
      %get3A_505 = tpu.vector_load %arg12[%get3A_504] {strides = array<i32>} : memref<512xf32, #tpu.memory_space<vmem>>, vector<16xf32>,
      %mul3A_506 = arith.mulf %scan3A_320#14, %div3A_40 : vector<16xf32>
      %add3A_507 = arith.addf %mul3A_506, %get3A_505 : vector<16xf32>
      %max3A_508 = arith.constant 0.000000e+00 : f32
      %max3A_509 = vector.broadcast %max3A_508 : f32 to vector<16xf32>
      %max3A_510 = arith.maximumf %add3A_507, %max3A_509 : vector<16xf32>
      %mul3A_511 = arith.constant 16 : i32
      %mul3A_512 = arith.muli %scan3A_22, %mul3A_511 : i32
      %add3A_513 = arith.constant 7680 : i32
      %add3A_514 = arith.addi %add3A_513, %mul3A_512 : i32
      %swap3A_515 = arith.index_cast %add3A_514 : i32 to index
      %swap3A_516 = tpu.vector_load %arg13[%swap3A_515] {strides = array<i32>} : memref<8192xf32, #tpu.memory_space<vmem>>, vector<16xf32>,
      tpu.vector_store %arg13[%swap3A_515], %max3A_510 {strides = array<i32>} : memref<8192xf32, #tpu.memory_space<vmem>>, vector<16xf32>,
      %get3A_517 = arith.constant 496 : index
      %get3A_518 = tpu.vector_load %arg12[%get3A_517] {strides = array<i32>} : memref<512xf32, #tpu.memory_space<vmem>>, vector<16xf32>,
      %mul3A_519 = arith.mulf %scan3A_320#15, %div3A_40 : vector<16xf32>
      %add3A_520 = arith.addf %mul3A_519, %get3A_518 : vector<16xf32>
      %max3A_521 = arith.constant 0.000000e+00 : f32
      %max3A_522 = vector.broadcast %max3A_521 : f32 to vector<16xf32>
      %max3A_523 = arith.maximumf %add3A_520, %max3A_522 : vector<16xf32>
      %mul3A_524 = arith.constant 16 : i32
      %mul3A_525 = arith.muli %scan3A_22, %mul3A_524 : i32
      %add3A_526 = arith.constant 7936 : i32
      %add3A_527 = arith.addi %add3A_526, %mul3A_525 : i32
      %swap3A_528 = arith.index_cast %add3A_527 : i32 to index
      %swap3A_529 = tpu.vector_load %arg13[%swap3A_528] {strides = array<i32>} : memref<8192xf32, #tpu.memory_space<vmem>>, vector<16xf32>,
      tpu.vector_store %arg13[%swap3A_528], %max3A_523 {strides = array<i32>} : memref<8192xf32, #tpu.memory_space<vmem>>, vector<16xf32>,
    }
    %scan3A_21 = arith.constant 16 : i32
    "tpu.region"() ({
      %run_scoped3A = tpu.sem_alloc : memref<!tpu.dma_semaphore, #tpu.memory_space<semaphore_mem>>
      %dma_start3A = arith.constant 0 : i32
      %dma_start3A_22 = tpu.memref_slice %arg6[%add3A, %dma_start3A] : memref<32x8192xf32, #tpu.memory_space<hbm>> -> memref<1x8192xf32, #tpu.memory_space<hbm>>
      %dma_start3A_23 = tpu.memref_squeeze %dma_start3A_22 : memref<1x8192xf32, #tpu.memory_space<hbm>> -> memref<8192xf32, #tpu.memory_space<hbm>>
      %dma_start3A_24 = arith.constant 0 : i32
      %dma_start3A_25 = tpu.memref_slice %arg6[%add3A, %dma_start3A_24] : memref<32x8192xf32, #tpu.memory_space<hbm>> -> memref<1x8192xf32, #tpu.memory_space<hbm>>
      %dma_start3A_26 = tpu.memref_squeeze %dma_start3A_25 : memref<1x8192xf32, #tpu.memory_space<hbm>> -> memref<8192xf32, #tpu.memory_space<hbm>>
      tpu.enqueue_dma source(%arg13 : memref<8192xf32, #tpu.memory_space<vmem>>) target(%dma_start3A_26 : memref<8192xf32, #tpu.memory_space<hbm>>) target_semaphore(%run_scoped3A : memref<!tpu.dma_semaphore, #tpu.memory_space<semaphore_mem>>)
      %dma_wait3A = arith.constant 0 : i32
      %dma_wait3A_27 = tpu.memref_slice %arg6[%add3A, %dma_wait3A] : memref<32x8192xf32, #tpu.memory_space<hbm>> -> memref<1x8192xf32, #tpu.memory_space<hbm>>
      %dma_wait3A_28 = tpu.memref_squeeze %dma_wait3A_27 : memref<1x8192xf32, #tpu.memory_space<hbm>> -> memref<8192xf32, #tpu.memory_space<hbm>>
      %dma_wait3A_29 = arith.constant 0 : i32
      %dma_wait3A_30 = tpu.memref_slice %arg6[%add3A, %dma_wait3A_29] : memref<32x8192xf32, #tpu.memory_space<hbm>> -> memref<1x8192xf32, #tpu.memory_space<hbm>>
      %dma_wait3A_31 = tpu.memref_squeeze %dma_wait3A_30 : memref<1x8192xf32, #tpu.memory_space<hbm>> -> memref<8192xf32, #tpu.memory_space<hbm>>
      tpu.wait_dma2 semaphore(%run_scoped3A : memref<!tpu.dma_semaphore, #tpu.memory_space<semaphore_mem>>) src(%arg13 : memref<8192xf32, #tpu.memory_space<vmem>>) dst(%dma_wait3A_31 : memref<8192xf32, #tpu.memory_space<hbm>>)
      tpu.yield
    }) : () -> ()
    return
  }
}

module attributes {stable_mosaic.version = 14 : i64} {
  func.func @_knn_tc_kernel(%arg0: i32, %arg1: i32, %arg2: memref<1x3x2048xf32, #tpu.memory_space<vmem>>, %arg3: memref<1x3x256xf32, #tpu.memory_space<vmem>>, %arg4: memref<1x32x2048xf32, #tpu.memory_space<vmem>>, %arg5: memref<1x32xf32, #tpu.memory_space<vmem>>, %arg6: memref<32x32xf32, #tpu.memory_space<vmem>>, %arg7: memref<1x1x64x256xi32, #tpu.memory_space<vmem>>, %arg8: memref<1x1x256xf32, #tpu.memory_space<vmem>>, %arg9: memref<1x32x256xf32, #tpu.memory_space<vmem>>) attributes {dimension_semantics = [#tpu.dimension_semantics<arbitrary>, #tpu.dimension_semantics<arbitrary>], iteration_bounds = array<i64: 4, 8>, scalar_prefetch = 0 : i64, scratch_operands = 0 : i64, tpu.core_type = #tpu.core_type<tc>, window_params = [{transform_indices = @transform_0, window_bounds = array<i64: 1, 3, 2048>}, {transform_indices = @transform_1, window_bounds = array<i64: 1, 3, 256>}, {transform_indices = @transform_2, window_bounds = array<i64: 1, 32, 2048>}, {pipeline_mode = #tpu.pipeline_mode<synchronous>, transform_indices = @transform_3, window_bounds = array<i64: 1, 32>}, {pipeline_mode = #tpu.pipeline_mode<synchronous>, transform_indices = @transform_4, window_bounds = array<i64: 32, 32>}, {transform_indices = @transform_5, window_bounds = array<i64: 1, 1, 64, 256>}, {transform_indices = @transform_6, window_bounds = array<i64: 1, 1, 256>}, {transform_indices = @transform_7, window_bounds = array<i64: 1, 32, 256>}]} {
    %get3A = arith.constant 0 : index
    %get3A_0 = arith.constant 0 : index
    %get3A_1 = arith.constant 0 : index
    %get3A_2 = vector.load %arg2[%get3A, %get3A_0, %get3A_1] : memref<1x3x2048xf32, #tpu.memory_space<vmem>>, vector<1x3x2048xf32>
    %get3A_3 = vector.shape_cast %get3A_2 : vector<1x3x2048xf32> to vector<3x2048xf32>
    %get3A_4 = arith.constant 0 : index
    %get3A_5 = arith.constant 0 : index
    %get3A_6 = arith.constant 0 : index
    %get3A_7 = vector.load %arg3[%get3A_4, %get3A_5, %get3A_6] : memref<1x3x256xf32, #tpu.memory_space<vmem>>, vector<1x3x256xf32>
    %get3A_8 = vector.shape_cast %get3A_7 : vector<1x3x256xf32> to vector<3x256xf32>
    %mul3A = arith.mulf %get3A_3, %get3A_3 : vector<3x2048xf32>
    %reduce_sum3A = arith.constant dense<0.000000e+00> : vector<2048xf32>
    %reduce_sum3A_9 = vector.multi_reduction <add>, %mul3A, %reduce_sum3A [0] : vector<3x2048xf32> to vector<2048xf32>
    %mul3A_10 = arith.mulf %get3A_8, %get3A_8 : vector<3x256xf32>
    %reduce_sum3A_11 = arith.constant dense<0.000000e+00> : vector<256xf32>
    %reduce_sum3A_12 = vector.multi_reduction <add>, %mul3A_10, %reduce_sum3A_11 [0] : vector<3x256xf32> to vector<256xf32>
    %dot_general3A = arith.constant dense<0.000000e+00> : vector<256x2048xf32>
    %dot_general3A_13 = tpu.matmul %get3A_8, %get3A_3, %dot_general3A {dimension_numbers = #tpu.dot_dimension_numbers<[0], [0], [1], [1], [0, 1, 1, 1], [], []>, transpose_lhs_hint = false} : vector<3x256xf32>, vector<3x2048xf32>, vector<256x2048xf32> -> vector<256x2048xf32>
    %broadcast_in_dim3A = vector.shape_cast %reduce_sum3A_12 : vector<256xf32> to vector<256x1xf32>
    %broadcast_in_dim3A_14 = vector.shape_cast %reduce_sum3A_9 : vector<2048xf32> to vector<1x2048xf32>
    %add3A = vector.broadcast %broadcast_in_dim3A : vector<256x1xf32> to vector<256x2048xf32>
    %add3A_15 = vector.broadcast %broadcast_in_dim3A_14 : vector<1x2048xf32> to vector<256x2048xf32>
    %add3A_16 = arith.addf %add3A, %add3A_15 : vector<256x2048xf32>
    %mul3A_17 = arith.constant 2.000000e+00 : f32
    %mul3A_18 = vector.broadcast %mul3A_17 : f32 to vector<256x2048xf32>
    %mul3A_19 = arith.mulf %mul3A_18, %dot_general3A_13 : vector<256x2048xf32>
    %sub3A = arith.subf %add3A_16, %mul3A_19 : vector<256x2048xf32>
    %slice3A = vector.extract_strided_slice %get3A_3 {offsets = [0, 0], sizes = [1, 2048], strides = [1, 1]} : vector<3x2048xf32> to vector<1x2048xf32>
    %squeeze3A = vector.shape_cast %slice3A : vector<1x2048xf32> to vector<2048xf32>
    %broadcast_in_dim3A_20 = vector.shape_cast %squeeze3A : vector<2048xf32> to vector<1x2048xf32>
    %slice3A_21 = vector.extract_strided_slice %get3A_8 {offsets = [0, 0], sizes = [1, 256], strides = [1, 1]} : vector<3x256xf32> to vector<1x256xf32>
    %squeeze3A_22 = vector.shape_cast %slice3A_21 : vector<1x256xf32> to vector<256xf32>
    %broadcast_in_dim3A_23 = vector.shape_cast %squeeze3A_22 : vector<256xf32> to vector<256x1xf32>
    %sub3A_24 = vector.broadcast %broadcast_in_dim3A_20 : vector<1x2048xf32> to vector<256x2048xf32>
    %sub3A_25 = vector.broadcast %broadcast_in_dim3A_23 : vector<256x1xf32> to vector<256x2048xf32>
    %sub3A_26 = arith.subf %sub3A_24, %sub3A_25 : vector<256x2048xf32>
    %slice3A_27 = vector.extract_strided_slice %get3A_3 {offsets = [1, 0], sizes = [1, 2048], strides = [1, 1]} : vector<3x2048xf32> to vector<1x2048xf32>
    %squeeze3A_28 = vector.shape_cast %slice3A_27 : vector<1x2048xf32> to vector<2048xf32>
    %broadcast_in_dim3A_29 = vector.shape_cast %squeeze3A_28 : vector<2048xf32> to vector<1x2048xf32>
    %slice3A_30 = vector.extract_strided_slice %get3A_8 {offsets = [1, 0], sizes = [1, 256], strides = [1, 1]} : vector<3x256xf32> to vector<1x256xf32>
    %squeeze3A_31 = vector.shape_cast %slice3A_30 : vector<1x256xf32> to vector<256xf32>
    %broadcast_in_dim3A_32 = vector.shape_cast %squeeze3A_31 : vector<256xf32> to vector<256x1xf32>
    %sub3A_33 = vector.broadcast %broadcast_in_dim3A_29 : vector<1x2048xf32> to vector<256x2048xf32>
    %sub3A_34 = vector.broadcast %broadcast_in_dim3A_32 : vector<256x1xf32> to vector<256x2048xf32>
    %sub3A_35 = arith.subf %sub3A_33, %sub3A_34 : vector<256x2048xf32>
    %slice3A_36 = vector.extract_strided_slice %get3A_3 {offsets = [2, 0], sizes = [1, 2048], strides = [1, 1]} : vector<3x2048xf32> to vector<1x2048xf32>
    %squeeze3A_37 = vector.shape_cast %slice3A_36 : vector<1x2048xf32> to vector<2048xf32>
    %broadcast_in_dim3A_38 = vector.shape_cast %squeeze3A_37 : vector<2048xf32> to vector<1x2048xf32>
    %slice3A_39 = vector.extract_strided_slice %get3A_8 {offsets = [2, 0], sizes = [1, 256], strides = [1, 1]} : vector<3x256xf32> to vector<1x256xf32>
    %squeeze3A_40 = vector.shape_cast %slice3A_39 : vector<1x256xf32> to vector<256xf32>
    %broadcast_in_dim3A_41 = vector.shape_cast %squeeze3A_40 : vector<256xf32> to vector<256x1xf32>
    %sub3A_42 = vector.broadcast %broadcast_in_dim3A_38 : vector<1x2048xf32> to vector<256x2048xf32>
    %sub3A_43 = vector.broadcast %broadcast_in_dim3A_41 : vector<256x1xf32> to vector<256x2048xf32>
    %sub3A_44 = arith.subf %sub3A_42, %sub3A_43 : vector<256x2048xf32>
    %gt3A = arith.constant 0.000000e+00 : f32
    %gt3A_45 = vector.broadcast %gt3A : f32 to vector<256x2048xf32>
    %gt3A_46 = arith.cmpf ogt, %sub3A_26, %gt3A_45 : vector<256x2048xf32>
    %convert_element_type3A = arith.extui %gt3A_46 : vector<256x2048xi1> to vector<256x2048xi32>
    %mul3A_47 = arith.constant 8 : i32
    %mul3A_48 = vector.broadcast %mul3A_47 : i32 to vector<256x2048xi32>
    %mul3A_49 = arith.muli %convert_element_type3A, %mul3A_48 : vector<256x2048xi32>
    %gt3A_50 = arith.constant 0.000000e+00 : f32
    %gt3A_51 = vector.broadcast %gt3A_50 : f32 to vector<256x2048xf32>
    %gt3A_52 = arith.cmpf ogt, %sub3A_35, %gt3A_51 : vector<256x2048xf32>
    %convert_element_type3A_53 = arith.extui %gt3A_52 : vector<256x2048xi1> to vector<256x2048xi32>
    %mul3A_54 = arith.constant 4 : i32
    %mul3A_55 = vector.broadcast %mul3A_54 : i32 to vector<256x2048xi32>
    %mul3A_56 = arith.muli %convert_element_type3A_53, %mul3A_55 : vector<256x2048xi32>
    %add3A_57 = arith.addi %mul3A_49, %mul3A_56 : vector<256x2048xi32>
    %gt3A_58 = arith.constant 0.000000e+00 : f32
    %gt3A_59 = vector.broadcast %gt3A_58 : f32 to vector<256x2048xf32>
    %gt3A_60 = arith.cmpf ogt, %sub3A_44, %gt3A_59 : vector<256x2048xf32>
    %convert_element_type3A_61 = arith.extui %gt3A_60 : vector<256x2048xi1> to vector<256x2048xi32>
    %mul3A_62 = arith.constant 2 : i32
    %mul3A_63 = vector.broadcast %mul3A_62 : i32 to vector<256x2048xi32>
    %mul3A_64 = arith.muli %convert_element_type3A_61, %mul3A_63 : vector<256x2048xi32>
    %add3A_65 = arith.addi %add3A_57, %mul3A_64 : vector<256x2048xi32>
    %gt3A_66 = arith.constant 2.500000e-01 : f32
    %gt3A_67 = vector.broadcast %gt3A_66 : f32 to vector<256x2048xf32>
    %gt3A_68 = arith.cmpf ogt, %sub3A, %gt3A_67 : vector<256x2048xf32>
    %convert_element_type3A_69 = arith.extui %gt3A_68 : vector<256x2048xi1> to vector<256x2048xi32>
    %add3A_70 = arith.addi %add3A_65, %convert_element_type3A_69 : vector<256x2048xi32>
    %le3A = arith.constant 1.000000e+00 : f32
    %le3A_71 = vector.broadcast %le3A : f32 to vector<256x2048xf32>
    %le3A_72 = arith.cmpf ole, %sub3A, %le3A_71 : vector<256x2048xf32>
    %jit3A = arith.constant 16 : i32
    %broadcast_in_dim3A_73 = vector.broadcast %jit3A : i32 to vector<256x2048xi32>
    %select_n3A = arith.select %le3A_72, %add3A_70, %broadcast_in_dim3A_73 : vector<256x2048xi1>, vector<256x2048xi32>
    %iota3A = tpu.iota {dimensions = array<i32: 1>} : vector<256x2048xi32>
    %iota3A_74 = tpu.iota {dimensions = array<i32: 0>} : vector<256x1xi32>
    %squeeze3A_75 = vector.shape_cast %iota3A_74 : vector<256x1xi32> to vector<256xi32>
    %mul3A_76 = arith.constant 256 : i32
    %mul3A_77 = arith.muli %arg1, %mul3A_76 : i32
    %add3A_78 = vector.broadcast %mul3A_77 : i32 to vector<256xi32>
    %add3A_79 = arith.addi %squeeze3A_75, %add3A_78 : vector<256xi32>
    %mul3A_80 = arith.constant 0x49800000 : f32
    %mul3A_81 = vector.broadcast %mul3A_80 : f32 to vector<256x2048xf32>
    %mul3A_82 = arith.mulf %sub3A, %mul3A_81 : vector<256x2048xf32>
    %min3A = arith.constant 0x497FFFF0 : f32
    %min3A_83 = vector.broadcast %min3A : f32 to vector<256x2048xf32>
    %min3A_84 = arith.minimumf %mul3A_82, %min3A_83 : vector<256x2048xf32>
    %convert_element_type3A_85 = arith.fptosi %min3A_84 : vector<256x2048xf32> to vector<256x2048xi32>
    %shift_left3A = arith.constant 11 : i32
    %shift_left3A_86 = vector.broadcast %shift_left3A : i32 to vector<256x2048xi32>
    %shift_left3A_87 = arith.shli %convert_element_type3A_85, %shift_left3A_86 : vector<256x2048xi32>
    %or3A = arith.ori %shift_left3A_87, %iota3A : vector<256x2048xi32>
    %eq3A = arith.constant 0 : i32
    %eq3A_88 = vector.broadcast %eq3A : i32 to vector<256x2048xi32>
    %eq3A_89 = arith.cmpi eq, %select_n3A, %eq3A_88 : vector<256x2048xi32>
    %jit3A_90 = arith.constant 2147483647 : i32
    %broadcast_in_dim3A_91 = vector.broadcast %jit3A_90 : i32 to vector<256x2048xi32>
    %select_n3A_92 = arith.select %eq3A_89, %or3A, %broadcast_in_dim3A_91 : vector<256x2048xi1>, vector<256x2048xi32>
    %slice3A_93 = vector.extract_strided_slice %select_n3A_92 {offsets = [0, 0], sizes = [256, 1024], strides = [1, 1]} : vector<256x2048xi32> to vector<256x1024xi32>
    %slice3A_94 = vector.extract_strided_slice %select_n3A_92 {offsets = [0, 1024], sizes = [256, 1024], strides = [1, 1]} : vector<256x2048xi32> to vector<256x1024xi32>
    %min3A_95 = arith.minsi %slice3A_93, %slice3A_94 : vector<256x1024xi32>
    %max3A = arith.maxsi %slice3A_93, %slice3A_94 : vector<256x1024xi32>
    %reduce_min3A = arith.constant dense<2147483647> : vector<256xi32>
    %reduce_min3A_96 = vector.multi_reduction <minsi>, %min3A_95, %reduce_min3A [1] : vector<256x1024xi32> to vector<256xi32>
    %ne3A = arith.constant 2147483647 : i32
    %ne3A_97 = vector.broadcast %ne3A : i32 to vector<256xi32>
    %ne3A_98 = arith.cmpi ne, %reduce_min3A_96, %ne3A_97 : vector<256xi32>
    %and3A = arith.constant 2047 : i32
    %and3A_99 = vector.broadcast %and3A : i32 to vector<256xi32>
    %and3A_100 = arith.andi %reduce_min3A_96, %and3A_99 : vector<256xi32>
    %select_n3A_101 = arith.select %ne3A_98, %and3A_100, %add3A_79 : vector<256xi1>, vector<256xi32>
    %swap3A = arith.constant 0 : index
    %swap3A_102 = arith.constant 0 : index
    %swap3A_103 = arith.constant 0 : index
    %swap3A_104 = arith.constant 0 : index
    %swap3A_105 = vector.load %arg7[%swap3A, %swap3A_102, %swap3A_103, %swap3A_104] : memref<1x1x64x256xi32, #tpu.memory_space<vmem>>, vector<1x1x1x256xi32>
    %swap3A_106 = vector.shape_cast %swap3A_105 : vector<1x1x1x256xi32> to vector<256xi32>
    %swap3A_107 = vector.shape_cast %select_n3A_101 : vector<256xi32> to vector<1x1x1x256xi32>
    tpu.vector_store %arg7[%swap3A, %swap3A_102, %swap3A_103, %swap3A_104], %swap3A_107 {strides = array<i32>} : memref<1x1x64x256xi32, #tpu.memory_space<vmem>>, vector<1x1x1x256xi32>,
    %broadcast_in_dim3A_108 = vector.shape_cast %reduce_min3A_96 : vector<256xi32> to vector<256x1xi32>
    %eq3A_109 = vector.broadcast %broadcast_in_dim3A_108 : vector<256x1xi32> to vector<256x1024xi32>
    %eq3A_110 = arith.cmpi eq, %min3A_95, %eq3A_109 : vector<256x1024xi32>
    %select_n3A_111 = arith.select %eq3A_110, %max3A, %min3A_95 : vector<256x1024xi1>, vector<256x1024xi32>
    %jit3A_112 = arith.constant 2147483647 : i32
    %broadcast_in_dim3A_113 = vector.broadcast %jit3A_112 : i32 to vector<256x1024xi32>
    %select_n3A_114 = arith.select %eq3A_110, %broadcast_in_dim3A_113, %max3A : vector<256x1024xi1>, vector<256x1024xi32>
    %reduce_min3A_115 = arith.constant dense<2147483647> : vector<256xi32>
    %reduce_min3A_116 = vector.multi_reduction <minsi>, %select_n3A_111, %reduce_min3A_115 [1] : vector<256x1024xi32> to vector<256xi32>
    %ne3A_117 = arith.constant 2147483647 : i32
    %ne3A_118 = vector.broadcast %ne3A_117 : i32 to vector<256xi32>
    %ne3A_119 = arith.cmpi ne, %reduce_min3A_116, %ne3A_118 : vector<256xi32>
    %and3A_120 = arith.constant 2047 : i32
    %and3A_121 = vector.broadcast %and3A_120 : i32 to vector<256xi32>
    %and3A_122 = arith.andi %reduce_min3A_116, %and3A_121 : vector<256xi32>
    %select_n3A_123 = arith.select %ne3A_119, %and3A_122, %add3A_79 : vector<256xi1>, vector<256xi32>
    %swap3A_124 = arith.constant 0 : index
    %swap3A_125 = arith.constant 0 : index
    %swap3A_126 = arith.constant 1 : index
    %swap3A_127 = arith.constant 0 : index
    %swap3A_128 = vector.load %arg7[%swap3A_124, %swap3A_125, %swap3A_126, %swap3A_127] : memref<1x1x64x256xi32, #tpu.memory_space<vmem>>, vector<1x1x1x256xi32>
    %swap3A_129 = vector.shape_cast %swap3A_128 : vector<1x1x1x256xi32> to vector<256xi32>
    %swap3A_130 = vector.shape_cast %select_n3A_123 : vector<256xi32> to vector<1x1x1x256xi32>
    tpu.vector_store %arg7[%swap3A_124, %swap3A_125, %swap3A_126, %swap3A_127], %swap3A_130 {strides = array<i32>} : memref<1x1x64x256xi32, #tpu.memory_space<vmem>>, vector<1x1x1x256xi32>,
    %broadcast_in_dim3A_131 = vector.shape_cast %reduce_min3A_116 : vector<256xi32> to vector<256x1xi32>
    %eq3A_132 = vector.broadcast %broadcast_in_dim3A_131 : vector<256x1xi32> to vector<256x1024xi32>
    %eq3A_133 = arith.cmpi eq, %select_n3A_111, %eq3A_132 : vector<256x1024xi32>
    %select_n3A_134 = arith.select %eq3A_133, %select_n3A_114, %select_n3A_111 : vector<256x1024xi1>, vector<256x1024xi32>
    %jit3A_135 = arith.constant 2147483647 : i32
    %broadcast_in_dim3A_136 = vector.broadcast %jit3A_135 : i32 to vector<256x1024xi32>
    %select_n3A_137 = arith.select %eq3A_133, %broadcast_in_dim3A_136, %select_n3A_114 : vector<256x1024xi1>, vector<256x1024xi32>
    %reduce_min3A_138 = arith.constant dense<2147483647> : vector<256xi32>
    %reduce_min3A_139 = vector.multi_reduction <minsi>, %select_n3A_134, %reduce_min3A_138 [1] : vector<256x1024xi32> to vector<256xi32>
    %ne3A_140 = arith.constant 2147483647 : i32
    %ne3A_141 = vector.broadcast %ne3A_140 : i32 to vector<256xi32>
    %ne3A_142 = arith.cmpi ne, %reduce_min3A_139, %ne3A_141 : vector<256xi32>
    %and3A_143 = arith.constant 2047 : i32
    %and3A_144 = vector.broadcast %and3A_143 : i32 to vector<256xi32>
    %and3A_145 = arith.andi %reduce_min3A_139, %and3A_144 : vector<256xi32>
    %select_n3A_146 = arith.select %ne3A_142, %and3A_145, %add3A_79 : vector<256xi1>, vector<256xi32>
    %swap3A_147 = arith.constant 0 : index
    %swap3A_148 = arith.constant 0 : index
    %swap3A_149 = arith.constant 2 : index
    %swap3A_150 = arith.constant 0 : index
    %swap3A_151 = vector.load %arg7[%swap3A_147, %swap3A_148, %swap3A_149, %swap3A_150] : memref<1x1x64x256xi32, #tpu.memory_space<vmem>>, vector<1x1x1x256xi32>
    %swap3A_152 = vector.shape_cast %swap3A_151 : vector<1x1x1x256xi32> to vector<256xi32>
    %swap3A_153 = vector.shape_cast %select_n3A_146 : vector<256xi32> to vector<1x1x1x256xi32>
    tpu.vector_store %arg7[%swap3A_147, %swap3A_148, %swap3A_149, %swap3A_150], %swap3A_153 {strides = array<i32>} : memref<1x1x64x256xi32, #tpu.memory_space<vmem>>, vector<1x1x1x256xi32>,
    %broadcast_in_dim3A_154 = vector.shape_cast %reduce_min3A_139 : vector<256xi32> to vector<256x1xi32>
    %eq3A_155 = vector.broadcast %broadcast_in_dim3A_154 : vector<256x1xi32> to vector<256x1024xi32>
    %eq3A_156 = arith.cmpi eq, %select_n3A_134, %eq3A_155 : vector<256x1024xi32>
    %select_n3A_157 = arith.select %eq3A_156, %select_n3A_137, %select_n3A_134 : vector<256x1024xi1>, vector<256x1024xi32>
    %reduce_min3A_158 = arith.constant dense<2147483647> : vector<256xi32>
    %reduce_min3A_159 = vector.multi_reduction <minsi>, %select_n3A_157, %reduce_min3A_158 [1] : vector<256x1024xi32> to vector<256xi32>
    %ne3A_160 = arith.constant 2147483647 : i32
    %ne3A_161 = vector.broadcast %ne3A_160 : i32 to vector<256xi32>
    %ne3A_162 = arith.cmpi ne, %reduce_min3A_159, %ne3A_161 : vector<256xi32>
    %and3A_163 = arith.constant 2047 : i32
    %and3A_164 = vector.broadcast %and3A_163 : i32 to vector<256xi32>
    %and3A_165 = arith.andi %reduce_min3A_159, %and3A_164 : vector<256xi32>
    %select_n3A_166 = arith.select %ne3A_162, %and3A_165, %add3A_79 : vector<256xi1>, vector<256xi32>
    %swap3A_167 = arith.constant 0 : index
    %swap3A_168 = arith.constant 0 : index
    %swap3A_169 = arith.constant 3 : index
    %swap3A_170 = arith.constant 0 : index
    %swap3A_171 = vector.load %arg7[%swap3A_167, %swap3A_168, %swap3A_169, %swap3A_170] : memref<1x1x64x256xi32, #tpu.memory_space<vmem>>, vector<1x1x1x256xi32>
    %swap3A_172 = vector.shape_cast %swap3A_171 : vector<1x1x1x256xi32> to vector<256xi32>
    %swap3A_173 = vector.shape_cast %select_n3A_166 : vector<256xi32> to vector<1x1x1x256xi32>
    tpu.vector_store %arg7[%swap3A_167, %swap3A_168, %swap3A_169, %swap3A_170], %swap3A_173 {strides = array<i32>} : memref<1x1x64x256xi32, #tpu.memory_space<vmem>>, vector<1x1x1x256xi32>,
    %eq3A_174 = arith.constant 1 : i32
    %eq3A_175 = vector.broadcast %eq3A_174 : i32 to vector<256x2048xi32>
    %eq3A_176 = arith.cmpi eq, %select_n3A, %eq3A_175 : vector<256x2048xi32>
    %jit3A_177 = arith.constant 2147483647 : i32
    %broadcast_in_dim3A_178 = vector.broadcast %jit3A_177 : i32 to vector<256x2048xi32>
    %select_n3A_179 = arith.select %eq3A_176, %or3A, %broadcast_in_dim3A_178 : vector<256x2048xi1>, vector<256x2048xi32>
    %slice3A_180 = vector.extract_strided_slice %select_n3A_179 {offsets = [0, 0], sizes = [256, 1024], strides = [1, 1]} : vector<256x2048xi32> to vector<256x1024xi32>
    %slice3A_181 = vector.extract_strided_slice %select_n3A_179 {offsets = [0, 1024], sizes = [256, 1024], strides = [1, 1]} : vector<256x2048xi32> to vector<256x1024xi32>
    %min3A_182 = arith.minsi %slice3A_180, %slice3A_181 : vector<256x1024xi32>
    %max3A_183 = arith.maxsi %slice3A_180, %slice3A_181 : vector<256x1024xi32>
    %reduce_min3A_184 = arith.constant dense<2147483647> : vector<256xi32>
    %reduce_min3A_185 = vector.multi_reduction <minsi>, %min3A_182, %reduce_min3A_184 [1] : vector<256x1024xi32> to vector<256xi32>
    %ne3A_186 = arith.constant 2147483647 : i32
    %ne3A_187 = vector.broadcast %ne3A_186 : i32 to vector<256xi32>
    %ne3A_188 = arith.cmpi ne, %reduce_min3A_185, %ne3A_187 : vector<256xi32>
    %and3A_189 = arith.constant 2047 : i32
    %and3A_190 = vector.broadcast %and3A_189 : i32 to vector<256xi32>
    %and3A_191 = arith.andi %reduce_min3A_185, %and3A_190 : vector<256xi32>
    %select_n3A_192 = arith.select %ne3A_188, %and3A_191, %add3A_79 : vector<256xi1>, vector<256xi32>
    %swap3A_193 = arith.constant 0 : index
    %swap3A_194 = arith.constant 0 : index
    %swap3A_195 = arith.constant 4 : index
    %swap3A_196 = arith.constant 0 : index
    %swap3A_197 = vector.load %arg7[%swap3A_193, %swap3A_194, %swap3A_195, %swap3A_196] : memref<1x1x64x256xi32, #tpu.memory_space<vmem>>, vector<1x1x1x256xi32>
    %swap3A_198 = vector.shape_cast %swap3A_197 : vector<1x1x1x256xi32> to vector<256xi32>
    %swap3A_199 = vector.shape_cast %select_n3A_192 : vector<256xi32> to vector<1x1x1x256xi32>
    tpu.vector_store %arg7[%swap3A_193, %swap3A_194, %swap3A_195, %swap3A_196], %swap3A_199 {strides = array<i32>} : memref<1x1x64x256xi32, #tpu.memory_space<vmem>>, vector<1x1x1x256xi32>,
    %broadcast_in_dim3A_200 = vector.shape_cast %reduce_min3A_185 : vector<256xi32> to vector<256x1xi32>
    %eq3A_201 = vector.broadcast %broadcast_in_dim3A_200 : vector<256x1xi32> to vector<256x1024xi32>
    %eq3A_202 = arith.cmpi eq, %min3A_182, %eq3A_201 : vector<256x1024xi32>
    %select_n3A_203 = arith.select %eq3A_202, %max3A_183, %min3A_182 : vector<256x1024xi1>, vector<256x1024xi32>
    %jit3A_204 = arith.constant 2147483647 : i32
    %broadcast_in_dim3A_205 = vector.broadcast %jit3A_204 : i32 to vector<256x1024xi32>
    %select_n3A_206 = arith.select %eq3A_202, %broadcast_in_dim3A_205, %max3A_183 : vector<256x1024xi1>, vector<256x1024xi32>
    %reduce_min3A_207 = arith.constant dense<2147483647> : vector<256xi32>
    %reduce_min3A_208 = vector.multi_reduction <minsi>, %select_n3A_203, %reduce_min3A_207 [1] : vector<256x1024xi32> to vector<256xi32>
    %ne3A_209 = arith.constant 2147483647 : i32
    %ne3A_210 = vector.broadcast %ne3A_209 : i32 to vector<256xi32>
    %ne3A_211 = arith.cmpi ne, %reduce_min3A_208, %ne3A_210 : vector<256xi32>
    %and3A_212 = arith.constant 2047 : i32
    %and3A_213 = vector.broadcast %and3A_212 : i32 to vector<256xi32>
    %and3A_214 = arith.andi %reduce_min3A_208, %and3A_213 : vector<256xi32>
    %select_n3A_215 = arith.select %ne3A_211, %and3A_214, %add3A_79 : vector<256xi1>, vector<256xi32>
    %swap3A_216 = arith.constant 0 : index
    %swap3A_217 = arith.constant 0 : index
    %swap3A_218 = arith.constant 5 : index
    %swap3A_219 = arith.constant 0 : index
    %swap3A_220 = vector.load %arg7[%swap3A_216, %swap3A_217, %swap3A_218, %swap3A_219] : memref<1x1x64x256xi32, #tpu.memory_space<vmem>>, vector<1x1x1x256xi32>
    %swap3A_221 = vector.shape_cast %swap3A_220 : vector<1x1x1x256xi32> to vector<256xi32>
    %swap3A_222 = vector.shape_cast %select_n3A_215 : vector<256xi32> to vector<1x1x1x256xi32>
    tpu.vector_store %arg7[%swap3A_216, %swap3A_217, %swap3A_218, %swap3A_219], %swap3A_222 {strides = array<i32>} : memref<1x1x64x256xi32, #tpu.memory_space<vmem>>, vector<1x1x1x256xi32>,
    %broadcast_in_dim3A_223 = vector.shape_cast %reduce_min3A_208 : vector<256xi32> to vector<256x1xi32>
    %eq3A_224 = vector.broadcast %broadcast_in_dim3A_223 : vector<256x1xi32> to vector<256x1024xi32>
    %eq3A_225 = arith.cmpi eq, %select_n3A_203, %eq3A_224 : vector<256x1024xi32>
    %select_n3A_226 = arith.select %eq3A_225, %select_n3A_206, %select_n3A_203 : vector<256x1024xi1>, vector<256x1024xi32>
    %jit3A_227 = arith.constant 2147483647 : i32
    %broadcast_in_dim3A_228 = vector.broadcast %jit3A_227 : i32 to vector<256x1024xi32>
    %select_n3A_229 = arith.select %eq3A_225, %broadcast_in_dim3A_228, %select_n3A_206 : vector<256x1024xi1>, vector<256x1024xi32>
    %reduce_min3A_230 = arith.constant dense<2147483647> : vector<256xi32>
    %reduce_min3A_231 = vector.multi_reduction <minsi>, %select_n3A_226, %reduce_min3A_230 [1] : vector<256x1024xi32> to vector<256xi32>
    %ne3A_232 = arith.constant 2147483647 : i32
    %ne3A_233 = vector.broadcast %ne3A_232 : i32 to vector<256xi32>
    %ne3A_234 = arith.cmpi ne, %reduce_min3A_231, %ne3A_233 : vector<256xi32>
    %and3A_235 = arith.constant 2047 : i32
    %and3A_236 = vector.broadcast %and3A_235 : i32 to vector<256xi32>
    %and3A_237 = arith.andi %reduce_min3A_231, %and3A_236 : vector<256xi32>
    %select_n3A_238 = arith.select %ne3A_234, %and3A_237, %add3A_79 : vector<256xi1>, vector<256xi32>
    %swap3A_239 = arith.constant 0 : index
    %swap3A_240 = arith.constant 0 : index
    %swap3A_241 = arith.constant 6 : index
    %swap3A_242 = arith.constant 0 : index
    %swap3A_243 = vector.load %arg7[%swap3A_239, %swap3A_240, %swap3A_241, %swap3A_242] : memref<1x1x64x256xi32, #tpu.memory_space<vmem>>, vector<1x1x1x256xi32>
    %swap3A_244 = vector.shape_cast %swap3A_243 : vector<1x1x1x256xi32> to vector<256xi32>
    %swap3A_245 = vector.shape_cast %select_n3A_238 : vector<256xi32> to vector<1x1x1x256xi32>
    tpu.vector_store %arg7[%swap3A_239, %swap3A_240, %swap3A_241, %swap3A_242], %swap3A_245 {strides = array<i32>} : memref<1x1x64x256xi32, #tpu.memory_space<vmem>>, vector<1x1x1x256xi32>,
    %broadcast_in_dim3A_246 = vector.shape_cast %reduce_min3A_231 : vector<256xi32> to vector<256x1xi32>
    %eq3A_247 = vector.broadcast %broadcast_in_dim3A_246 : vector<256x1xi32> to vector<256x1024xi32>
    %eq3A_248 = arith.cmpi eq, %select_n3A_226, %eq3A_247 : vector<256x1024xi32>
    %select_n3A_249 = arith.select %eq3A_248, %select_n3A_229, %select_n3A_226 : vector<256x1024xi1>, vector<256x1024xi32>
    %reduce_min3A_250 = arith.constant dense<2147483647> : vector<256xi32>
    %reduce_min3A_251 = vector.multi_reduction <minsi>, %select_n3A_249, %reduce_min3A_250 [1] : vector<256x1024xi32> to vector<256xi32>
    %ne3A_252 = arith.constant 2147483647 : i32
    %ne3A_253 = vector.broadcast %ne3A_252 : i32 to vector<256xi32>
    %ne3A_254 = arith.cmpi ne, %reduce_min3A_251, %ne3A_253 : vector<256xi32>
    %and3A_255 = arith.constant 2047 : i32
    %and3A_256 = vector.broadcast %and3A_255 : i32 to vector<256xi32>
    %and3A_257 = arith.andi %reduce_min3A_251, %and3A_256 : vector<256xi32>
    %select_n3A_258 = arith.select %ne3A_254, %and3A_257, %add3A_79 : vector<256xi1>, vector<256xi32>
    %swap3A_259 = arith.constant 0 : index
    %swap3A_260 = arith.constant 0 : index
    %swap3A_261 = arith.constant 7 : index
    %swap3A_262 = arith.constant 0 : index
    %swap3A_263 = vector.load %arg7[%swap3A_259, %swap3A_260, %swap3A_261, %swap3A_262] : memref<1x1x64x256xi32, #tpu.memory_space<vmem>>, vector<1x1x1x256xi32>
    %swap3A_264 = vector.shape_cast %swap3A_263 : vector<1x1x1x256xi32> to vector<256xi32>
    %swap3A_265 = vector.shape_cast %select_n3A_258 : vector<256xi32> to vector<1x1x1x256xi32>
    tpu.vector_store %arg7[%swap3A_259, %swap3A_260, %swap3A_261, %swap3A_262], %swap3A_265 {strides = array<i32>} : memref<1x1x64x256xi32, #tpu.memory_space<vmem>>, vector<1x1x1x256xi32>,
    %eq3A_266 = arith.constant 2 : i32
    %eq3A_267 = vector.broadcast %eq3A_266 : i32 to vector<256x2048xi32>
    %eq3A_268 = arith.cmpi eq, %select_n3A, %eq3A_267 : vector<256x2048xi32>
    %jit3A_269 = arith.constant 2147483647 : i32
    %broadcast_in_dim3A_270 = vector.broadcast %jit3A_269 : i32 to vector<256x2048xi32>
    %select_n3A_271 = arith.select %eq3A_268, %or3A, %broadcast_in_dim3A_270 : vector<256x2048xi1>, vector<256x2048xi32>
    %slice3A_272 = vector.extract_strided_slice %select_n3A_271 {offsets = [0, 0], sizes = [256, 1024], strides = [1, 1]} : vector<256x2048xi32> to vector<256x1024xi32>
    %slice3A_273 = vector.extract_strided_slice %select_n3A_271 {offsets = [0, 1024], sizes = [256, 1024], strides = [1, 1]} : vector<256x2048xi32> to vector<256x1024xi32>
    %min3A_274 = arith.minsi %slice3A_272, %slice3A_273 : vector<256x1024xi32>
    %max3A_275 = arith.maxsi %slice3A_272, %slice3A_273 : vector<256x1024xi32>
    %reduce_min3A_276 = arith.constant dense<2147483647> : vector<256xi32>
    %reduce_min3A_277 = vector.multi_reduction <minsi>, %min3A_274, %reduce_min3A_276 [1] : vector<256x1024xi32> to vector<256xi32>
    %ne3A_278 = arith.constant 2147483647 : i32
    %ne3A_279 = vector.broadcast %ne3A_278 : i32 to vector<256xi32>
    %ne3A_280 = arith.cmpi ne, %reduce_min3A_277, %ne3A_279 : vector<256xi32>
    %and3A_281 = arith.constant 2047 : i32
    %and3A_282 = vector.broadcast %and3A_281 : i32 to vector<256xi32>
    %and3A_283 = arith.andi %reduce_min3A_277, %and3A_282 : vector<256xi32>
    %select_n3A_284 = arith.select %ne3A_280, %and3A_283, %add3A_79 : vector<256xi1>, vector<256xi32>
    %swap3A_285 = arith.constant 0 : index
    %swap3A_286 = arith.constant 0 : index
    %swap3A_287 = arith.constant 8 : index
    %swap3A_288 = arith.constant 0 : index
    %swap3A_289 = vector.load %arg7[%swap3A_285, %swap3A_286, %swap3A_287, %swap3A_288] : memref<1x1x64x256xi32, #tpu.memory_space<vmem>>, vector<1x1x1x256xi32>
    %swap3A_290 = vector.shape_cast %swap3A_289 : vector<1x1x1x256xi32> to vector<256xi32>
    %swap3A_291 = vector.shape_cast %select_n3A_284 : vector<256xi32> to vector<1x1x1x256xi32>
    tpu.vector_store %arg7[%swap3A_285, %swap3A_286, %swap3A_287, %swap3A_288], %swap3A_291 {strides = array<i32>} : memref<1x1x64x256xi32, #tpu.memory_space<vmem>>, vector<1x1x1x256xi32>,
    %broadcast_in_dim3A_292 = vector.shape_cast %reduce_min3A_277 : vector<256xi32> to vector<256x1xi32>
    %eq3A_293 = vector.broadcast %broadcast_in_dim3A_292 : vector<256x1xi32> to vector<256x1024xi32>
    %eq3A_294 = arith.cmpi eq, %min3A_274, %eq3A_293 : vector<256x1024xi32>
    %select_n3A_295 = arith.select %eq3A_294, %max3A_275, %min3A_274 : vector<256x1024xi1>, vector<256x1024xi32>
    %jit3A_296 = arith.constant 2147483647 : i32
    %broadcast_in_dim3A_297 = vector.broadcast %jit3A_296 : i32 to vector<256x1024xi32>
    %select_n3A_298 = arith.select %eq3A_294, %broadcast_in_dim3A_297, %max3A_275 : vector<256x1024xi1>, vector<256x1024xi32>
    %reduce_min3A_299 = arith.constant dense<2147483647> : vector<256xi32>
    %reduce_min3A_300 = vector.multi_reduction <minsi>, %select_n3A_295, %reduce_min3A_299 [1] : vector<256x1024xi32> to vector<256xi32>
    %ne3A_301 = arith.constant 2147483647 : i32
    %ne3A_302 = vector.broadcast %ne3A_301 : i32 to vector<256xi32>
    %ne3A_303 = arith.cmpi ne, %reduce_min3A_300, %ne3A_302 : vector<256xi32>
    %and3A_304 = arith.constant 2047 : i32
    %and3A_305 = vector.broadcast %and3A_304 : i32 to vector<256xi32>
    %and3A_306 = arith.andi %reduce_min3A_300, %and3A_305 : vector<256xi32>
    %select_n3A_307 = arith.select %ne3A_303, %and3A_306, %add3A_79 : vector<256xi1>, vector<256xi32>
    %swap3A_308 = arith.constant 0 : index
    %swap3A_309 = arith.constant 0 : index
    %swap3A_310 = arith.constant 9 : index
    %swap3A_311 = arith.constant 0 : index
    %swap3A_312 = vector.load %arg7[%swap3A_308, %swap3A_309, %swap3A_310, %swap3A_311] : memref<1x1x64x256xi32, #tpu.memory_space<vmem>>, vector<1x1x1x256xi32>
    %swap3A_313 = vector.shape_cast %swap3A_312 : vector<1x1x1x256xi32> to vector<256xi32>
    %swap3A_314 = vector.shape_cast %select_n3A_307 : vector<256xi32> to vector<1x1x1x256xi32>
    tpu.vector_store %arg7[%swap3A_308, %swap3A_309, %swap3A_310, %swap3A_311], %swap3A_314 {strides = array<i32>} : memref<1x1x64x256xi32, #tpu.memory_space<vmem>>, vector<1x1x1x256xi32>,
    %broadcast_in_dim3A_315 = vector.shape_cast %reduce_min3A_300 : vector<256xi32> to vector<256x1xi32>
    %eq3A_316 = vector.broadcast %broadcast_in_dim3A_315 : vector<256x1xi32> to vector<256x1024xi32>
    %eq3A_317 = arith.cmpi eq, %select_n3A_295, %eq3A_316 : vector<256x1024xi32>
    %select_n3A_318 = arith.select %eq3A_317, %select_n3A_298, %select_n3A_295 : vector<256x1024xi1>, vector<256x1024xi32>
    %jit3A_319 = arith.constant 2147483647 : i32
    %broadcast_in_dim3A_320 = vector.broadcast %jit3A_319 : i32 to vector<256x1024xi32>
    %select_n3A_321 = arith.select %eq3A_317, %broadcast_in_dim3A_320, %select_n3A_298 : vector<256x1024xi1>, vector<256x1024xi32>
    %reduce_min3A_322 = arith.constant dense<2147483647> : vector<256xi32>
    %reduce_min3A_323 = vector.multi_reduction <minsi>, %select_n3A_318, %reduce_min3A_322 [1] : vector<256x1024xi32> to vector<256xi32>
    %ne3A_324 = arith.constant 2147483647 : i32
    %ne3A_325 = vector.broadcast %ne3A_324 : i32 to vector<256xi32>
    %ne3A_326 = arith.cmpi ne, %reduce_min3A_323, %ne3A_325 : vector<256xi32>
    %and3A_327 = arith.constant 2047 : i32
    %and3A_328 = vector.broadcast %and3A_327 : i32 to vector<256xi32>
    %and3A_329 = arith.andi %reduce_min3A_323, %and3A_328 : vector<256xi32>
    %select_n3A_330 = arith.select %ne3A_326, %and3A_329, %add3A_79 : vector<256xi1>, vector<256xi32>
    %swap3A_331 = arith.constant 0 : index
    %swap3A_332 = arith.constant 0 : index
    %swap3A_333 = arith.constant 10 : index
    %swap3A_334 = arith.constant 0 : index
    %swap3A_335 = vector.load %arg7[%swap3A_331, %swap3A_332, %swap3A_333, %swap3A_334] : memref<1x1x64x256xi32, #tpu.memory_space<vmem>>, vector<1x1x1x256xi32>
    %swap3A_336 = vector.shape_cast %swap3A_335 : vector<1x1x1x256xi32> to vector<256xi32>
    %swap3A_337 = vector.shape_cast %select_n3A_330 : vector<256xi32> to vector<1x1x1x256xi32>
    tpu.vector_store %arg7[%swap3A_331, %swap3A_332, %swap3A_333, %swap3A_334], %swap3A_337 {strides = array<i32>} : memref<1x1x64x256xi32, #tpu.memory_space<vmem>>, vector<1x1x1x256xi32>,
    %broadcast_in_dim3A_338 = vector.shape_cast %reduce_min3A_323 : vector<256xi32> to vector<256x1xi32>
    %eq3A_339 = vector.broadcast %broadcast_in_dim3A_338 : vector<256x1xi32> to vector<256x1024xi32>
    %eq3A_340 = arith.cmpi eq, %select_n3A_318, %eq3A_339 : vector<256x1024xi32>
    %select_n3A_341 = arith.select %eq3A_340, %select_n3A_321, %select_n3A_318 : vector<256x1024xi1>, vector<256x1024xi32>
    %reduce_min3A_342 = arith.constant dense<2147483647> : vector<256xi32>
    %reduce_min3A_343 = vector.multi_reduction <minsi>, %select_n3A_341, %reduce_min3A_342 [1] : vector<256x1024xi32> to vector<256xi32>
    %ne3A_344 = arith.constant 2147483647 : i32
    %ne3A_345 = vector.broadcast %ne3A_344 : i32 to vector<256xi32>
    %ne3A_346 = arith.cmpi ne, %reduce_min3A_343, %ne3A_345 : vector<256xi32>
    %and3A_347 = arith.constant 2047 : i32
    %and3A_348 = vector.broadcast %and3A_347 : i32 to vector<256xi32>
    %and3A_349 = arith.andi %reduce_min3A_343, %and3A_348 : vector<256xi32>
    %select_n3A_350 = arith.select %ne3A_346, %and3A_349, %add3A_79 : vector<256xi1>, vector<256xi32>
    %swap3A_351 = arith.constant 0 : index
    %swap3A_352 = arith.constant 0 : index
    %swap3A_353 = arith.constant 11 : index
    %swap3A_354 = arith.constant 0 : index
    %swap3A_355 = vector.load %arg7[%swap3A_351, %swap3A_352, %swap3A_353, %swap3A_354] : memref<1x1x64x256xi32, #tpu.memory_space<vmem>>, vector<1x1x1x256xi32>
    %swap3A_356 = vector.shape_cast %swap3A_355 : vector<1x1x1x256xi32> to vector<256xi32>
    %swap3A_357 = vector.shape_cast %select_n3A_350 : vector<256xi32> to vector<1x1x1x256xi32>
    tpu.vector_store %arg7[%swap3A_351, %swap3A_352, %swap3A_353, %swap3A_354], %swap3A_357 {strides = array<i32>} : memref<1x1x64x256xi32, #tpu.memory_space<vmem>>, vector<1x1x1x256xi32>,
    %eq3A_358 = arith.constant 3 : i32
    %eq3A_359 = vector.broadcast %eq3A_358 : i32 to vector<256x2048xi32>
    %eq3A_360 = arith.cmpi eq, %select_n3A, %eq3A_359 : vector<256x2048xi32>
    %jit3A_361 = arith.constant 2147483647 : i32
    %broadcast_in_dim3A_362 = vector.broadcast %jit3A_361 : i32 to vector<256x2048xi32>
    %select_n3A_363 = arith.select %eq3A_360, %or3A, %broadcast_in_dim3A_362 : vector<256x2048xi1>, vector<256x2048xi32>
    %slice3A_364 = vector.extract_strided_slice %select_n3A_363 {offsets = [0, 0], sizes = [256, 1024], strides = [1, 1]} : vector<256x2048xi32> to vector<256x1024xi32>
    %slice3A_365 = vector.extract_strided_slice %select_n3A_363 {offsets = [0, 1024], sizes = [256, 1024], strides = [1, 1]} : vector<256x2048xi32> to vector<256x1024xi32>
    %min3A_366 = arith.minsi %slice3A_364, %slice3A_365 : vector<256x1024xi32>
    %max3A_367 = arith.maxsi %slice3A_364, %slice3A_365 : vector<256x1024xi32>
    %reduce_min3A_368 = arith.constant dense<2147483647> : vector<256xi32>
    %reduce_min3A_369 = vector.multi_reduction <minsi>, %min3A_366, %reduce_min3A_368 [1] : vector<256x1024xi32> to vector<256xi32>
    %ne3A_370 = arith.constant 2147483647 : i32
    %ne3A_371 = vector.broadcast %ne3A_370 : i32 to vector<256xi32>
    %ne3A_372 = arith.cmpi ne, %reduce_min3A_369, %ne3A_371 : vector<256xi32>
    %and3A_373 = arith.constant 2047 : i32
    %and3A_374 = vector.broadcast %and3A_373 : i32 to vector<256xi32>
    %and3A_375 = arith.andi %reduce_min3A_369, %and3A_374 : vector<256xi32>
    %select_n3A_376 = arith.select %ne3A_372, %and3A_375, %add3A_79 : vector<256xi1>, vector<256xi32>
    %swap3A_377 = arith.constant 0 : index
    %swap3A_378 = arith.constant 0 : index
    %swap3A_379 = arith.constant 12 : index
    %swap3A_380 = arith.constant 0 : index
    %swap3A_381 = vector.load %arg7[%swap3A_377, %swap3A_378, %swap3A_379, %swap3A_380] : memref<1x1x64x256xi32, #tpu.memory_space<vmem>>, vector<1x1x1x256xi32>
    %swap3A_382 = vector.shape_cast %swap3A_381 : vector<1x1x1x256xi32> to vector<256xi32>
    %swap3A_383 = vector.shape_cast %select_n3A_376 : vector<256xi32> to vector<1x1x1x256xi32>
    tpu.vector_store %arg7[%swap3A_377, %swap3A_378, %swap3A_379, %swap3A_380], %swap3A_383 {strides = array<i32>} : memref<1x1x64x256xi32, #tpu.memory_space<vmem>>, vector<1x1x1x256xi32>,
    %broadcast_in_dim3A_384 = vector.shape_cast %reduce_min3A_369 : vector<256xi32> to vector<256x1xi32>
    %eq3A_385 = vector.broadcast %broadcast_in_dim3A_384 : vector<256x1xi32> to vector<256x1024xi32>
    %eq3A_386 = arith.cmpi eq, %min3A_366, %eq3A_385 : vector<256x1024xi32>
    %select_n3A_387 = arith.select %eq3A_386, %max3A_367, %min3A_366 : vector<256x1024xi1>, vector<256x1024xi32>
    %jit3A_388 = arith.constant 2147483647 : i32
    %broadcast_in_dim3A_389 = vector.broadcast %jit3A_388 : i32 to vector<256x1024xi32>
    %select_n3A_390 = arith.select %eq3A_386, %broadcast_in_dim3A_389, %max3A_367 : vector<256x1024xi1>, vector<256x1024xi32>
    %reduce_min3A_391 = arith.constant dense<2147483647> : vector<256xi32>
    %reduce_min3A_392 = vector.multi_reduction <minsi>, %select_n3A_387, %reduce_min3A_391 [1] : vector<256x1024xi32> to vector<256xi32>
    %ne3A_393 = arith.constant 2147483647 : i32
    %ne3A_394 = vector.broadcast %ne3A_393 : i32 to vector<256xi32>
    %ne3A_395 = arith.cmpi ne, %reduce_min3A_392, %ne3A_394 : vector<256xi32>
    %and3A_396 = arith.constant 2047 : i32
    %and3A_397 = vector.broadcast %and3A_396 : i32 to vector<256xi32>
    %and3A_398 = arith.andi %reduce_min3A_392, %and3A_397 : vector<256xi32>
    %select_n3A_399 = arith.select %ne3A_395, %and3A_398, %add3A_79 : vector<256xi1>, vector<256xi32>
    %swap3A_400 = arith.constant 0 : index
    %swap3A_401 = arith.constant 0 : index
    %swap3A_402 = arith.constant 13 : index
    %swap3A_403 = arith.constant 0 : index
    %swap3A_404 = vector.load %arg7[%swap3A_400, %swap3A_401, %swap3A_402, %swap3A_403] : memref<1x1x64x256xi32, #tpu.memory_space<vmem>>, vector<1x1x1x256xi32>
    %swap3A_405 = vector.shape_cast %swap3A_404 : vector<1x1x1x256xi32> to vector<256xi32>
    %swap3A_406 = vector.shape_cast %select_n3A_399 : vector<256xi32> to vector<1x1x1x256xi32>
    tpu.vector_store %arg7[%swap3A_400, %swap3A_401, %swap3A_402, %swap3A_403], %swap3A_406 {strides = array<i32>} : memref<1x1x64x256xi32, #tpu.memory_space<vmem>>, vector<1x1x1x256xi32>,
    %broadcast_in_dim3A_407 = vector.shape_cast %reduce_min3A_392 : vector<256xi32> to vector<256x1xi32>
    %eq3A_408 = vector.broadcast %broadcast_in_dim3A_407 : vector<256x1xi32> to vector<256x1024xi32>
    %eq3A_409 = arith.cmpi eq, %select_n3A_387, %eq3A_408 : vector<256x1024xi32>
    %select_n3A_410 = arith.select %eq3A_409, %select_n3A_390, %select_n3A_387 : vector<256x1024xi1>, vector<256x1024xi32>
    %jit3A_411 = arith.constant 2147483647 : i32
    %broadcast_in_dim3A_412 = vector.broadcast %jit3A_411 : i32 to vector<256x1024xi32>
    %select_n3A_413 = arith.select %eq3A_409, %broadcast_in_dim3A_412, %select_n3A_390 : vector<256x1024xi1>, vector<256x1024xi32>
    %reduce_min3A_414 = arith.constant dense<2147483647> : vector<256xi32>
    %reduce_min3A_415 = vector.multi_reduction <minsi>, %select_n3A_410, %reduce_min3A_414 [1] : vector<256x1024xi32> to vector<256xi32>
    %ne3A_416 = arith.constant 2147483647 : i32
    %ne3A_417 = vector.broadcast %ne3A_416 : i32 to vector<256xi32>
    %ne3A_418 = arith.cmpi ne, %reduce_min3A_415, %ne3A_417 : vector<256xi32>
    %and3A_419 = arith.constant 2047 : i32
    %and3A_420 = vector.broadcast %and3A_419 : i32 to vector<256xi32>
    %and3A_421 = arith.andi %reduce_min3A_415, %and3A_420 : vector<256xi32>
    %select_n3A_422 = arith.select %ne3A_418, %and3A_421, %add3A_79 : vector<256xi1>, vector<256xi32>
    %swap3A_423 = arith.constant 0 : index
    %swap3A_424 = arith.constant 0 : index
    %swap3A_425 = arith.constant 14 : index
    %swap3A_426 = arith.constant 0 : index
    %swap3A_427 = vector.load %arg7[%swap3A_423, %swap3A_424, %swap3A_425, %swap3A_426] : memref<1x1x64x256xi32, #tpu.memory_space<vmem>>, vector<1x1x1x256xi32>
    %swap3A_428 = vector.shape_cast %swap3A_427 : vector<1x1x1x256xi32> to vector<256xi32>
    %swap3A_429 = vector.shape_cast %select_n3A_422 : vector<256xi32> to vector<1x1x1x256xi32>
    tpu.vector_store %arg7[%swap3A_423, %swap3A_424, %swap3A_425, %swap3A_426], %swap3A_429 {strides = array<i32>} : memref<1x1x64x256xi32, #tpu.memory_space<vmem>>, vector<1x1x1x256xi32>,
    %broadcast_in_dim3A_430 = vector.shape_cast %reduce_min3A_415 : vector<256xi32> to vector<256x1xi32>
    %eq3A_431 = vector.broadcast %broadcast_in_dim3A_430 : vector<256x1xi32> to vector<256x1024xi32>
    %eq3A_432 = arith.cmpi eq, %select_n3A_410, %eq3A_431 : vector<256x1024xi32>
    %select_n3A_433 = arith.select %eq3A_432, %select_n3A_413, %select_n3A_410 : vector<256x1024xi1>, vector<256x1024xi32>
    %reduce_min3A_434 = arith.constant dense<2147483647> : vector<256xi32>
    %reduce_min3A_435 = vector.multi_reduction <minsi>, %select_n3A_433, %reduce_min3A_434 [1] : vector<256x1024xi32> to vector<256xi32>
    %ne3A_436 = arith.constant 2147483647 : i32
    %ne3A_437 = vector.broadcast %ne3A_436 : i32 to vector<256xi32>
    %ne3A_438 = arith.cmpi ne, %reduce_min3A_435, %ne3A_437 : vector<256xi32>
    %and3A_439 = arith.constant 2047 : i32
    %and3A_440 = vector.broadcast %and3A_439 : i32 to vector<256xi32>
    %and3A_441 = arith.andi %reduce_min3A_435, %and3A_440 : vector<256xi32>
    %select_n3A_442 = arith.select %ne3A_438, %and3A_441, %add3A_79 : vector<256xi1>, vector<256xi32>
    %swap3A_443 = arith.constant 0 : index
    %swap3A_444 = arith.constant 0 : index
    %swap3A_445 = arith.constant 15 : index
    %swap3A_446 = arith.constant 0 : index
    %swap3A_447 = vector.load %arg7[%swap3A_443, %swap3A_444, %swap3A_445, %swap3A_446] : memref<1x1x64x256xi32, #tpu.memory_space<vmem>>, vector<1x1x1x256xi32>
    %swap3A_448 = vector.shape_cast %swap3A_447 : vector<1x1x1x256xi32> to vector<256xi32>
    %swap3A_449 = vector.shape_cast %select_n3A_442 : vector<256xi32> to vector<1x1x1x256xi32>
    tpu.vector_store %arg7[%swap3A_443, %swap3A_444, %swap3A_445, %swap3A_446], %swap3A_449 {strides = array<i32>} : memref<1x1x64x256xi32, #tpu.memory_space<vmem>>, vector<1x1x1x256xi32>,
    %eq3A_450 = arith.constant 4 : i32
    %eq3A_451 = vector.broadcast %eq3A_450 : i32 to vector<256x2048xi32>
    %eq3A_452 = arith.cmpi eq, %select_n3A, %eq3A_451 : vector<256x2048xi32>
    %jit3A_453 = arith.constant 2147483647 : i32
    %broadcast_in_dim3A_454 = vector.broadcast %jit3A_453 : i32 to vector<256x2048xi32>
    %select_n3A_455 = arith.select %eq3A_452, %or3A, %broadcast_in_dim3A_454 : vector<256x2048xi1>, vector<256x2048xi32>
    %slice3A_456 = vector.extract_strided_slice %select_n3A_455 {offsets = [0, 0], sizes = [256, 1024], strides = [1, 1]} : vector<256x2048xi32> to vector<256x1024xi32>
    %slice3A_457 = vector.extract_strided_slice %select_n3A_455 {offsets = [0, 1024], sizes = [256, 1024], strides = [1, 1]} : vector<256x2048xi32> to vector<256x1024xi32>
    %min3A_458 = arith.minsi %slice3A_456, %slice3A_457 : vector<256x1024xi32>
    %max3A_459 = arith.maxsi %slice3A_456, %slice3A_457 : vector<256x1024xi32>
    %reduce_min3A_460 = arith.constant dense<2147483647> : vector<256xi32>
    %reduce_min3A_461 = vector.multi_reduction <minsi>, %min3A_458, %reduce_min3A_460 [1] : vector<256x1024xi32> to vector<256xi32>
    %ne3A_462 = arith.constant 2147483647 : i32
    %ne3A_463 = vector.broadcast %ne3A_462 : i32 to vector<256xi32>
    %ne3A_464 = arith.cmpi ne, %reduce_min3A_461, %ne3A_463 : vector<256xi32>
    %and3A_465 = arith.constant 2047 : i32
    %and3A_466 = vector.broadcast %and3A_465 : i32 to vector<256xi32>
    %and3A_467 = arith.andi %reduce_min3A_461, %and3A_466 : vector<256xi32>
    %select_n3A_468 = arith.select %ne3A_464, %and3A_467, %add3A_79 : vector<256xi1>, vector<256xi32>
    %swap3A_469 = arith.constant 0 : index
    %swap3A_470 = arith.constant 0 : index
    %swap3A_471 = arith.constant 16 : index
    %swap3A_472 = arith.constant 0 : index
    %swap3A_473 = vector.load %arg7[%swap3A_469, %swap3A_470, %swap3A_471, %swap3A_472] : memref<1x1x64x256xi32, #tpu.memory_space<vmem>>, vector<1x1x1x256xi32>
    %swap3A_474 = vector.shape_cast %swap3A_473 : vector<1x1x1x256xi32> to vector<256xi32>
    %swap3A_475 = vector.shape_cast %select_n3A_468 : vector<256xi32> to vector<1x1x1x256xi32>
    tpu.vector_store %arg7[%swap3A_469, %swap3A_470, %swap3A_471, %swap3A_472], %swap3A_475 {strides = array<i32>} : memref<1x1x64x256xi32, #tpu.memory_space<vmem>>, vector<1x1x1x256xi32>,
    %broadcast_in_dim3A_476 = vector.shape_cast %reduce_min3A_461 : vector<256xi32> to vector<256x1xi32>
    %eq3A_477 = vector.broadcast %broadcast_in_dim3A_476 : vector<256x1xi32> to vector<256x1024xi32>
    %eq3A_478 = arith.cmpi eq, %min3A_458, %eq3A_477 : vector<256x1024xi32>
    %select_n3A_479 = arith.select %eq3A_478, %max3A_459, %min3A_458 : vector<256x1024xi1>, vector<256x1024xi32>
    %jit3A_480 = arith.constant 2147483647 : i32
    %broadcast_in_dim3A_481 = vector.broadcast %jit3A_480 : i32 to vector<256x1024xi32>
    %select_n3A_482 = arith.select %eq3A_478, %broadcast_in_dim3A_481, %max3A_459 : vector<256x1024xi1>, vector<256x1024xi32>
    %reduce_min3A_483 = arith.constant dense<2147483647> : vector<256xi32>
    %reduce_min3A_484 = vector.multi_reduction <minsi>, %select_n3A_479, %reduce_min3A_483 [1] : vector<256x1024xi32> to vector<256xi32>
    %ne3A_485 = arith.constant 2147483647 : i32
    %ne3A_486 = vector.broadcast %ne3A_485 : i32 to vector<256xi32>
    %ne3A_487 = arith.cmpi ne, %reduce_min3A_484, %ne3A_486 : vector<256xi32>
    %and3A_488 = arith.constant 2047 : i32
    %and3A_489 = vector.broadcast %and3A_488 : i32 to vector<256xi32>
    %and3A_490 = arith.andi %reduce_min3A_484, %and3A_489 : vector<256xi32>
    %select_n3A_491 = arith.select %ne3A_487, %and3A_490, %add3A_79 : vector<256xi1>, vector<256xi32>
    %swap3A_492 = arith.constant 0 : index
    %swap3A_493 = arith.constant 0 : index
    %swap3A_494 = arith.constant 17 : index
    %swap3A_495 = arith.constant 0 : index
    %swap3A_496 = vector.load %arg7[%swap3A_492, %swap3A_493, %swap3A_494, %swap3A_495] : memref<1x1x64x256xi32, #tpu.memory_space<vmem>>, vector<1x1x1x256xi32>
    %swap3A_497 = vector.shape_cast %swap3A_496 : vector<1x1x1x256xi32> to vector<256xi32>
    %swap3A_498 = vector.shape_cast %select_n3A_491 : vector<256xi32> to vector<1x1x1x256xi32>
    tpu.vector_store %arg7[%swap3A_492, %swap3A_493, %swap3A_494, %swap3A_495], %swap3A_498 {strides = array<i32>} : memref<1x1x64x256xi32, #tpu.memory_space<vmem>>, vector<1x1x1x256xi32>,
    %broadcast_in_dim3A_499 = vector.shape_cast %reduce_min3A_484 : vector<256xi32> to vector<256x1xi32>
    %eq3A_500 = vector.broadcast %broadcast_in_dim3A_499 : vector<256x1xi32> to vector<256x1024xi32>
    %eq3A_501 = arith.cmpi eq, %select_n3A_479, %eq3A_500 : vector<256x1024xi32>
    %select_n3A_502 = arith.select %eq3A_501, %select_n3A_482, %select_n3A_479 : vector<256x1024xi1>, vector<256x1024xi32>
    %jit3A_503 = arith.constant 2147483647 : i32
    %broadcast_in_dim3A_504 = vector.broadcast %jit3A_503 : i32 to vector<256x1024xi32>
    %select_n3A_505 = arith.select %eq3A_501, %broadcast_in_dim3A_504, %select_n3A_482 : vector<256x1024xi1>, vector<256x1024xi32>
    %reduce_min3A_506 = arith.constant dense<2147483647> : vector<256xi32>
    %reduce_min3A_507 = vector.multi_reduction <minsi>, %select_n3A_502, %reduce_min3A_506 [1] : vector<256x1024xi32> to vector<256xi32>
    %ne3A_508 = arith.constant 2147483647 : i32
    %ne3A_509 = vector.broadcast %ne3A_508 : i32 to vector<256xi32>
    %ne3A_510 = arith.cmpi ne, %reduce_min3A_507, %ne3A_509 : vector<256xi32>
    %and3A_511 = arith.constant 2047 : i32
    %and3A_512 = vector.broadcast %and3A_511 : i32 to vector<256xi32>
    %and3A_513 = arith.andi %reduce_min3A_507, %and3A_512 : vector<256xi32>
    %select_n3A_514 = arith.select %ne3A_510, %and3A_513, %add3A_79 : vector<256xi1>, vector<256xi32>
    %swap3A_515 = arith.constant 0 : index
    %swap3A_516 = arith.constant 0 : index
    %swap3A_517 = arith.constant 18 : index
    %swap3A_518 = arith.constant 0 : index
    %swap3A_519 = vector.load %arg7[%swap3A_515, %swap3A_516, %swap3A_517, %swap3A_518] : memref<1x1x64x256xi32, #tpu.memory_space<vmem>>, vector<1x1x1x256xi32>
    %swap3A_520 = vector.shape_cast %swap3A_519 : vector<1x1x1x256xi32> to vector<256xi32>
    %swap3A_521 = vector.shape_cast %select_n3A_514 : vector<256xi32> to vector<1x1x1x256xi32>
    tpu.vector_store %arg7[%swap3A_515, %swap3A_516, %swap3A_517, %swap3A_518], %swap3A_521 {strides = array<i32>} : memref<1x1x64x256xi32, #tpu.memory_space<vmem>>, vector<1x1x1x256xi32>,
    %broadcast_in_dim3A_522 = vector.shape_cast %reduce_min3A_507 : vector<256xi32> to vector<256x1xi32>
    %eq3A_523 = vector.broadcast %broadcast_in_dim3A_522 : vector<256x1xi32> to vector<256x1024xi32>
    %eq3A_524 = arith.cmpi eq, %select_n3A_502, %eq3A_523 : vector<256x1024xi32>
    %select_n3A_525 = arith.select %eq3A_524, %select_n3A_505, %select_n3A_502 : vector<256x1024xi1>, vector<256x1024xi32>
    %reduce_min3A_526 = arith.constant dense<2147483647> : vector<256xi32>
    %reduce_min3A_527 = vector.multi_reduction <minsi>, %select_n3A_525, %reduce_min3A_526 [1] : vector<256x1024xi32> to vector<256xi32>
    %ne3A_528 = arith.constant 2147483647 : i32
    %ne3A_529 = vector.broadcast %ne3A_528 : i32 to vector<256xi32>
    %ne3A_530 = arith.cmpi ne, %reduce_min3A_527, %ne3A_529 : vector<256xi32>
    %and3A_531 = arith.constant 2047 : i32
    %and3A_532 = vector.broadcast %and3A_531 : i32 to vector<256xi32>
    %and3A_533 = arith.andi %reduce_min3A_527, %and3A_532 : vector<256xi32>
    %select_n3A_534 = arith.select %ne3A_530, %and3A_533, %add3A_79 : vector<256xi1>, vector<256xi32>
    %swap3A_535 = arith.constant 0 : index
    %swap3A_536 = arith.constant 0 : index
    %swap3A_537 = arith.constant 19 : index
    %swap3A_538 = arith.constant 0 : index
    %swap3A_539 = vector.load %arg7[%swap3A_535, %swap3A_536, %swap3A_537, %swap3A_538] : memref<1x1x64x256xi32, #tpu.memory_space<vmem>>, vector<1x1x1x256xi32>
    %swap3A_540 = vector.shape_cast %swap3A_539 : vector<1x1x1x256xi32> to vector<256xi32>
    %swap3A_541 = vector.shape_cast %select_n3A_534 : vector<256xi32> to vector<1x1x1x256xi32>
    tpu.vector_store %arg7[%swap3A_535, %swap3A_536, %swap3A_537, %swap3A_538], %swap3A_541 {strides = array<i32>} : memref<1x1x64x256xi32, #tpu.memory_space<vmem>>, vector<1x1x1x256xi32>,
    %eq3A_542 = arith.constant 5 : i32
    %eq3A_543 = vector.broadcast %eq3A_542 : i32 to vector<256x2048xi32>
    %eq3A_544 = arith.cmpi eq, %select_n3A, %eq3A_543 : vector<256x2048xi32>
    %jit3A_545 = arith.constant 2147483647 : i32
    %broadcast_in_dim3A_546 = vector.broadcast %jit3A_545 : i32 to vector<256x2048xi32>
    %select_n3A_547 = arith.select %eq3A_544, %or3A, %broadcast_in_dim3A_546 : vector<256x2048xi1>, vector<256x2048xi32>
    %slice3A_548 = vector.extract_strided_slice %select_n3A_547 {offsets = [0, 0], sizes = [256, 1024], strides = [1, 1]} : vector<256x2048xi32> to vector<256x1024xi32>
    %slice3A_549 = vector.extract_strided_slice %select_n3A_547 {offsets = [0, 1024], sizes = [256, 1024], strides = [1, 1]} : vector<256x2048xi32> to vector<256x1024xi32>
    %min3A_550 = arith.minsi %slice3A_548, %slice3A_549 : vector<256x1024xi32>
    %max3A_551 = arith.maxsi %slice3A_548, %slice3A_549 : vector<256x1024xi32>
    %reduce_min3A_552 = arith.constant dense<2147483647> : vector<256xi32>
    %reduce_min3A_553 = vector.multi_reduction <minsi>, %min3A_550, %reduce_min3A_552 [1] : vector<256x1024xi32> to vector<256xi32>
    %ne3A_554 = arith.constant 2147483647 : i32
    %ne3A_555 = vector.broadcast %ne3A_554 : i32 to vector<256xi32>
    %ne3A_556 = arith.cmpi ne, %reduce_min3A_553, %ne3A_555 : vector<256xi32>
    %and3A_557 = arith.constant 2047 : i32
    %and3A_558 = vector.broadcast %and3A_557 : i32 to vector<256xi32>
    %and3A_559 = arith.andi %reduce_min3A_553, %and3A_558 : vector<256xi32>
    %select_n3A_560 = arith.select %ne3A_556, %and3A_559, %add3A_79 : vector<256xi1>, vector<256xi32>
    %swap3A_561 = arith.constant 0 : index
    %swap3A_562 = arith.constant 0 : index
    %swap3A_563 = arith.constant 20 : index
    %swap3A_564 = arith.constant 0 : index
    %swap3A_565 = vector.load %arg7[%swap3A_561, %swap3A_562, %swap3A_563, %swap3A_564] : memref<1x1x64x256xi32, #tpu.memory_space<vmem>>, vector<1x1x1x256xi32>
    %swap3A_566 = vector.shape_cast %swap3A_565 : vector<1x1x1x256xi32> to vector<256xi32>
    %swap3A_567 = vector.shape_cast %select_n3A_560 : vector<256xi32> to vector<1x1x1x256xi32>
    tpu.vector_store %arg7[%swap3A_561, %swap3A_562, %swap3A_563, %swap3A_564], %swap3A_567 {strides = array<i32>} : memref<1x1x64x256xi32, #tpu.memory_space<vmem>>, vector<1x1x1x256xi32>,
    %broadcast_in_dim3A_568 = vector.shape_cast %reduce_min3A_553 : vector<256xi32> to vector<256x1xi32>
    %eq3A_569 = vector.broadcast %broadcast_in_dim3A_568 : vector<256x1xi32> to vector<256x1024xi32>
    %eq3A_570 = arith.cmpi eq, %min3A_550, %eq3A_569 : vector<256x1024xi32>
    %select_n3A_571 = arith.select %eq3A_570, %max3A_551, %min3A_550 : vector<256x1024xi1>, vector<256x1024xi32>
    %jit3A_572 = arith.constant 2147483647 : i32
    %broadcast_in_dim3A_573 = vector.broadcast %jit3A_572 : i32 to vector<256x1024xi32>
    %select_n3A_574 = arith.select %eq3A_570, %broadcast_in_dim3A_573, %max3A_551 : vector<256x1024xi1>, vector<256x1024xi32>
    %reduce_min3A_575 = arith.constant dense<2147483647> : vector<256xi32>
    %reduce_min3A_576 = vector.multi_reduction <minsi>, %select_n3A_571, %reduce_min3A_575 [1] : vector<256x1024xi32> to vector<256xi32>
    %ne3A_577 = arith.constant 2147483647 : i32
    %ne3A_578 = vector.broadcast %ne3A_577 : i32 to vector<256xi32>
    %ne3A_579 = arith.cmpi ne, %reduce_min3A_576, %ne3A_578 : vector<256xi32>
    %and3A_580 = arith.constant 2047 : i32
    %and3A_581 = vector.broadcast %and3A_580 : i32 to vector<256xi32>
    %and3A_582 = arith.andi %reduce_min3A_576, %and3A_581 : vector<256xi32>
    %select_n3A_583 = arith.select %ne3A_579, %and3A_582, %add3A_79 : vector<256xi1>, vector<256xi32>
    %swap3A_584 = arith.constant 0 : index
    %swap3A_585 = arith.constant 0 : index
    %swap3A_586 = arith.constant 21 : index
    %swap3A_587 = arith.constant 0 : index
    %swap3A_588 = vector.load %arg7[%swap3A_584, %swap3A_585, %swap3A_586, %swap3A_587] : memref<1x1x64x256xi32, #tpu.memory_space<vmem>>, vector<1x1x1x256xi32>
    %swap3A_589 = vector.shape_cast %swap3A_588 : vector<1x1x1x256xi32> to vector<256xi32>
    %swap3A_590 = vector.shape_cast %select_n3A_583 : vector<256xi32> to vector<1x1x1x256xi32>
    tpu.vector_store %arg7[%swap3A_584, %swap3A_585, %swap3A_586, %swap3A_587], %swap3A_590 {strides = array<i32>} : memref<1x1x64x256xi32, #tpu.memory_space<vmem>>, vector<1x1x1x256xi32>,
    %broadcast_in_dim3A_591 = vector.shape_cast %reduce_min3A_576 : vector<256xi32> to vector<256x1xi32>
    %eq3A_592 = vector.broadcast %broadcast_in_dim3A_591 : vector<256x1xi32> to vector<256x1024xi32>
    %eq3A_593 = arith.cmpi eq, %select_n3A_571, %eq3A_592 : vector<256x1024xi32>
    %select_n3A_594 = arith.select %eq3A_593, %select_n3A_574, %select_n3A_571 : vector<256x1024xi1>, vector<256x1024xi32>
    %jit3A_595 = arith.constant 2147483647 : i32
    %broadcast_in_dim3A_596 = vector.broadcast %jit3A_595 : i32 to vector<256x1024xi32>
    %select_n3A_597 = arith.select %eq3A_593, %broadcast_in_dim3A_596, %select_n3A_574 : vector<256x1024xi1>, vector<256x1024xi32>
    %reduce_min3A_598 = arith.constant dense<2147483647> : vector<256xi32>
    %reduce_min3A_599 = vector.multi_reduction <minsi>, %select_n3A_594, %reduce_min3A_598 [1] : vector<256x1024xi32> to vector<256xi32>
    %ne3A_600 = arith.constant 2147483647 : i32
    %ne3A_601 = vector.broadcast %ne3A_600 : i32 to vector<256xi32>
    %ne3A_602 = arith.cmpi ne, %reduce_min3A_599, %ne3A_601 : vector<256xi32>
    %and3A_603 = arith.constant 2047 : i32
    %and3A_604 = vector.broadcast %and3A_603 : i32 to vector<256xi32>
    %and3A_605 = arith.andi %reduce_min3A_599, %and3A_604 : vector<256xi32>
    %select_n3A_606 = arith.select %ne3A_602, %and3A_605, %add3A_79 : vector<256xi1>, vector<256xi32>
    %swap3A_607 = arith.constant 0 : index
    %swap3A_608 = arith.constant 0 : index
    %swap3A_609 = arith.constant 22 : index
    %swap3A_610 = arith.constant 0 : index
    %swap3A_611 = vector.load %arg7[%swap3A_607, %swap3A_608, %swap3A_609, %swap3A_610] : memref<1x1x64x256xi32, #tpu.memory_space<vmem>>, vector<1x1x1x256xi32>
    %swap3A_612 = vector.shape_cast %swap3A_611 : vector<1x1x1x256xi32> to vector<256xi32>
    %swap3A_613 = vector.shape_cast %select_n3A_606 : vector<256xi32> to vector<1x1x1x256xi32>
    tpu.vector_store %arg7[%swap3A_607, %swap3A_608, %swap3A_609, %swap3A_610], %swap3A_613 {strides = array<i32>} : memref<1x1x64x256xi32, #tpu.memory_space<vmem>>, vector<1x1x1x256xi32>,
    %broadcast_in_dim3A_614 = vector.shape_cast %reduce_min3A_599 : vector<256xi32> to vector<256x1xi32>
    %eq3A_615 = vector.broadcast %broadcast_in_dim3A_614 : vector<256x1xi32> to vector<256x1024xi32>
    %eq3A_616 = arith.cmpi eq, %select_n3A_594, %eq3A_615 : vector<256x1024xi32>
    %select_n3A_617 = arith.select %eq3A_616, %select_n3A_597, %select_n3A_594 : vector<256x1024xi1>, vector<256x1024xi32>
    %reduce_min3A_618 = arith.constant dense<2147483647> : vector<256xi32>
    %reduce_min3A_619 = vector.multi_reduction <minsi>, %select_n3A_617, %reduce_min3A_618 [1] : vector<256x1024xi32> to vector<256xi32>
    %ne3A_620 = arith.constant 2147483647 : i32
    %ne3A_621 = vector.broadcast %ne3A_620 : i32 to vector<256xi32>
    %ne3A_622 = arith.cmpi ne, %reduce_min3A_619, %ne3A_621 : vector<256xi32>
    %and3A_623 = arith.constant 2047 : i32
    %and3A_624 = vector.broadcast %and3A_623 : i32 to vector<256xi32>
    %and3A_625 = arith.andi %reduce_min3A_619, %and3A_624 : vector<256xi32>
    %select_n3A_626 = arith.select %ne3A_622, %and3A_625, %add3A_79 : vector<256xi1>, vector<256xi32>
    %swap3A_627 = arith.constant 0 : index
    %swap3A_628 = arith.constant 0 : index
    %swap3A_629 = arith.constant 23 : index
    %swap3A_630 = arith.constant 0 : index
    %swap3A_631 = vector.load %arg7[%swap3A_627, %swap3A_628, %swap3A_629, %swap3A_630] : memref<1x1x64x256xi32, #tpu.memory_space<vmem>>, vector<1x1x1x256xi32>
    %swap3A_632 = vector.shape_cast %swap3A_631 : vector<1x1x1x256xi32> to vector<256xi32>
    %swap3A_633 = vector.shape_cast %select_n3A_626 : vector<256xi32> to vector<1x1x1x256xi32>
    tpu.vector_store %arg7[%swap3A_627, %swap3A_628, %swap3A_629, %swap3A_630], %swap3A_633 {strides = array<i32>} : memref<1x1x64x256xi32, #tpu.memory_space<vmem>>, vector<1x1x1x256xi32>,
    %eq3A_634 = arith.constant 6 : i32
    %eq3A_635 = vector.broadcast %eq3A_634 : i32 to vector<256x2048xi32>
    %eq3A_636 = arith.cmpi eq, %select_n3A, %eq3A_635 : vector<256x2048xi32>
    %jit3A_637 = arith.constant 2147483647 : i32
    %broadcast_in_dim3A_638 = vector.broadcast %jit3A_637 : i32 to vector<256x2048xi32>
    %select_n3A_639 = arith.select %eq3A_636, %or3A, %broadcast_in_dim3A_638 : vector<256x2048xi1>, vector<256x2048xi32>
    %slice3A_640 = vector.extract_strided_slice %select_n3A_639 {offsets = [0, 0], sizes = [256, 1024], strides = [1, 1]} : vector<256x2048xi32> to vector<256x1024xi32>
    %slice3A_641 = vector.extract_strided_slice %select_n3A_639 {offsets = [0, 1024], sizes = [256, 1024], strides = [1, 1]} : vector<256x2048xi32> to vector<256x1024xi32>
    %min3A_642 = arith.minsi %slice3A_640, %slice3A_641 : vector<256x1024xi32>
    %max3A_643 = arith.maxsi %slice3A_640, %slice3A_641 : vector<256x1024xi32>
    %reduce_min3A_644 = arith.constant dense<2147483647> : vector<256xi32>
    %reduce_min3A_645 = vector.multi_reduction <minsi>, %min3A_642, %reduce_min3A_644 [1] : vector<256x1024xi32> to vector<256xi32>
    %ne3A_646 = arith.constant 2147483647 : i32
    %ne3A_647 = vector.broadcast %ne3A_646 : i32 to vector<256xi32>
    %ne3A_648 = arith.cmpi ne, %reduce_min3A_645, %ne3A_647 : vector<256xi32>
    %and3A_649 = arith.constant 2047 : i32
    %and3A_650 = vector.broadcast %and3A_649 : i32 to vector<256xi32>
    %and3A_651 = arith.andi %reduce_min3A_645, %and3A_650 : vector<256xi32>
    %select_n3A_652 = arith.select %ne3A_648, %and3A_651, %add3A_79 : vector<256xi1>, vector<256xi32>
    %swap3A_653 = arith.constant 0 : index
    %swap3A_654 = arith.constant 0 : index
    %swap3A_655 = arith.constant 24 : index
    %swap3A_656 = arith.constant 0 : index
    %swap3A_657 = vector.load %arg7[%swap3A_653, %swap3A_654, %swap3A_655, %swap3A_656] : memref<1x1x64x256xi32, #tpu.memory_space<vmem>>, vector<1x1x1x256xi32>
    %swap3A_658 = vector.shape_cast %swap3A_657 : vector<1x1x1x256xi32> to vector<256xi32>
    %swap3A_659 = vector.shape_cast %select_n3A_652 : vector<256xi32> to vector<1x1x1x256xi32>
    tpu.vector_store %arg7[%swap3A_653, %swap3A_654, %swap3A_655, %swap3A_656], %swap3A_659 {strides = array<i32>} : memref<1x1x64x256xi32, #tpu.memory_space<vmem>>, vector<1x1x1x256xi32>,
    %broadcast_in_dim3A_660 = vector.shape_cast %reduce_min3A_645 : vector<256xi32> to vector<256x1xi32>
    %eq3A_661 = vector.broadcast %broadcast_in_dim3A_660 : vector<256x1xi32> to vector<256x1024xi32>
    %eq3A_662 = arith.cmpi eq, %min3A_642, %eq3A_661 : vector<256x1024xi32>
    %select_n3A_663 = arith.select %eq3A_662, %max3A_643, %min3A_642 : vector<256x1024xi1>, vector<256x1024xi32>
    %jit3A_664 = arith.constant 2147483647 : i32
    %broadcast_in_dim3A_665 = vector.broadcast %jit3A_664 : i32 to vector<256x1024xi32>
    %select_n3A_666 = arith.select %eq3A_662, %broadcast_in_dim3A_665, %max3A_643 : vector<256x1024xi1>, vector<256x1024xi32>
    %reduce_min3A_667 = arith.constant dense<2147483647> : vector<256xi32>
    %reduce_min3A_668 = vector.multi_reduction <minsi>, %select_n3A_663, %reduce_min3A_667 [1] : vector<256x1024xi32> to vector<256xi32>
    %ne3A_669 = arith.constant 2147483647 : i32
    %ne3A_670 = vector.broadcast %ne3A_669 : i32 to vector<256xi32>
    %ne3A_671 = arith.cmpi ne, %reduce_min3A_668, %ne3A_670 : vector<256xi32>
    %and3A_672 = arith.constant 2047 : i32
    %and3A_673 = vector.broadcast %and3A_672 : i32 to vector<256xi32>
    %and3A_674 = arith.andi %reduce_min3A_668, %and3A_673 : vector<256xi32>
    %select_n3A_675 = arith.select %ne3A_671, %and3A_674, %add3A_79 : vector<256xi1>, vector<256xi32>
    %swap3A_676 = arith.constant 0 : index
    %swap3A_677 = arith.constant 0 : index
    %swap3A_678 = arith.constant 25 : index
    %swap3A_679 = arith.constant 0 : index
    %swap3A_680 = vector.load %arg7[%swap3A_676, %swap3A_677, %swap3A_678, %swap3A_679] : memref<1x1x64x256xi32, #tpu.memory_space<vmem>>, vector<1x1x1x256xi32>
    %swap3A_681 = vector.shape_cast %swap3A_680 : vector<1x1x1x256xi32> to vector<256xi32>
    %swap3A_682 = vector.shape_cast %select_n3A_675 : vector<256xi32> to vector<1x1x1x256xi32>
    tpu.vector_store %arg7[%swap3A_676, %swap3A_677, %swap3A_678, %swap3A_679], %swap3A_682 {strides = array<i32>} : memref<1x1x64x256xi32, #tpu.memory_space<vmem>>, vector<1x1x1x256xi32>,
    %broadcast_in_dim3A_683 = vector.shape_cast %reduce_min3A_668 : vector<256xi32> to vector<256x1xi32>
    %eq3A_684 = vector.broadcast %broadcast_in_dim3A_683 : vector<256x1xi32> to vector<256x1024xi32>
    %eq3A_685 = arith.cmpi eq, %select_n3A_663, %eq3A_684 : vector<256x1024xi32>
    %select_n3A_686 = arith.select %eq3A_685, %select_n3A_666, %select_n3A_663 : vector<256x1024xi1>, vector<256x1024xi32>
    %jit3A_687 = arith.constant 2147483647 : i32
    %broadcast_in_dim3A_688 = vector.broadcast %jit3A_687 : i32 to vector<256x1024xi32>
    %select_n3A_689 = arith.select %eq3A_685, %broadcast_in_dim3A_688, %select_n3A_666 : vector<256x1024xi1>, vector<256x1024xi32>
    %reduce_min3A_690 = arith.constant dense<2147483647> : vector<256xi32>
    %reduce_min3A_691 = vector.multi_reduction <minsi>, %select_n3A_686, %reduce_min3A_690 [1] : vector<256x1024xi32> to vector<256xi32>
    %ne3A_692 = arith.constant 2147483647 : i32
    %ne3A_693 = vector.broadcast %ne3A_692 : i32 to vector<256xi32>
    %ne3A_694 = arith.cmpi ne, %reduce_min3A_691, %ne3A_693 : vector<256xi32>
    %and3A_695 = arith.constant 2047 : i32
    %and3A_696 = vector.broadcast %and3A_695 : i32 to vector<256xi32>
    %and3A_697 = arith.andi %reduce_min3A_691, %and3A_696 : vector<256xi32>
    %select_n3A_698 = arith.select %ne3A_694, %and3A_697, %add3A_79 : vector<256xi1>, vector<256xi32>
    %swap3A_699 = arith.constant 0 : index
    %swap3A_700 = arith.constant 0 : index
    %swap3A_701 = arith.constant 26 : index
    %swap3A_702 = arith.constant 0 : index
    %swap3A_703 = vector.load %arg7[%swap3A_699, %swap3A_700, %swap3A_701, %swap3A_702] : memref<1x1x64x256xi32, #tpu.memory_space<vmem>>, vector<1x1x1x256xi32>
    %swap3A_704 = vector.shape_cast %swap3A_703 : vector<1x1x1x256xi32> to vector<256xi32>
    %swap3A_705 = vector.shape_cast %select_n3A_698 : vector<256xi32> to vector<1x1x1x256xi32>
    tpu.vector_store %arg7[%swap3A_699, %swap3A_700, %swap3A_701, %swap3A_702], %swap3A_705 {strides = array<i32>} : memref<1x1x64x256xi32, #tpu.memory_space<vmem>>, vector<1x1x1x256xi32>,
    %broadcast_in_dim3A_706 = vector.shape_cast %reduce_min3A_691 : vector<256xi32> to vector<256x1xi32>
    %eq3A_707 = vector.broadcast %broadcast_in_dim3A_706 : vector<256x1xi32> to vector<256x1024xi32>
    %eq3A_708 = arith.cmpi eq, %select_n3A_686, %eq3A_707 : vector<256x1024xi32>
    %select_n3A_709 = arith.select %eq3A_708, %select_n3A_689, %select_n3A_686 : vector<256x1024xi1>, vector<256x1024xi32>
    %reduce_min3A_710 = arith.constant dense<2147483647> : vector<256xi32>
    %reduce_min3A_711 = vector.multi_reduction <minsi>, %select_n3A_709, %reduce_min3A_710 [1] : vector<256x1024xi32> to vector<256xi32>
    %ne3A_712 = arith.constant 2147483647 : i32
    %ne3A_713 = vector.broadcast %ne3A_712 : i32 to vector<256xi32>
    %ne3A_714 = arith.cmpi ne, %reduce_min3A_711, %ne3A_713 : vector<256xi32>
    %and3A_715 = arith.constant 2047 : i32
    %and3A_716 = vector.broadcast %and3A_715 : i32 to vector<256xi32>
    %and3A_717 = arith.andi %reduce_min3A_711, %and3A_716 : vector<256xi32>
    %select_n3A_718 = arith.select %ne3A_714, %and3A_717, %add3A_79 : vector<256xi1>, vector<256xi32>
    %swap3A_719 = arith.constant 0 : index
    %swap3A_720 = arith.constant 0 : index
    %swap3A_721 = arith.constant 27 : index
    %swap3A_722 = arith.constant 0 : index
    %swap3A_723 = vector.load %arg7[%swap3A_719, %swap3A_720, %swap3A_721, %swap3A_722] : memref<1x1x64x256xi32, #tpu.memory_space<vmem>>, vector<1x1x1x256xi32>
    %swap3A_724 = vector.shape_cast %swap3A_723 : vector<1x1x1x256xi32> to vector<256xi32>
    %swap3A_725 = vector.shape_cast %select_n3A_718 : vector<256xi32> to vector<1x1x1x256xi32>
    tpu.vector_store %arg7[%swap3A_719, %swap3A_720, %swap3A_721, %swap3A_722], %swap3A_725 {strides = array<i32>} : memref<1x1x64x256xi32, #tpu.memory_space<vmem>>, vector<1x1x1x256xi32>,
    %eq3A_726 = arith.constant 7 : i32
    %eq3A_727 = vector.broadcast %eq3A_726 : i32 to vector<256x2048xi32>
    %eq3A_728 = arith.cmpi eq, %select_n3A, %eq3A_727 : vector<256x2048xi32>
    %jit3A_729 = arith.constant 2147483647 : i32
    %broadcast_in_dim3A_730 = vector.broadcast %jit3A_729 : i32 to vector<256x2048xi32>
    %select_n3A_731 = arith.select %eq3A_728, %or3A, %broadcast_in_dim3A_730 : vector<256x2048xi1>, vector<256x2048xi32>
    %slice3A_732 = vector.extract_strided_slice %select_n3A_731 {offsets = [0, 0], sizes = [256, 1024], strides = [1, 1]} : vector<256x2048xi32> to vector<256x1024xi32>
    %slice3A_733 = vector.extract_strided_slice %select_n3A_731 {offsets = [0, 1024], sizes = [256, 1024], strides = [1, 1]} : vector<256x2048xi32> to vector<256x1024xi32>
    %min3A_734 = arith.minsi %slice3A_732, %slice3A_733 : vector<256x1024xi32>
    %max3A_735 = arith.maxsi %slice3A_732, %slice3A_733 : vector<256x1024xi32>
    %reduce_min3A_736 = arith.constant dense<2147483647> : vector<256xi32>
    %reduce_min3A_737 = vector.multi_reduction <minsi>, %min3A_734, %reduce_min3A_736 [1] : vector<256x1024xi32> to vector<256xi32>
    %ne3A_738 = arith.constant 2147483647 : i32
    %ne3A_739 = vector.broadcast %ne3A_738 : i32 to vector<256xi32>
    %ne3A_740 = arith.cmpi ne, %reduce_min3A_737, %ne3A_739 : vector<256xi32>
    %and3A_741 = arith.constant 2047 : i32
    %and3A_742 = vector.broadcast %and3A_741 : i32 to vector<256xi32>
    %and3A_743 = arith.andi %reduce_min3A_737, %and3A_742 : vector<256xi32>
    %select_n3A_744 = arith.select %ne3A_740, %and3A_743, %add3A_79 : vector<256xi1>, vector<256xi32>
    %swap3A_745 = arith.constant 0 : index
    %swap3A_746 = arith.constant 0 : index
    %swap3A_747 = arith.constant 28 : index
    %swap3A_748 = arith.constant 0 : index
    %swap3A_749 = vector.load %arg7[%swap3A_745, %swap3A_746, %swap3A_747, %swap3A_748] : memref<1x1x64x256xi32, #tpu.memory_space<vmem>>, vector<1x1x1x256xi32>
    %swap3A_750 = vector.shape_cast %swap3A_749 : vector<1x1x1x256xi32> to vector<256xi32>
    %swap3A_751 = vector.shape_cast %select_n3A_744 : vector<256xi32> to vector<1x1x1x256xi32>
    tpu.vector_store %arg7[%swap3A_745, %swap3A_746, %swap3A_747, %swap3A_748], %swap3A_751 {strides = array<i32>} : memref<1x1x64x256xi32, #tpu.memory_space<vmem>>, vector<1x1x1x256xi32>,
    %broadcast_in_dim3A_752 = vector.shape_cast %reduce_min3A_737 : vector<256xi32> to vector<256x1xi32>
    %eq3A_753 = vector.broadcast %broadcast_in_dim3A_752 : vector<256x1xi32> to vector<256x1024xi32>
    %eq3A_754 = arith.cmpi eq, %min3A_734, %eq3A_753 : vector<256x1024xi32>
    %select_n3A_755 = arith.select %eq3A_754, %max3A_735, %min3A_734 : vector<256x1024xi1>, vector<256x1024xi32>
    %jit3A_756 = arith.constant 2147483647 : i32
    %broadcast_in_dim3A_757 = vector.broadcast %jit3A_756 : i32 to vector<256x1024xi32>
    %select_n3A_758 = arith.select %eq3A_754, %broadcast_in_dim3A_757, %max3A_735 : vector<256x1024xi1>, vector<256x1024xi32>
    %reduce_min3A_759 = arith.constant dense<2147483647> : vector<256xi32>
    %reduce_min3A_760 = vector.multi_reduction <minsi>, %select_n3A_755, %reduce_min3A_759 [1] : vector<256x1024xi32> to vector<256xi32>
    %ne3A_761 = arith.constant 2147483647 : i32
    %ne3A_762 = vector.broadcast %ne3A_761 : i32 to vector<256xi32>
    %ne3A_763 = arith.cmpi ne, %reduce_min3A_760, %ne3A_762 : vector<256xi32>
    %and3A_764 = arith.constant 2047 : i32
    %and3A_765 = vector.broadcast %and3A_764 : i32 to vector<256xi32>
    %and3A_766 = arith.andi %reduce_min3A_760, %and3A_765 : vector<256xi32>
    %select_n3A_767 = arith.select %ne3A_763, %and3A_766, %add3A_79 : vector<256xi1>, vector<256xi32>
    %swap3A_768 = arith.constant 0 : index
    %swap3A_769 = arith.constant 0 : index
    %swap3A_770 = arith.constant 29 : index
    %swap3A_771 = arith.constant 0 : index
    %swap3A_772 = vector.load %arg7[%swap3A_768, %swap3A_769, %swap3A_770, %swap3A_771] : memref<1x1x64x256xi32, #tpu.memory_space<vmem>>, vector<1x1x1x256xi32>
    %swap3A_773 = vector.shape_cast %swap3A_772 : vector<1x1x1x256xi32> to vector<256xi32>
    %swap3A_774 = vector.shape_cast %select_n3A_767 : vector<256xi32> to vector<1x1x1x256xi32>
    tpu.vector_store %arg7[%swap3A_768, %swap3A_769, %swap3A_770, %swap3A_771], %swap3A_774 {strides = array<i32>} : memref<1x1x64x256xi32, #tpu.memory_space<vmem>>, vector<1x1x1x256xi32>,
    %broadcast_in_dim3A_775 = vector.shape_cast %reduce_min3A_760 : vector<256xi32> to vector<256x1xi32>
    %eq3A_776 = vector.broadcast %broadcast_in_dim3A_775 : vector<256x1xi32> to vector<256x1024xi32>
    %eq3A_777 = arith.cmpi eq, %select_n3A_755, %eq3A_776 : vector<256x1024xi32>
    %select_n3A_778 = arith.select %eq3A_777, %select_n3A_758, %select_n3A_755 : vector<256x1024xi1>, vector<256x1024xi32>
    %jit3A_779 = arith.constant 2147483647 : i32
    %broadcast_in_dim3A_780 = vector.broadcast %jit3A_779 : i32 to vector<256x1024xi32>
    %select_n3A_781 = arith.select %eq3A_777, %broadcast_in_dim3A_780, %select_n3A_758 : vector<256x1024xi1>, vector<256x1024xi32>
    %reduce_min3A_782 = arith.constant dense<2147483647> : vector<256xi32>
    %reduce_min3A_783 = vector.multi_reduction <minsi>, %select_n3A_778, %reduce_min3A_782 [1] : vector<256x1024xi32> to vector<256xi32>
    %ne3A_784 = arith.constant 2147483647 : i32
    %ne3A_785 = vector.broadcast %ne3A_784 : i32 to vector<256xi32>
    %ne3A_786 = arith.cmpi ne, %reduce_min3A_783, %ne3A_785 : vector<256xi32>
    %and3A_787 = arith.constant 2047 : i32
    %and3A_788 = vector.broadcast %and3A_787 : i32 to vector<256xi32>
    %and3A_789 = arith.andi %reduce_min3A_783, %and3A_788 : vector<256xi32>
    %select_n3A_790 = arith.select %ne3A_786, %and3A_789, %add3A_79 : vector<256xi1>, vector<256xi32>
    %swap3A_791 = arith.constant 0 : index
    %swap3A_792 = arith.constant 0 : index
    %swap3A_793 = arith.constant 30 : index
    %swap3A_794 = arith.constant 0 : index
    %swap3A_795 = vector.load %arg7[%swap3A_791, %swap3A_792, %swap3A_793, %swap3A_794] : memref<1x1x64x256xi32, #tpu.memory_space<vmem>>, vector<1x1x1x256xi32>
    %swap3A_796 = vector.shape_cast %swap3A_795 : vector<1x1x1x256xi32> to vector<256xi32>
    %swap3A_797 = vector.shape_cast %select_n3A_790 : vector<256xi32> to vector<1x1x1x256xi32>
    tpu.vector_store %arg7[%swap3A_791, %swap3A_792, %swap3A_793, %swap3A_794], %swap3A_797 {strides = array<i32>} : memref<1x1x64x256xi32, #tpu.memory_space<vmem>>, vector<1x1x1x256xi32>,
    %broadcast_in_dim3A_798 = vector.shape_cast %reduce_min3A_783 : vector<256xi32> to vector<256x1xi32>
    %eq3A_799 = vector.broadcast %broadcast_in_dim3A_798 : vector<256x1xi32> to vector<256x1024xi32>
    %eq3A_800 = arith.cmpi eq, %select_n3A_778, %eq3A_799 : vector<256x1024xi32>
    %select_n3A_801 = arith.select %eq3A_800, %select_n3A_781, %select_n3A_778 : vector<256x1024xi1>, vector<256x1024xi32>
    %reduce_min3A_802 = arith.constant dense<2147483647> : vector<256xi32>
    %reduce_min3A_803 = vector.multi_reduction <minsi>, %select_n3A_801, %reduce_min3A_802 [1] : vector<256x1024xi32> to vector<256xi32>
    %ne3A_804 = arith.constant 2147483647 : i32
    %ne3A_805 = vector.broadcast %ne3A_804 : i32 to vector<256xi32>
    %ne3A_806 = arith.cmpi ne, %reduce_min3A_803, %ne3A_805 : vector<256xi32>
    %and3A_807 = arith.constant 2047 : i32
    %and3A_808 = vector.broadcast %and3A_807 : i32 to vector<256xi32>
    %and3A_809 = arith.andi %reduce_min3A_803, %and3A_808 : vector<256xi32>
    %select_n3A_810 = arith.select %ne3A_806, %and3A_809, %add3A_79 : vector<256xi1>, vector<256xi32>
    %swap3A_811 = arith.constant 0 : index
    %swap3A_812 = arith.constant 0 : index
    %swap3A_813 = arith.constant 31 : index
    %swap3A_814 = arith.constant 0 : index
    %swap3A_815 = vector.load %arg7[%swap3A_811, %swap3A_812, %swap3A_813, %swap3A_814] : memref<1x1x64x256xi32, #tpu.memory_space<vmem>>, vector<1x1x1x256xi32>
    %swap3A_816 = vector.shape_cast %swap3A_815 : vector<1x1x1x256xi32> to vector<256xi32>
    %swap3A_817 = vector.shape_cast %select_n3A_810 : vector<256xi32> to vector<1x1x1x256xi32>
    tpu.vector_store %arg7[%swap3A_811, %swap3A_812, %swap3A_813, %swap3A_814], %swap3A_817 {strides = array<i32>} : memref<1x1x64x256xi32, #tpu.memory_space<vmem>>, vector<1x1x1x256xi32>,
    %eq3A_818 = arith.constant 8 : i32
    %eq3A_819 = vector.broadcast %eq3A_818 : i32 to vector<256x2048xi32>
    %eq3A_820 = arith.cmpi eq, %select_n3A, %eq3A_819 : vector<256x2048xi32>
    %jit3A_821 = arith.constant 2147483647 : i32
    %broadcast_in_dim3A_822 = vector.broadcast %jit3A_821 : i32 to vector<256x2048xi32>
    %select_n3A_823 = arith.select %eq3A_820, %or3A, %broadcast_in_dim3A_822 : vector<256x2048xi1>, vector<256x2048xi32>
    %slice3A_824 = vector.extract_strided_slice %select_n3A_823 {offsets = [0, 0], sizes = [256, 1024], strides = [1, 1]} : vector<256x2048xi32> to vector<256x1024xi32>
    %slice3A_825 = vector.extract_strided_slice %select_n3A_823 {offsets = [0, 1024], sizes = [256, 1024], strides = [1, 1]} : vector<256x2048xi32> to vector<256x1024xi32>
    %min3A_826 = arith.minsi %slice3A_824, %slice3A_825 : vector<256x1024xi32>
    %max3A_827 = arith.maxsi %slice3A_824, %slice3A_825 : vector<256x1024xi32>
    %reduce_min3A_828 = arith.constant dense<2147483647> : vector<256xi32>
    %reduce_min3A_829 = vector.multi_reduction <minsi>, %min3A_826, %reduce_min3A_828 [1] : vector<256x1024xi32> to vector<256xi32>
    %ne3A_830 = arith.constant 2147483647 : i32
    %ne3A_831 = vector.broadcast %ne3A_830 : i32 to vector<256xi32>
    %ne3A_832 = arith.cmpi ne, %reduce_min3A_829, %ne3A_831 : vector<256xi32>
    %and3A_833 = arith.constant 2047 : i32
    %and3A_834 = vector.broadcast %and3A_833 : i32 to vector<256xi32>
    %and3A_835 = arith.andi %reduce_min3A_829, %and3A_834 : vector<256xi32>
    %select_n3A_836 = arith.select %ne3A_832, %and3A_835, %add3A_79 : vector<256xi1>, vector<256xi32>
    %swap3A_837 = arith.constant 0 : index
    %swap3A_838 = arith.constant 0 : index
    %swap3A_839 = arith.constant 32 : index
    %swap3A_840 = arith.constant 0 : index
    %swap3A_841 = vector.load %arg7[%swap3A_837, %swap3A_838, %swap3A_839, %swap3A_840] : memref<1x1x64x256xi32, #tpu.memory_space<vmem>>, vector<1x1x1x256xi32>
    %swap3A_842 = vector.shape_cast %swap3A_841 : vector<1x1x1x256xi32> to vector<256xi32>
    %swap3A_843 = vector.shape_cast %select_n3A_836 : vector<256xi32> to vector<1x1x1x256xi32>
    tpu.vector_store %arg7[%swap3A_837, %swap3A_838, %swap3A_839, %swap3A_840], %swap3A_843 {strides = array<i32>} : memref<1x1x64x256xi32, #tpu.memory_space<vmem>>, vector<1x1x1x256xi32>,
    %broadcast_in_dim3A_844 = vector.shape_cast %reduce_min3A_829 : vector<256xi32> to vector<256x1xi32>
    %eq3A_845 = vector.broadcast %broadcast_in_dim3A_844 : vector<256x1xi32> to vector<256x1024xi32>
    %eq3A_846 = arith.cmpi eq, %min3A_826, %eq3A_845 : vector<256x1024xi32>
    %select_n3A_847 = arith.select %eq3A_846, %max3A_827, %min3A_826 : vector<256x1024xi1>, vector<256x1024xi32>
    %jit3A_848 = arith.constant 2147483647 : i32
    %broadcast_in_dim3A_849 = vector.broadcast %jit3A_848 : i32 to vector<256x1024xi32>
    %select_n3A_850 = arith.select %eq3A_846, %broadcast_in_dim3A_849, %max3A_827 : vector<256x1024xi1>, vector<256x1024xi32>
    %reduce_min3A_851 = arith.constant dense<2147483647> : vector<256xi32>
    %reduce_min3A_852 = vector.multi_reduction <minsi>, %select_n3A_847, %reduce_min3A_851 [1] : vector<256x1024xi32> to vector<256xi32>
    %ne3A_853 = arith.constant 2147483647 : i32
    %ne3A_854 = vector.broadcast %ne3A_853 : i32 to vector<256xi32>
    %ne3A_855 = arith.cmpi ne, %reduce_min3A_852, %ne3A_854 : vector<256xi32>
    %and3A_856 = arith.constant 2047 : i32
    %and3A_857 = vector.broadcast %and3A_856 : i32 to vector<256xi32>
    %and3A_858 = arith.andi %reduce_min3A_852, %and3A_857 : vector<256xi32>
    %select_n3A_859 = arith.select %ne3A_855, %and3A_858, %add3A_79 : vector<256xi1>, vector<256xi32>
    %swap3A_860 = arith.constant 0 : index
    %swap3A_861 = arith.constant 0 : index
    %swap3A_862 = arith.constant 33 : index
    %swap3A_863 = arith.constant 0 : index
    %swap3A_864 = vector.load %arg7[%swap3A_860, %swap3A_861, %swap3A_862, %swap3A_863] : memref<1x1x64x256xi32, #tpu.memory_space<vmem>>, vector<1x1x1x256xi32>
    %swap3A_865 = vector.shape_cast %swap3A_864 : vector<1x1x1x256xi32> to vector<256xi32>
    %swap3A_866 = vector.shape_cast %select_n3A_859 : vector<256xi32> to vector<1x1x1x256xi32>
    tpu.vector_store %arg7[%swap3A_860, %swap3A_861, %swap3A_862, %swap3A_863], %swap3A_866 {strides = array<i32>} : memref<1x1x64x256xi32, #tpu.memory_space<vmem>>, vector<1x1x1x256xi32>,
    %broadcast_in_dim3A_867 = vector.shape_cast %reduce_min3A_852 : vector<256xi32> to vector<256x1xi32>
    %eq3A_868 = vector.broadcast %broadcast_in_dim3A_867 : vector<256x1xi32> to vector<256x1024xi32>
    %eq3A_869 = arith.cmpi eq, %select_n3A_847, %eq3A_868 : vector<256x1024xi32>
    %select_n3A_870 = arith.select %eq3A_869, %select_n3A_850, %select_n3A_847 : vector<256x1024xi1>, vector<256x1024xi32>
    %jit3A_871 = arith.constant 2147483647 : i32
    %broadcast_in_dim3A_872 = vector.broadcast %jit3A_871 : i32 to vector<256x1024xi32>
    %select_n3A_873 = arith.select %eq3A_869, %broadcast_in_dim3A_872, %select_n3A_850 : vector<256x1024xi1>, vector<256x1024xi32>
    %reduce_min3A_874 = arith.constant dense<2147483647> : vector<256xi32>
    %reduce_min3A_875 = vector.multi_reduction <minsi>, %select_n3A_870, %reduce_min3A_874 [1] : vector<256x1024xi32> to vector<256xi32>
    %ne3A_876 = arith.constant 2147483647 : i32
    %ne3A_877 = vector.broadcast %ne3A_876 : i32 to vector<256xi32>
    %ne3A_878 = arith.cmpi ne, %reduce_min3A_875, %ne3A_877 : vector<256xi32>
    %and3A_879 = arith.constant 2047 : i32
    %and3A_880 = vector.broadcast %and3A_879 : i32 to vector<256xi32>
    %and3A_881 = arith.andi %reduce_min3A_875, %and3A_880 : vector<256xi32>
    %select_n3A_882 = arith.select %ne3A_878, %and3A_881, %add3A_79 : vector<256xi1>, vector<256xi32>
    %swap3A_883 = arith.constant 0 : index
    %swap3A_884 = arith.constant 0 : index
    %swap3A_885 = arith.constant 34 : index
    %swap3A_886 = arith.constant 0 : index
    %swap3A_887 = vector.load %arg7[%swap3A_883, %swap3A_884, %swap3A_885, %swap3A_886] : memref<1x1x64x256xi32, #tpu.memory_space<vmem>>, vector<1x1x1x256xi32>
    %swap3A_888 = vector.shape_cast %swap3A_887 : vector<1x1x1x256xi32> to vector<256xi32>
    %swap3A_889 = vector.shape_cast %select_n3A_882 : vector<256xi32> to vector<1x1x1x256xi32>
    tpu.vector_store %arg7[%swap3A_883, %swap3A_884, %swap3A_885, %swap3A_886], %swap3A_889 {strides = array<i32>} : memref<1x1x64x256xi32, #tpu.memory_space<vmem>>, vector<1x1x1x256xi32>,
    %broadcast_in_dim3A_890 = vector.shape_cast %reduce_min3A_875 : vector<256xi32> to vector<256x1xi32>
    %eq3A_891 = vector.broadcast %broadcast_in_dim3A_890 : vector<256x1xi32> to vector<256x1024xi32>
    %eq3A_892 = arith.cmpi eq, %select_n3A_870, %eq3A_891 : vector<256x1024xi32>
    %select_n3A_893 = arith.select %eq3A_892, %select_n3A_873, %select_n3A_870 : vector<256x1024xi1>, vector<256x1024xi32>
    %reduce_min3A_894 = arith.constant dense<2147483647> : vector<256xi32>
    %reduce_min3A_895 = vector.multi_reduction <minsi>, %select_n3A_893, %reduce_min3A_894 [1] : vector<256x1024xi32> to vector<256xi32>
    %ne3A_896 = arith.constant 2147483647 : i32
    %ne3A_897 = vector.broadcast %ne3A_896 : i32 to vector<256xi32>
    %ne3A_898 = arith.cmpi ne, %reduce_min3A_895, %ne3A_897 : vector<256xi32>
    %and3A_899 = arith.constant 2047 : i32
    %and3A_900 = vector.broadcast %and3A_899 : i32 to vector<256xi32>
    %and3A_901 = arith.andi %reduce_min3A_895, %and3A_900 : vector<256xi32>
    %select_n3A_902 = arith.select %ne3A_898, %and3A_901, %add3A_79 : vector<256xi1>, vector<256xi32>
    %swap3A_903 = arith.constant 0 : index
    %swap3A_904 = arith.constant 0 : index
    %swap3A_905 = arith.constant 35 : index
    %swap3A_906 = arith.constant 0 : index
    %swap3A_907 = vector.load %arg7[%swap3A_903, %swap3A_904, %swap3A_905, %swap3A_906] : memref<1x1x64x256xi32, #tpu.memory_space<vmem>>, vector<1x1x1x256xi32>
    %swap3A_908 = vector.shape_cast %swap3A_907 : vector<1x1x1x256xi32> to vector<256xi32>
    %swap3A_909 = vector.shape_cast %select_n3A_902 : vector<256xi32> to vector<1x1x1x256xi32>
    tpu.vector_store %arg7[%swap3A_903, %swap3A_904, %swap3A_905, %swap3A_906], %swap3A_909 {strides = array<i32>} : memref<1x1x64x256xi32, #tpu.memory_space<vmem>>, vector<1x1x1x256xi32>,
    %eq3A_910 = arith.constant 9 : i32
    %eq3A_911 = vector.broadcast %eq3A_910 : i32 to vector<256x2048xi32>
    %eq3A_912 = arith.cmpi eq, %select_n3A, %eq3A_911 : vector<256x2048xi32>
    %jit3A_913 = arith.constant 2147483647 : i32
    %broadcast_in_dim3A_914 = vector.broadcast %jit3A_913 : i32 to vector<256x2048xi32>
    %select_n3A_915 = arith.select %eq3A_912, %or3A, %broadcast_in_dim3A_914 : vector<256x2048xi1>, vector<256x2048xi32>
    %slice3A_916 = vector.extract_strided_slice %select_n3A_915 {offsets = [0, 0], sizes = [256, 1024], strides = [1, 1]} : vector<256x2048xi32> to vector<256x1024xi32>
    %slice3A_917 = vector.extract_strided_slice %select_n3A_915 {offsets = [0, 1024], sizes = [256, 1024], strides = [1, 1]} : vector<256x2048xi32> to vector<256x1024xi32>
    %min3A_918 = arith.minsi %slice3A_916, %slice3A_917 : vector<256x1024xi32>
    %max3A_919 = arith.maxsi %slice3A_916, %slice3A_917 : vector<256x1024xi32>
    %reduce_min3A_920 = arith.constant dense<2147483647> : vector<256xi32>
    %reduce_min3A_921 = vector.multi_reduction <minsi>, %min3A_918, %reduce_min3A_920 [1] : vector<256x1024xi32> to vector<256xi32>
    %ne3A_922 = arith.constant 2147483647 : i32
    %ne3A_923 = vector.broadcast %ne3A_922 : i32 to vector<256xi32>
    %ne3A_924 = arith.cmpi ne, %reduce_min3A_921, %ne3A_923 : vector<256xi32>
    %and3A_925 = arith.constant 2047 : i32
    %and3A_926 = vector.broadcast %and3A_925 : i32 to vector<256xi32>
    %and3A_927 = arith.andi %reduce_min3A_921, %and3A_926 : vector<256xi32>
    %select_n3A_928 = arith.select %ne3A_924, %and3A_927, %add3A_79 : vector<256xi1>, vector<256xi32>
    %swap3A_929 = arith.constant 0 : index
    %swap3A_930 = arith.constant 0 : index
    %swap3A_931 = arith.constant 36 : index
    %swap3A_932 = arith.constant 0 : index
    %swap3A_933 = vector.load %arg7[%swap3A_929, %swap3A_930, %swap3A_931, %swap3A_932] : memref<1x1x64x256xi32, #tpu.memory_space<vmem>>, vector<1x1x1x256xi32>
    %swap3A_934 = vector.shape_cast %swap3A_933 : vector<1x1x1x256xi32> to vector<256xi32>
    %swap3A_935 = vector.shape_cast %select_n3A_928 : vector<256xi32> to vector<1x1x1x256xi32>
    tpu.vector_store %arg7[%swap3A_929, %swap3A_930, %swap3A_931, %swap3A_932], %swap3A_935 {strides = array<i32>} : memref<1x1x64x256xi32, #tpu.memory_space<vmem>>, vector<1x1x1x256xi32>,
    %broadcast_in_dim3A_936 = vector.shape_cast %reduce_min3A_921 : vector<256xi32> to vector<256x1xi32>
    %eq3A_937 = vector.broadcast %broadcast_in_dim3A_936 : vector<256x1xi32> to vector<256x1024xi32>
    %eq3A_938 = arith.cmpi eq, %min3A_918, %eq3A_937 : vector<256x1024xi32>
    %select_n3A_939 = arith.select %eq3A_938, %max3A_919, %min3A_918 : vector<256x1024xi1>, vector<256x1024xi32>
    %jit3A_940 = arith.constant 2147483647 : i32
    %broadcast_in_dim3A_941 = vector.broadcast %jit3A_940 : i32 to vector<256x1024xi32>
    %select_n3A_942 = arith.select %eq3A_938, %broadcast_in_dim3A_941, %max3A_919 : vector<256x1024xi1>, vector<256x1024xi32>
    %reduce_min3A_943 = arith.constant dense<2147483647> : vector<256xi32>
    %reduce_min3A_944 = vector.multi_reduction <minsi>, %select_n3A_939, %reduce_min3A_943 [1] : vector<256x1024xi32> to vector<256xi32>
    %ne3A_945 = arith.constant 2147483647 : i32
    %ne3A_946 = vector.broadcast %ne3A_945 : i32 to vector<256xi32>
    %ne3A_947 = arith.cmpi ne, %reduce_min3A_944, %ne3A_946 : vector<256xi32>
    %and3A_948 = arith.constant 2047 : i32
    %and3A_949 = vector.broadcast %and3A_948 : i32 to vector<256xi32>
    %and3A_950 = arith.andi %reduce_min3A_944, %and3A_949 : vector<256xi32>
    %select_n3A_951 = arith.select %ne3A_947, %and3A_950, %add3A_79 : vector<256xi1>, vector<256xi32>
    %swap3A_952 = arith.constant 0 : index
    %swap3A_953 = arith.constant 0 : index
    %swap3A_954 = arith.constant 37 : index
    %swap3A_955 = arith.constant 0 : index
    %swap3A_956 = vector.load %arg7[%swap3A_952, %swap3A_953, %swap3A_954, %swap3A_955] : memref<1x1x64x256xi32, #tpu.memory_space<vmem>>, vector<1x1x1x256xi32>
    %swap3A_957 = vector.shape_cast %swap3A_956 : vector<1x1x1x256xi32> to vector<256xi32>
    %swap3A_958 = vector.shape_cast %select_n3A_951 : vector<256xi32> to vector<1x1x1x256xi32>
    tpu.vector_store %arg7[%swap3A_952, %swap3A_953, %swap3A_954, %swap3A_955], %swap3A_958 {strides = array<i32>} : memref<1x1x64x256xi32, #tpu.memory_space<vmem>>, vector<1x1x1x256xi32>,
    %broadcast_in_dim3A_959 = vector.shape_cast %reduce_min3A_944 : vector<256xi32> to vector<256x1xi32>
    %eq3A_960 = vector.broadcast %broadcast_in_dim3A_959 : vector<256x1xi32> to vector<256x1024xi32>
    %eq3A_961 = arith.cmpi eq, %select_n3A_939, %eq3A_960 : vector<256x1024xi32>
    %select_n3A_962 = arith.select %eq3A_961, %select_n3A_942, %select_n3A_939 : vector<256x1024xi1>, vector<256x1024xi32>
    %jit3A_963 = arith.constant 2147483647 : i32
    %broadcast_in_dim3A_964 = vector.broadcast %jit3A_963 : i32 to vector<256x1024xi32>
    %select_n3A_965 = arith.select %eq3A_961, %broadcast_in_dim3A_964, %select_n3A_942 : vector<256x1024xi1>, vector<256x1024xi32>
    %reduce_min3A_966 = arith.constant dense<2147483647> : vector<256xi32>
    %reduce_min3A_967 = vector.multi_reduction <minsi>, %select_n3A_962, %reduce_min3A_966 [1] : vector<256x1024xi32> to vector<256xi32>
    %ne3A_968 = arith.constant 2147483647 : i32
    %ne3A_969 = vector.broadcast %ne3A_968 : i32 to vector<256xi32>
    %ne3A_970 = arith.cmpi ne, %reduce_min3A_967, %ne3A_969 : vector<256xi32>
    %and3A_971 = arith.constant 2047 : i32
    %and3A_972 = vector.broadcast %and3A_971 : i32 to vector<256xi32>
    %and3A_973 = arith.andi %reduce_min3A_967, %and3A_972 : vector<256xi32>
    %select_n3A_974 = arith.select %ne3A_970, %and3A_973, %add3A_79 : vector<256xi1>, vector<256xi32>
    %swap3A_975 = arith.constant 0 : index
    %swap3A_976 = arith.constant 0 : index
    %swap3A_977 = arith.constant 38 : index
    %swap3A_978 = arith.constant 0 : index
    %swap3A_979 = vector.load %arg7[%swap3A_975, %swap3A_976, %swap3A_977, %swap3A_978] : memref<1x1x64x256xi32, #tpu.memory_space<vmem>>, vector<1x1x1x256xi32>
    %swap3A_980 = vector.shape_cast %swap3A_979 : vector<1x1x1x256xi32> to vector<256xi32>
    %swap3A_981 = vector.shape_cast %select_n3A_974 : vector<256xi32> to vector<1x1x1x256xi32>
    tpu.vector_store %arg7[%swap3A_975, %swap3A_976, %swap3A_977, %swap3A_978], %swap3A_981 {strides = array<i32>} : memref<1x1x64x256xi32, #tpu.memory_space<vmem>>, vector<1x1x1x256xi32>,
    %broadcast_in_dim3A_982 = vector.shape_cast %reduce_min3A_967 : vector<256xi32> to vector<256x1xi32>
    %eq3A_983 = vector.broadcast %broadcast_in_dim3A_982 : vector<256x1xi32> to vector<256x1024xi32>
    %eq3A_984 = arith.cmpi eq, %select_n3A_962, %eq3A_983 : vector<256x1024xi32>
    %select_n3A_985 = arith.select %eq3A_984, %select_n3A_965, %select_n3A_962 : vector<256x1024xi1>, vector<256x1024xi32>
    %reduce_min3A_986 = arith.constant dense<2147483647> : vector<256xi32>
    %reduce_min3A_987 = vector.multi_reduction <minsi>, %select_n3A_985, %reduce_min3A_986 [1] : vector<256x1024xi32> to vector<256xi32>
    %ne3A_988 = arith.constant 2147483647 : i32
    %ne3A_989 = vector.broadcast %ne3A_988 : i32 to vector<256xi32>
    %ne3A_990 = arith.cmpi ne, %reduce_min3A_987, %ne3A_989 : vector<256xi32>
    %and3A_991 = arith.constant 2047 : i32
    %and3A_992 = vector.broadcast %and3A_991 : i32 to vector<256xi32>
    %and3A_993 = arith.andi %reduce_min3A_987, %and3A_992 : vector<256xi32>
    %select_n3A_994 = arith.select %ne3A_990, %and3A_993, %add3A_79 : vector<256xi1>, vector<256xi32>
    %swap3A_995 = arith.constant 0 : index
    %swap3A_996 = arith.constant 0 : index
    %swap3A_997 = arith.constant 39 : index
    %swap3A_998 = arith.constant 0 : index
    %swap3A_999 = vector.load %arg7[%swap3A_995, %swap3A_996, %swap3A_997, %swap3A_998] : memref<1x1x64x256xi32, #tpu.memory_space<vmem>>, vector<1x1x1x256xi32>
    %swap3A_1000 = vector.shape_cast %swap3A_999 : vector<1x1x1x256xi32> to vector<256xi32>
    %swap3A_1001 = vector.shape_cast %select_n3A_994 : vector<256xi32> to vector<1x1x1x256xi32>
    tpu.vector_store %arg7[%swap3A_995, %swap3A_996, %swap3A_997, %swap3A_998], %swap3A_1001 {strides = array<i32>} : memref<1x1x64x256xi32, #tpu.memory_space<vmem>>, vector<1x1x1x256xi32>,
    %eq3A_1002 = arith.constant 10 : i32
    %eq3A_1003 = vector.broadcast %eq3A_1002 : i32 to vector<256x2048xi32>
    %eq3A_1004 = arith.cmpi eq, %select_n3A, %eq3A_1003 : vector<256x2048xi32>
    %jit3A_1005 = arith.constant 2147483647 : i32
    %broadcast_in_dim3A_1006 = vector.broadcast %jit3A_1005 : i32 to vector<256x2048xi32>
    %select_n3A_1007 = arith.select %eq3A_1004, %or3A, %broadcast_in_dim3A_1006 : vector<256x2048xi1>, vector<256x2048xi32>
    %slice3A_1008 = vector.extract_strided_slice %select_n3A_1007 {offsets = [0, 0], sizes = [256, 1024], strides = [1, 1]} : vector<256x2048xi32> to vector<256x1024xi32>
    %slice3A_1009 = vector.extract_strided_slice %select_n3A_1007 {offsets = [0, 1024], sizes = [256, 1024], strides = [1, 1]} : vector<256x2048xi32> to vector<256x1024xi32>
    %min3A_1010 = arith.minsi %slice3A_1008, %slice3A_1009 : vector<256x1024xi32>
    %max3A_1011 = arith.maxsi %slice3A_1008, %slice3A_1009 : vector<256x1024xi32>
    %reduce_min3A_1012 = arith.constant dense<2147483647> : vector<256xi32>
    %reduce_min3A_1013 = vector.multi_reduction <minsi>, %min3A_1010, %reduce_min3A_1012 [1] : vector<256x1024xi32> to vector<256xi32>
    %ne3A_1014 = arith.constant 2147483647 : i32
    %ne3A_1015 = vector.broadcast %ne3A_1014 : i32 to vector<256xi32>
    %ne3A_1016 = arith.cmpi ne, %reduce_min3A_1013, %ne3A_1015 : vector<256xi32>
    %and3A_1017 = arith.constant 2047 : i32
    %and3A_1018 = vector.broadcast %and3A_1017 : i32 to vector<256xi32>
    %and3A_1019 = arith.andi %reduce_min3A_1013, %and3A_1018 : vector<256xi32>
    %select_n3A_1020 = arith.select %ne3A_1016, %and3A_1019, %add3A_79 : vector<256xi1>, vector<256xi32>
    %swap3A_1021 = arith.constant 0 : index
    %swap3A_1022 = arith.constant 0 : index
    %swap3A_1023 = arith.constant 40 : index
    %swap3A_1024 = arith.constant 0 : index
    %swap3A_1025 = vector.load %arg7[%swap3A_1021, %swap3A_1022, %swap3A_1023, %swap3A_1024] : memref<1x1x64x256xi32, #tpu.memory_space<vmem>>, vector<1x1x1x256xi32>
    %swap3A_1026 = vector.shape_cast %swap3A_1025 : vector<1x1x1x256xi32> to vector<256xi32>
    %swap3A_1027 = vector.shape_cast %select_n3A_1020 : vector<256xi32> to vector<1x1x1x256xi32>
    tpu.vector_store %arg7[%swap3A_1021, %swap3A_1022, %swap3A_1023, %swap3A_1024], %swap3A_1027 {strides = array<i32>} : memref<1x1x64x256xi32, #tpu.memory_space<vmem>>, vector<1x1x1x256xi32>,
    %broadcast_in_dim3A_1028 = vector.shape_cast %reduce_min3A_1013 : vector<256xi32> to vector<256x1xi32>
    %eq3A_1029 = vector.broadcast %broadcast_in_dim3A_1028 : vector<256x1xi32> to vector<256x1024xi32>
    %eq3A_1030 = arith.cmpi eq, %min3A_1010, %eq3A_1029 : vector<256x1024xi32>
    %select_n3A_1031 = arith.select %eq3A_1030, %max3A_1011, %min3A_1010 : vector<256x1024xi1>, vector<256x1024xi32>
    %jit3A_1032 = arith.constant 2147483647 : i32
    %broadcast_in_dim3A_1033 = vector.broadcast %jit3A_1032 : i32 to vector<256x1024xi32>
    %select_n3A_1034 = arith.select %eq3A_1030, %broadcast_in_dim3A_1033, %max3A_1011 : vector<256x1024xi1>, vector<256x1024xi32>
    %reduce_min3A_1035 = arith.constant dense<2147483647> : vector<256xi32>
    %reduce_min3A_1036 = vector.multi_reduction <minsi>, %select_n3A_1031, %reduce_min3A_1035 [1] : vector<256x1024xi32> to vector<256xi32>
    %ne3A_1037 = arith.constant 2147483647 : i32
    %ne3A_1038 = vector.broadcast %ne3A_1037 : i32 to vector<256xi32>
    %ne3A_1039 = arith.cmpi ne, %reduce_min3A_1036, %ne3A_1038 : vector<256xi32>
    %and3A_1040 = arith.constant 2047 : i32
    %and3A_1041 = vector.broadcast %and3A_1040 : i32 to vector<256xi32>
    %and3A_1042 = arith.andi %reduce_min3A_1036, %and3A_1041 : vector<256xi32>
    %select_n3A_1043 = arith.select %ne3A_1039, %and3A_1042, %add3A_79 : vector<256xi1>, vector<256xi32>
    %swap3A_1044 = arith.constant 0 : index
    %swap3A_1045 = arith.constant 0 : index
    %swap3A_1046 = arith.constant 41 : index
    %swap3A_1047 = arith.constant 0 : index
    %swap3A_1048 = vector.load %arg7[%swap3A_1044, %swap3A_1045, %swap3A_1046, %swap3A_1047] : memref<1x1x64x256xi32, #tpu.memory_space<vmem>>, vector<1x1x1x256xi32>
    %swap3A_1049 = vector.shape_cast %swap3A_1048 : vector<1x1x1x256xi32> to vector<256xi32>
    %swap3A_1050 = vector.shape_cast %select_n3A_1043 : vector<256xi32> to vector<1x1x1x256xi32>
    tpu.vector_store %arg7[%swap3A_1044, %swap3A_1045, %swap3A_1046, %swap3A_1047], %swap3A_1050 {strides = array<i32>} : memref<1x1x64x256xi32, #tpu.memory_space<vmem>>, vector<1x1x1x256xi32>,
    %broadcast_in_dim3A_1051 = vector.shape_cast %reduce_min3A_1036 : vector<256xi32> to vector<256x1xi32>
    %eq3A_1052 = vector.broadcast %broadcast_in_dim3A_1051 : vector<256x1xi32> to vector<256x1024xi32>
    %eq3A_1053 = arith.cmpi eq, %select_n3A_1031, %eq3A_1052 : vector<256x1024xi32>
    %select_n3A_1054 = arith.select %eq3A_1053, %select_n3A_1034, %select_n3A_1031 : vector<256x1024xi1>, vector<256x1024xi32>
    %jit3A_1055 = arith.constant 2147483647 : i32
    %broadcast_in_dim3A_1056 = vector.broadcast %jit3A_1055 : i32 to vector<256x1024xi32>
    %select_n3A_1057 = arith.select %eq3A_1053, %broadcast_in_dim3A_1056, %select_n3A_1034 : vector<256x1024xi1>, vector<256x1024xi32>
    %reduce_min3A_1058 = arith.constant dense<2147483647> : vector<256xi32>
    %reduce_min3A_1059 = vector.multi_reduction <minsi>, %select_n3A_1054, %reduce_min3A_1058 [1] : vector<256x1024xi32> to vector<256xi32>
    %ne3A_1060 = arith.constant 2147483647 : i32
    %ne3A_1061 = vector.broadcast %ne3A_1060 : i32 to vector<256xi32>
    %ne3A_1062 = arith.cmpi ne, %reduce_min3A_1059, %ne3A_1061 : vector<256xi32>
    %and3A_1063 = arith.constant 2047 : i32
    %and3A_1064 = vector.broadcast %and3A_1063 : i32 to vector<256xi32>
    %and3A_1065 = arith.andi %reduce_min3A_1059, %and3A_1064 : vector<256xi32>
    %select_n3A_1066 = arith.select %ne3A_1062, %and3A_1065, %add3A_79 : vector<256xi1>, vector<256xi32>
    %swap3A_1067 = arith.constant 0 : index
    %swap3A_1068 = arith.constant 0 : index
    %swap3A_1069 = arith.constant 42 : index
    %swap3A_1070 = arith.constant 0 : index
    %swap3A_1071 = vector.load %arg7[%swap3A_1067, %swap3A_1068, %swap3A_1069, %swap3A_1070] : memref<1x1x64x256xi32, #tpu.memory_space<vmem>>, vector<1x1x1x256xi32>
    %swap3A_1072 = vector.shape_cast %swap3A_1071 : vector<1x1x1x256xi32> to vector<256xi32>
    %swap3A_1073 = vector.shape_cast %select_n3A_1066 : vector<256xi32> to vector<1x1x1x256xi32>
    tpu.vector_store %arg7[%swap3A_1067, %swap3A_1068, %swap3A_1069, %swap3A_1070], %swap3A_1073 {strides = array<i32>} : memref<1x1x64x256xi32, #tpu.memory_space<vmem>>, vector<1x1x1x256xi32>,
    %broadcast_in_dim3A_1074 = vector.shape_cast %reduce_min3A_1059 : vector<256xi32> to vector<256x1xi32>
    %eq3A_1075 = vector.broadcast %broadcast_in_dim3A_1074 : vector<256x1xi32> to vector<256x1024xi32>
    %eq3A_1076 = arith.cmpi eq, %select_n3A_1054, %eq3A_1075 : vector<256x1024xi32>
    %select_n3A_1077 = arith.select %eq3A_1076, %select_n3A_1057, %select_n3A_1054 : vector<256x1024xi1>, vector<256x1024xi32>
    %reduce_min3A_1078 = arith.constant dense<2147483647> : vector<256xi32>
    %reduce_min3A_1079 = vector.multi_reduction <minsi>, %select_n3A_1077, %reduce_min3A_1078 [1] : vector<256x1024xi32> to vector<256xi32>
    %ne3A_1080 = arith.constant 2147483647 : i32
    %ne3A_1081 = vector.broadcast %ne3A_1080 : i32 to vector<256xi32>
    %ne3A_1082 = arith.cmpi ne, %reduce_min3A_1079, %ne3A_1081 : vector<256xi32>
    %and3A_1083 = arith.constant 2047 : i32
    %and3A_1084 = vector.broadcast %and3A_1083 : i32 to vector<256xi32>
    %and3A_1085 = arith.andi %reduce_min3A_1079, %and3A_1084 : vector<256xi32>
    %select_n3A_1086 = arith.select %ne3A_1082, %and3A_1085, %add3A_79 : vector<256xi1>, vector<256xi32>
    %swap3A_1087 = arith.constant 0 : index
    %swap3A_1088 = arith.constant 0 : index
    %swap3A_1089 = arith.constant 43 : index
    %swap3A_1090 = arith.constant 0 : index
    %swap3A_1091 = vector.load %arg7[%swap3A_1087, %swap3A_1088, %swap3A_1089, %swap3A_1090] : memref<1x1x64x256xi32, #tpu.memory_space<vmem>>, vector<1x1x1x256xi32>
    %swap3A_1092 = vector.shape_cast %swap3A_1091 : vector<1x1x1x256xi32> to vector<256xi32>
    %swap3A_1093 = vector.shape_cast %select_n3A_1086 : vector<256xi32> to vector<1x1x1x256xi32>
    tpu.vector_store %arg7[%swap3A_1087, %swap3A_1088, %swap3A_1089, %swap3A_1090], %swap3A_1093 {strides = array<i32>} : memref<1x1x64x256xi32, #tpu.memory_space<vmem>>, vector<1x1x1x256xi32>,
    %eq3A_1094 = arith.constant 11 : i32
    %eq3A_1095 = vector.broadcast %eq3A_1094 : i32 to vector<256x2048xi32>
    %eq3A_1096 = arith.cmpi eq, %select_n3A, %eq3A_1095 : vector<256x2048xi32>
    %jit3A_1097 = arith.constant 2147483647 : i32
    %broadcast_in_dim3A_1098 = vector.broadcast %jit3A_1097 : i32 to vector<256x2048xi32>
    %select_n3A_1099 = arith.select %eq3A_1096, %or3A, %broadcast_in_dim3A_1098 : vector<256x2048xi1>, vector<256x2048xi32>
    %slice3A_1100 = vector.extract_strided_slice %select_n3A_1099 {offsets = [0, 0], sizes = [256, 1024], strides = [1, 1]} : vector<256x2048xi32> to vector<256x1024xi32>
    %slice3A_1101 = vector.extract_strided_slice %select_n3A_1099 {offsets = [0, 1024], sizes = [256, 1024], strides = [1, 1]} : vector<256x2048xi32> to vector<256x1024xi32>
    %min3A_1102 = arith.minsi %slice3A_1100, %slice3A_1101 : vector<256x1024xi32>
    %max3A_1103 = arith.maxsi %slice3A_1100, %slice3A_1101 : vector<256x1024xi32>
    %reduce_min3A_1104 = arith.constant dense<2147483647> : vector<256xi32>
    %reduce_min3A_1105 = vector.multi_reduction <minsi>, %min3A_1102, %reduce_min3A_1104 [1] : vector<256x1024xi32> to vector<256xi32>
    %ne3A_1106 = arith.constant 2147483647 : i32
    %ne3A_1107 = vector.broadcast %ne3A_1106 : i32 to vector<256xi32>
    %ne3A_1108 = arith.cmpi ne, %reduce_min3A_1105, %ne3A_1107 : vector<256xi32>
    %and3A_1109 = arith.constant 2047 : i32
    %and3A_1110 = vector.broadcast %and3A_1109 : i32 to vector<256xi32>
    %and3A_1111 = arith.andi %reduce_min3A_1105, %and3A_1110 : vector<256xi32>
    %select_n3A_1112 = arith.select %ne3A_1108, %and3A_1111, %add3A_79 : vector<256xi1>, vector<256xi32>
    %swap3A_1113 = arith.constant 0 : index
    %swap3A_1114 = arith.constant 0 : index
    %swap3A_1115 = arith.constant 44 : index
    %swap3A_1116 = arith.constant 0 : index
    %swap3A_1117 = vector.load %arg7[%swap3A_1113, %swap3A_1114, %swap3A_1115, %swap3A_1116] : memref<1x1x64x256xi32, #tpu.memory_space<vmem>>, vector<1x1x1x256xi32>
    %swap3A_1118 = vector.shape_cast %swap3A_1117 : vector<1x1x1x256xi32> to vector<256xi32>
    %swap3A_1119 = vector.shape_cast %select_n3A_1112 : vector<256xi32> to vector<1x1x1x256xi32>
    tpu.vector_store %arg7[%swap3A_1113, %swap3A_1114, %swap3A_1115, %swap3A_1116], %swap3A_1119 {strides = array<i32>} : memref<1x1x64x256xi32, #tpu.memory_space<vmem>>, vector<1x1x1x256xi32>,
    %broadcast_in_dim3A_1120 = vector.shape_cast %reduce_min3A_1105 : vector<256xi32> to vector<256x1xi32>
    %eq3A_1121 = vector.broadcast %broadcast_in_dim3A_1120 : vector<256x1xi32> to vector<256x1024xi32>
    %eq3A_1122 = arith.cmpi eq, %min3A_1102, %eq3A_1121 : vector<256x1024xi32>
    %select_n3A_1123 = arith.select %eq3A_1122, %max3A_1103, %min3A_1102 : vector<256x1024xi1>, vector<256x1024xi32>
    %jit3A_1124 = arith.constant 2147483647 : i32
    %broadcast_in_dim3A_1125 = vector.broadcast %jit3A_1124 : i32 to vector<256x1024xi32>
    %select_n3A_1126 = arith.select %eq3A_1122, %broadcast_in_dim3A_1125, %max3A_1103 : vector<256x1024xi1>, vector<256x1024xi32>
    %reduce_min3A_1127 = arith.constant dense<2147483647> : vector<256xi32>
    %reduce_min3A_1128 = vector.multi_reduction <minsi>, %select_n3A_1123, %reduce_min3A_1127 [1] : vector<256x1024xi32> to vector<256xi32>
    %ne3A_1129 = arith.constant 2147483647 : i32
    %ne3A_1130 = vector.broadcast %ne3A_1129 : i32 to vector<256xi32>
    %ne3A_1131 = arith.cmpi ne, %reduce_min3A_1128, %ne3A_1130 : vector<256xi32>
    %and3A_1132 = arith.constant 2047 : i32
    %and3A_1133 = vector.broadcast %and3A_1132 : i32 to vector<256xi32>
    %and3A_1134 = arith.andi %reduce_min3A_1128, %and3A_1133 : vector<256xi32>
    %select_n3A_1135 = arith.select %ne3A_1131, %and3A_1134, %add3A_79 : vector<256xi1>, vector<256xi32>
    %swap3A_1136 = arith.constant 0 : index
    %swap3A_1137 = arith.constant 0 : index
    %swap3A_1138 = arith.constant 45 : index
    %swap3A_1139 = arith.constant 0 : index
    %swap3A_1140 = vector.load %arg7[%swap3A_1136, %swap3A_1137, %swap3A_1138, %swap3A_1139] : memref<1x1x64x256xi32, #tpu.memory_space<vmem>>, vector<1x1x1x256xi32>
    %swap3A_1141 = vector.shape_cast %swap3A_1140 : vector<1x1x1x256xi32> to vector<256xi32>
    %swap3A_1142 = vector.shape_cast %select_n3A_1135 : vector<256xi32> to vector<1x1x1x256xi32>
    tpu.vector_store %arg7[%swap3A_1136, %swap3A_1137, %swap3A_1138, %swap3A_1139], %swap3A_1142 {strides = array<i32>} : memref<1x1x64x256xi32, #tpu.memory_space<vmem>>, vector<1x1x1x256xi32>,
    %broadcast_in_dim3A_1143 = vector.shape_cast %reduce_min3A_1128 : vector<256xi32> to vector<256x1xi32>
    %eq3A_1144 = vector.broadcast %broadcast_in_dim3A_1143 : vector<256x1xi32> to vector<256x1024xi32>
    %eq3A_1145 = arith.cmpi eq, %select_n3A_1123, %eq3A_1144 : vector<256x1024xi32>
    %select_n3A_1146 = arith.select %eq3A_1145, %select_n3A_1126, %select_n3A_1123 : vector<256x1024xi1>, vector<256x1024xi32>
    %jit3A_1147 = arith.constant 2147483647 : i32
    %broadcast_in_dim3A_1148 = vector.broadcast %jit3A_1147 : i32 to vector<256x1024xi32>
    %select_n3A_1149 = arith.select %eq3A_1145, %broadcast_in_dim3A_1148, %select_n3A_1126 : vector<256x1024xi1>, vector<256x1024xi32>
    %reduce_min3A_1150 = arith.constant dense<2147483647> : vector<256xi32>
    %reduce_min3A_1151 = vector.multi_reduction <minsi>, %select_n3A_1146, %reduce_min3A_1150 [1] : vector<256x1024xi32> to vector<256xi32>
    %ne3A_1152 = arith.constant 2147483647 : i32
    %ne3A_1153 = vector.broadcast %ne3A_1152 : i32 to vector<256xi32>
    %ne3A_1154 = arith.cmpi ne, %reduce_min3A_1151, %ne3A_1153 : vector<256xi32>
    %and3A_1155 = arith.constant 2047 : i32
    %and3A_1156 = vector.broadcast %and3A_1155 : i32 to vector<256xi32>
    %and3A_1157 = arith.andi %reduce_min3A_1151, %and3A_1156 : vector<256xi32>
    %select_n3A_1158 = arith.select %ne3A_1154, %and3A_1157, %add3A_79 : vector<256xi1>, vector<256xi32>
    %swap3A_1159 = arith.constant 0 : index
    %swap3A_1160 = arith.constant 0 : index
    %swap3A_1161 = arith.constant 46 : index
    %swap3A_1162 = arith.constant 0 : index
    %swap3A_1163 = vector.load %arg7[%swap3A_1159, %swap3A_1160, %swap3A_1161, %swap3A_1162] : memref<1x1x64x256xi32, #tpu.memory_space<vmem>>, vector<1x1x1x256xi32>
    %swap3A_1164 = vector.shape_cast %swap3A_1163 : vector<1x1x1x256xi32> to vector<256xi32>
    %swap3A_1165 = vector.shape_cast %select_n3A_1158 : vector<256xi32> to vector<1x1x1x256xi32>
    tpu.vector_store %arg7[%swap3A_1159, %swap3A_1160, %swap3A_1161, %swap3A_1162], %swap3A_1165 {strides = array<i32>} : memref<1x1x64x256xi32, #tpu.memory_space<vmem>>, vector<1x1x1x256xi32>,
    %broadcast_in_dim3A_1166 = vector.shape_cast %reduce_min3A_1151 : vector<256xi32> to vector<256x1xi32>
    %eq3A_1167 = vector.broadcast %broadcast_in_dim3A_1166 : vector<256x1xi32> to vector<256x1024xi32>
    %eq3A_1168 = arith.cmpi eq, %select_n3A_1146, %eq3A_1167 : vector<256x1024xi32>
    %select_n3A_1169 = arith.select %eq3A_1168, %select_n3A_1149, %select_n3A_1146 : vector<256x1024xi1>, vector<256x1024xi32>
    %reduce_min3A_1170 = arith.constant dense<2147483647> : vector<256xi32>
    %reduce_min3A_1171 = vector.multi_reduction <minsi>, %select_n3A_1169, %reduce_min3A_1170 [1] : vector<256x1024xi32> to vector<256xi32>
    %ne3A_1172 = arith.constant 2147483647 : i32
    %ne3A_1173 = vector.broadcast %ne3A_1172 : i32 to vector<256xi32>
    %ne3A_1174 = arith.cmpi ne, %reduce_min3A_1171, %ne3A_1173 : vector<256xi32>
    %and3A_1175 = arith.constant 2047 : i32
    %and3A_1176 = vector.broadcast %and3A_1175 : i32 to vector<256xi32>
    %and3A_1177 = arith.andi %reduce_min3A_1171, %and3A_1176 : vector<256xi32>
    %select_n3A_1178 = arith.select %ne3A_1174, %and3A_1177, %add3A_79 : vector<256xi1>, vector<256xi32>
    %swap3A_1179 = arith.constant 0 : index
    %swap3A_1180 = arith.constant 0 : index
    %swap3A_1181 = arith.constant 47 : index
    %swap3A_1182 = arith.constant 0 : index
    %swap3A_1183 = vector.load %arg7[%swap3A_1179, %swap3A_1180, %swap3A_1181, %swap3A_1182] : memref<1x1x64x256xi32, #tpu.memory_space<vmem>>, vector<1x1x1x256xi32>
    %swap3A_1184 = vector.shape_cast %swap3A_1183 : vector<1x1x1x256xi32> to vector<256xi32>
    %swap3A_1185 = vector.shape_cast %select_n3A_1178 : vector<256xi32> to vector<1x1x1x256xi32>
    tpu.vector_store %arg7[%swap3A_1179, %swap3A_1180, %swap3A_1181, %swap3A_1182], %swap3A_1185 {strides = array<i32>} : memref<1x1x64x256xi32, #tpu.memory_space<vmem>>, vector<1x1x1x256xi32>,
    %eq3A_1186 = arith.constant 12 : i32
    %eq3A_1187 = vector.broadcast %eq3A_1186 : i32 to vector<256x2048xi32>
    %eq3A_1188 = arith.cmpi eq, %select_n3A, %eq3A_1187 : vector<256x2048xi32>
    %jit3A_1189 = arith.constant 2147483647 : i32
    %broadcast_in_dim3A_1190 = vector.broadcast %jit3A_1189 : i32 to vector<256x2048xi32>
    %select_n3A_1191 = arith.select %eq3A_1188, %or3A, %broadcast_in_dim3A_1190 : vector<256x2048xi1>, vector<256x2048xi32>
    %slice3A_1192 = vector.extract_strided_slice %select_n3A_1191 {offsets = [0, 0], sizes = [256, 1024], strides = [1, 1]} : vector<256x2048xi32> to vector<256x1024xi32>
    %slice3A_1193 = vector.extract_strided_slice %select_n3A_1191 {offsets = [0, 1024], sizes = [256, 1024], strides = [1, 1]} : vector<256x2048xi32> to vector<256x1024xi32>
    %min3A_1194 = arith.minsi %slice3A_1192, %slice3A_1193 : vector<256x1024xi32>
    %max3A_1195 = arith.maxsi %slice3A_1192, %slice3A_1193 : vector<256x1024xi32>
    %reduce_min3A_1196 = arith.constant dense<2147483647> : vector<256xi32>
    %reduce_min3A_1197 = vector.multi_reduction <minsi>, %min3A_1194, %reduce_min3A_1196 [1] : vector<256x1024xi32> to vector<256xi32>
    %ne3A_1198 = arith.constant 2147483647 : i32
    %ne3A_1199 = vector.broadcast %ne3A_1198 : i32 to vector<256xi32>
    %ne3A_1200 = arith.cmpi ne, %reduce_min3A_1197, %ne3A_1199 : vector<256xi32>
    %and3A_1201 = arith.constant 2047 : i32
    %and3A_1202 = vector.broadcast %and3A_1201 : i32 to vector<256xi32>
    %and3A_1203 = arith.andi %reduce_min3A_1197, %and3A_1202 : vector<256xi32>
    %select_n3A_1204 = arith.select %ne3A_1200, %and3A_1203, %add3A_79 : vector<256xi1>, vector<256xi32>
    %swap3A_1205 = arith.constant 0 : index
    %swap3A_1206 = arith.constant 0 : index
    %swap3A_1207 = arith.constant 48 : index
    %swap3A_1208 = arith.constant 0 : index
    %swap3A_1209 = vector.load %arg7[%swap3A_1205, %swap3A_1206, %swap3A_1207, %swap3A_1208] : memref<1x1x64x256xi32, #tpu.memory_space<vmem>>, vector<1x1x1x256xi32>
    %swap3A_1210 = vector.shape_cast %swap3A_1209 : vector<1x1x1x256xi32> to vector<256xi32>
    %swap3A_1211 = vector.shape_cast %select_n3A_1204 : vector<256xi32> to vector<1x1x1x256xi32>
    tpu.vector_store %arg7[%swap3A_1205, %swap3A_1206, %swap3A_1207, %swap3A_1208], %swap3A_1211 {strides = array<i32>} : memref<1x1x64x256xi32, #tpu.memory_space<vmem>>, vector<1x1x1x256xi32>,
    %broadcast_in_dim3A_1212 = vector.shape_cast %reduce_min3A_1197 : vector<256xi32> to vector<256x1xi32>
    %eq3A_1213 = vector.broadcast %broadcast_in_dim3A_1212 : vector<256x1xi32> to vector<256x1024xi32>
    %eq3A_1214 = arith.cmpi eq, %min3A_1194, %eq3A_1213 : vector<256x1024xi32>
    %select_n3A_1215 = arith.select %eq3A_1214, %max3A_1195, %min3A_1194 : vector<256x1024xi1>, vector<256x1024xi32>
    %jit3A_1216 = arith.constant 2147483647 : i32
    %broadcast_in_dim3A_1217 = vector.broadcast %jit3A_1216 : i32 to vector<256x1024xi32>
    %select_n3A_1218 = arith.select %eq3A_1214, %broadcast_in_dim3A_1217, %max3A_1195 : vector<256x1024xi1>, vector<256x1024xi32>
    %reduce_min3A_1219 = arith.constant dense<2147483647> : vector<256xi32>
    %reduce_min3A_1220 = vector.multi_reduction <minsi>, %select_n3A_1215, %reduce_min3A_1219 [1] : vector<256x1024xi32> to vector<256xi32>
    %ne3A_1221 = arith.constant 2147483647 : i32
    %ne3A_1222 = vector.broadcast %ne3A_1221 : i32 to vector<256xi32>
    %ne3A_1223 = arith.cmpi ne, %reduce_min3A_1220, %ne3A_1222 : vector<256xi32>
    %and3A_1224 = arith.constant 2047 : i32
    %and3A_1225 = vector.broadcast %and3A_1224 : i32 to vector<256xi32>
    %and3A_1226 = arith.andi %reduce_min3A_1220, %and3A_1225 : vector<256xi32>
    %select_n3A_1227 = arith.select %ne3A_1223, %and3A_1226, %add3A_79 : vector<256xi1>, vector<256xi32>
    %swap3A_1228 = arith.constant 0 : index
    %swap3A_1229 = arith.constant 0 : index
    %swap3A_1230 = arith.constant 49 : index
    %swap3A_1231 = arith.constant 0 : index
    %swap3A_1232 = vector.load %arg7[%swap3A_1228, %swap3A_1229, %swap3A_1230, %swap3A_1231] : memref<1x1x64x256xi32, #tpu.memory_space<vmem>>, vector<1x1x1x256xi32>
    %swap3A_1233 = vector.shape_cast %swap3A_1232 : vector<1x1x1x256xi32> to vector<256xi32>
    %swap3A_1234 = vector.shape_cast %select_n3A_1227 : vector<256xi32> to vector<1x1x1x256xi32>
    tpu.vector_store %arg7[%swap3A_1228, %swap3A_1229, %swap3A_1230, %swap3A_1231], %swap3A_1234 {strides = array<i32>} : memref<1x1x64x256xi32, #tpu.memory_space<vmem>>, vector<1x1x1x256xi32>,
    %broadcast_in_dim3A_1235 = vector.shape_cast %reduce_min3A_1220 : vector<256xi32> to vector<256x1xi32>
    %eq3A_1236 = vector.broadcast %broadcast_in_dim3A_1235 : vector<256x1xi32> to vector<256x1024xi32>
    %eq3A_1237 = arith.cmpi eq, %select_n3A_1215, %eq3A_1236 : vector<256x1024xi32>
    %select_n3A_1238 = arith.select %eq3A_1237, %select_n3A_1218, %select_n3A_1215 : vector<256x1024xi1>, vector<256x1024xi32>
    %jit3A_1239 = arith.constant 2147483647 : i32
    %broadcast_in_dim3A_1240 = vector.broadcast %jit3A_1239 : i32 to vector<256x1024xi32>
    %select_n3A_1241 = arith.select %eq3A_1237, %broadcast_in_dim3A_1240, %select_n3A_1218 : vector<256x1024xi1>, vector<256x1024xi32>
    %reduce_min3A_1242 = arith.constant dense<2147483647> : vector<256xi32>
    %reduce_min3A_1243 = vector.multi_reduction <minsi>, %select_n3A_1238, %reduce_min3A_1242 [1] : vector<256x1024xi32> to vector<256xi32>
    %ne3A_1244 = arith.constant 2147483647 : i32
    %ne3A_1245 = vector.broadcast %ne3A_1244 : i32 to vector<256xi32>
    %ne3A_1246 = arith.cmpi ne, %reduce_min3A_1243, %ne3A_1245 : vector<256xi32>
    %and3A_1247 = arith.constant 2047 : i32
    %and3A_1248 = vector.broadcast %and3A_1247 : i32 to vector<256xi32>
    %and3A_1249 = arith.andi %reduce_min3A_1243, %and3A_1248 : vector<256xi32>
    %select_n3A_1250 = arith.select %ne3A_1246, %and3A_1249, %add3A_79 : vector<256xi1>, vector<256xi32>
    %swap3A_1251 = arith.constant 0 : index
    %swap3A_1252 = arith.constant 0 : index
    %swap3A_1253 = arith.constant 50 : index
    %swap3A_1254 = arith.constant 0 : index
    %swap3A_1255 = vector.load %arg7[%swap3A_1251, %swap3A_1252, %swap3A_1253, %swap3A_1254] : memref<1x1x64x256xi32, #tpu.memory_space<vmem>>, vector<1x1x1x256xi32>
    %swap3A_1256 = vector.shape_cast %swap3A_1255 : vector<1x1x1x256xi32> to vector<256xi32>
    %swap3A_1257 = vector.shape_cast %select_n3A_1250 : vector<256xi32> to vector<1x1x1x256xi32>
    tpu.vector_store %arg7[%swap3A_1251, %swap3A_1252, %swap3A_1253, %swap3A_1254], %swap3A_1257 {strides = array<i32>} : memref<1x1x64x256xi32, #tpu.memory_space<vmem>>, vector<1x1x1x256xi32>,
    %broadcast_in_dim3A_1258 = vector.shape_cast %reduce_min3A_1243 : vector<256xi32> to vector<256x1xi32>
    %eq3A_1259 = vector.broadcast %broadcast_in_dim3A_1258 : vector<256x1xi32> to vector<256x1024xi32>
    %eq3A_1260 = arith.cmpi eq, %select_n3A_1238, %eq3A_1259 : vector<256x1024xi32>
    %select_n3A_1261 = arith.select %eq3A_1260, %select_n3A_1241, %select_n3A_1238 : vector<256x1024xi1>, vector<256x1024xi32>
    %reduce_min3A_1262 = arith.constant dense<2147483647> : vector<256xi32>
    %reduce_min3A_1263 = vector.multi_reduction <minsi>, %select_n3A_1261, %reduce_min3A_1262 [1] : vector<256x1024xi32> to vector<256xi32>
    %ne3A_1264 = arith.constant 2147483647 : i32
    %ne3A_1265 = vector.broadcast %ne3A_1264 : i32 to vector<256xi32>
    %ne3A_1266 = arith.cmpi ne, %reduce_min3A_1263, %ne3A_1265 : vector<256xi32>
    %and3A_1267 = arith.constant 2047 : i32
    %and3A_1268 = vector.broadcast %and3A_1267 : i32 to vector<256xi32>
    %and3A_1269 = arith.andi %reduce_min3A_1263, %and3A_1268 : vector<256xi32>
    %select_n3A_1270 = arith.select %ne3A_1266, %and3A_1269, %add3A_79 : vector<256xi1>, vector<256xi32>
    %swap3A_1271 = arith.constant 0 : index
    %swap3A_1272 = arith.constant 0 : index
    %swap3A_1273 = arith.constant 51 : index
    %swap3A_1274 = arith.constant 0 : index
    %swap3A_1275 = vector.load %arg7[%swap3A_1271, %swap3A_1272, %swap3A_1273, %swap3A_1274] : memref<1x1x64x256xi32, #tpu.memory_space<vmem>>, vector<1x1x1x256xi32>
    %swap3A_1276 = vector.shape_cast %swap3A_1275 : vector<1x1x1x256xi32> to vector<256xi32>
    %swap3A_1277 = vector.shape_cast %select_n3A_1270 : vector<256xi32> to vector<1x1x1x256xi32>
    tpu.vector_store %arg7[%swap3A_1271, %swap3A_1272, %swap3A_1273, %swap3A_1274], %swap3A_1277 {strides = array<i32>} : memref<1x1x64x256xi32, #tpu.memory_space<vmem>>, vector<1x1x1x256xi32>,
    %eq3A_1278 = arith.constant 13 : i32
    %eq3A_1279 = vector.broadcast %eq3A_1278 : i32 to vector<256x2048xi32>
    %eq3A_1280 = arith.cmpi eq, %select_n3A, %eq3A_1279 : vector<256x2048xi32>
    %jit3A_1281 = arith.constant 2147483647 : i32
    %broadcast_in_dim3A_1282 = vector.broadcast %jit3A_1281 : i32 to vector<256x2048xi32>
    %select_n3A_1283 = arith.select %eq3A_1280, %or3A, %broadcast_in_dim3A_1282 : vector<256x2048xi1>, vector<256x2048xi32>
    %slice3A_1284 = vector.extract_strided_slice %select_n3A_1283 {offsets = [0, 0], sizes = [256, 1024], strides = [1, 1]} : vector<256x2048xi32> to vector<256x1024xi32>
    %slice3A_1285 = vector.extract_strided_slice %select_n3A_1283 {offsets = [0, 1024], sizes = [256, 1024], strides = [1, 1]} : vector<256x2048xi32> to vector<256x1024xi32>
    %min3A_1286 = arith.minsi %slice3A_1284, %slice3A_1285 : vector<256x1024xi32>
    %max3A_1287 = arith.maxsi %slice3A_1284, %slice3A_1285 : vector<256x1024xi32>
    %reduce_min3A_1288 = arith.constant dense<2147483647> : vector<256xi32>
    %reduce_min3A_1289 = vector.multi_reduction <minsi>, %min3A_1286, %reduce_min3A_1288 [1] : vector<256x1024xi32> to vector<256xi32>
    %ne3A_1290 = arith.constant 2147483647 : i32
    %ne3A_1291 = vector.broadcast %ne3A_1290 : i32 to vector<256xi32>
    %ne3A_1292 = arith.cmpi ne, %reduce_min3A_1289, %ne3A_1291 : vector<256xi32>
    %and3A_1293 = arith.constant 2047 : i32
    %and3A_1294 = vector.broadcast %and3A_1293 : i32 to vector<256xi32>
    %and3A_1295 = arith.andi %reduce_min3A_1289, %and3A_1294 : vector<256xi32>
    %select_n3A_1296 = arith.select %ne3A_1292, %and3A_1295, %add3A_79 : vector<256xi1>, vector<256xi32>
    %swap3A_1297 = arith.constant 0 : index
    %swap3A_1298 = arith.constant 0 : index
    %swap3A_1299 = arith.constant 52 : index
    %swap3A_1300 = arith.constant 0 : index
    %swap3A_1301 = vector.load %arg7[%swap3A_1297, %swap3A_1298, %swap3A_1299, %swap3A_1300] : memref<1x1x64x256xi32, #tpu.memory_space<vmem>>, vector<1x1x1x256xi32>
    %swap3A_1302 = vector.shape_cast %swap3A_1301 : vector<1x1x1x256xi32> to vector<256xi32>
    %swap3A_1303 = vector.shape_cast %select_n3A_1296 : vector<256xi32> to vector<1x1x1x256xi32>
    tpu.vector_store %arg7[%swap3A_1297, %swap3A_1298, %swap3A_1299, %swap3A_1300], %swap3A_1303 {strides = array<i32>} : memref<1x1x64x256xi32, #tpu.memory_space<vmem>>, vector<1x1x1x256xi32>,
    %broadcast_in_dim3A_1304 = vector.shape_cast %reduce_min3A_1289 : vector<256xi32> to vector<256x1xi32>
    %eq3A_1305 = vector.broadcast %broadcast_in_dim3A_1304 : vector<256x1xi32> to vector<256x1024xi32>
    %eq3A_1306 = arith.cmpi eq, %min3A_1286, %eq3A_1305 : vector<256x1024xi32>
    %select_n3A_1307 = arith.select %eq3A_1306, %max3A_1287, %min3A_1286 : vector<256x1024xi1>, vector<256x1024xi32>
    %jit3A_1308 = arith.constant 2147483647 : i32
    %broadcast_in_dim3A_1309 = vector.broadcast %jit3A_1308 : i32 to vector<256x1024xi32>
    %select_n3A_1310 = arith.select %eq3A_1306, %broadcast_in_dim3A_1309, %max3A_1287 : vector<256x1024xi1>, vector<256x1024xi32>
    %reduce_min3A_1311 = arith.constant dense<2147483647> : vector<256xi32>
    %reduce_min3A_1312 = vector.multi_reduction <minsi>, %select_n3A_1307, %reduce_min3A_1311 [1] : vector<256x1024xi32> to vector<256xi32>
    %ne3A_1313 = arith.constant 2147483647 : i32
    %ne3A_1314 = vector.broadcast %ne3A_1313 : i32 to vector<256xi32>
    %ne3A_1315 = arith.cmpi ne, %reduce_min3A_1312, %ne3A_1314 : vector<256xi32>
    %and3A_1316 = arith.constant 2047 : i32
    %and3A_1317 = vector.broadcast %and3A_1316 : i32 to vector<256xi32>
    %and3A_1318 = arith.andi %reduce_min3A_1312, %and3A_1317 : vector<256xi32>
    %select_n3A_1319 = arith.select %ne3A_1315, %and3A_1318, %add3A_79 : vector<256xi1>, vector<256xi32>
    %swap3A_1320 = arith.constant 0 : index
    %swap3A_1321 = arith.constant 0 : index
    %swap3A_1322 = arith.constant 53 : index
    %swap3A_1323 = arith.constant 0 : index
    %swap3A_1324 = vector.load %arg7[%swap3A_1320, %swap3A_1321, %swap3A_1322, %swap3A_1323] : memref<1x1x64x256xi32, #tpu.memory_space<vmem>>, vector<1x1x1x256xi32>
    %swap3A_1325 = vector.shape_cast %swap3A_1324 : vector<1x1x1x256xi32> to vector<256xi32>
    %swap3A_1326 = vector.shape_cast %select_n3A_1319 : vector<256xi32> to vector<1x1x1x256xi32>
    tpu.vector_store %arg7[%swap3A_1320, %swap3A_1321, %swap3A_1322, %swap3A_1323], %swap3A_1326 {strides = array<i32>} : memref<1x1x64x256xi32, #tpu.memory_space<vmem>>, vector<1x1x1x256xi32>,
    %broadcast_in_dim3A_1327 = vector.shape_cast %reduce_min3A_1312 : vector<256xi32> to vector<256x1xi32>
    %eq3A_1328 = vector.broadcast %broadcast_in_dim3A_1327 : vector<256x1xi32> to vector<256x1024xi32>
    %eq3A_1329 = arith.cmpi eq, %select_n3A_1307, %eq3A_1328 : vector<256x1024xi32>
    %select_n3A_1330 = arith.select %eq3A_1329, %select_n3A_1310, %select_n3A_1307 : vector<256x1024xi1>, vector<256x1024xi32>
    %jit3A_1331 = arith.constant 2147483647 : i32
    %broadcast_in_dim3A_1332 = vector.broadcast %jit3A_1331 : i32 to vector<256x1024xi32>
    %select_n3A_1333 = arith.select %eq3A_1329, %broadcast_in_dim3A_1332, %select_n3A_1310 : vector<256x1024xi1>, vector<256x1024xi32>
    %reduce_min3A_1334 = arith.constant dense<2147483647> : vector<256xi32>
    %reduce_min3A_1335 = vector.multi_reduction <minsi>, %select_n3A_1330, %reduce_min3A_1334 [1] : vector<256x1024xi32> to vector<256xi32>
    %ne3A_1336 = arith.constant 2147483647 : i32
    %ne3A_1337 = vector.broadcast %ne3A_1336 : i32 to vector<256xi32>
    %ne3A_1338 = arith.cmpi ne, %reduce_min3A_1335, %ne3A_1337 : vector<256xi32>
    %and3A_1339 = arith.constant 2047 : i32
    %and3A_1340 = vector.broadcast %and3A_1339 : i32 to vector<256xi32>
    %and3A_1341 = arith.andi %reduce_min3A_1335, %and3A_1340 : vector<256xi32>
    %select_n3A_1342 = arith.select %ne3A_1338, %and3A_1341, %add3A_79 : vector<256xi1>, vector<256xi32>
    %swap3A_1343 = arith.constant 0 : index
    %swap3A_1344 = arith.constant 0 : index
    %swap3A_1345 = arith.constant 54 : index
    %swap3A_1346 = arith.constant 0 : index
    %swap3A_1347 = vector.load %arg7[%swap3A_1343, %swap3A_1344, %swap3A_1345, %swap3A_1346] : memref<1x1x64x256xi32, #tpu.memory_space<vmem>>, vector<1x1x1x256xi32>
    %swap3A_1348 = vector.shape_cast %swap3A_1347 : vector<1x1x1x256xi32> to vector<256xi32>
    %swap3A_1349 = vector.shape_cast %select_n3A_1342 : vector<256xi32> to vector<1x1x1x256xi32>
    tpu.vector_store %arg7[%swap3A_1343, %swap3A_1344, %swap3A_1345, %swap3A_1346], %swap3A_1349 {strides = array<i32>} : memref<1x1x64x256xi32, #tpu.memory_space<vmem>>, vector<1x1x1x256xi32>,
    %broadcast_in_dim3A_1350 = vector.shape_cast %reduce_min3A_1335 : vector<256xi32> to vector<256x1xi32>
    %eq3A_1351 = vector.broadcast %broadcast_in_dim3A_1350 : vector<256x1xi32> to vector<256x1024xi32>
    %eq3A_1352 = arith.cmpi eq, %select_n3A_1330, %eq3A_1351 : vector<256x1024xi32>
    %select_n3A_1353 = arith.select %eq3A_1352, %select_n3A_1333, %select_n3A_1330 : vector<256x1024xi1>, vector<256x1024xi32>
    %reduce_min3A_1354 = arith.constant dense<2147483647> : vector<256xi32>
    %reduce_min3A_1355 = vector.multi_reduction <minsi>, %select_n3A_1353, %reduce_min3A_1354 [1] : vector<256x1024xi32> to vector<256xi32>
    %ne3A_1356 = arith.constant 2147483647 : i32
    %ne3A_1357 = vector.broadcast %ne3A_1356 : i32 to vector<256xi32>
    %ne3A_1358 = arith.cmpi ne, %reduce_min3A_1355, %ne3A_1357 : vector<256xi32>
    %and3A_1359 = arith.constant 2047 : i32
    %and3A_1360 = vector.broadcast %and3A_1359 : i32 to vector<256xi32>
    %and3A_1361 = arith.andi %reduce_min3A_1355, %and3A_1360 : vector<256xi32>
    %select_n3A_1362 = arith.select %ne3A_1358, %and3A_1361, %add3A_79 : vector<256xi1>, vector<256xi32>
    %swap3A_1363 = arith.constant 0 : index
    %swap3A_1364 = arith.constant 0 : index
    %swap3A_1365 = arith.constant 55 : index
    %swap3A_1366 = arith.constant 0 : index
    %swap3A_1367 = vector.load %arg7[%swap3A_1363, %swap3A_1364, %swap3A_1365, %swap3A_1366] : memref<1x1x64x256xi32, #tpu.memory_space<vmem>>, vector<1x1x1x256xi32>
    %swap3A_1368 = vector.shape_cast %swap3A_1367 : vector<1x1x1x256xi32> to vector<256xi32>
    %swap3A_1369 = vector.shape_cast %select_n3A_1362 : vector<256xi32> to vector<1x1x1x256xi32>
    tpu.vector_store %arg7[%swap3A_1363, %swap3A_1364, %swap3A_1365, %swap3A_1366], %swap3A_1369 {strides = array<i32>} : memref<1x1x64x256xi32, #tpu.memory_space<vmem>>, vector<1x1x1x256xi32>,
    %eq3A_1370 = arith.constant 14 : i32
    %eq3A_1371 = vector.broadcast %eq3A_1370 : i32 to vector<256x2048xi32>
    %eq3A_1372 = arith.cmpi eq, %select_n3A, %eq3A_1371 : vector<256x2048xi32>
    %jit3A_1373 = arith.constant 2147483647 : i32
    %broadcast_in_dim3A_1374 = vector.broadcast %jit3A_1373 : i32 to vector<256x2048xi32>
    %select_n3A_1375 = arith.select %eq3A_1372, %or3A, %broadcast_in_dim3A_1374 : vector<256x2048xi1>, vector<256x2048xi32>
    %slice3A_1376 = vector.extract_strided_slice %select_n3A_1375 {offsets = [0, 0], sizes = [256, 1024], strides = [1, 1]} : vector<256x2048xi32> to vector<256x1024xi32>
    %slice3A_1377 = vector.extract_strided_slice %select_n3A_1375 {offsets = [0, 1024], sizes = [256, 1024], strides = [1, 1]} : vector<256x2048xi32> to vector<256x1024xi32>
    %min3A_1378 = arith.minsi %slice3A_1376, %slice3A_1377 : vector<256x1024xi32>
    %max3A_1379 = arith.maxsi %slice3A_1376, %slice3A_1377 : vector<256x1024xi32>
    %reduce_min3A_1380 = arith.constant dense<2147483647> : vector<256xi32>
    %reduce_min3A_1381 = vector.multi_reduction <minsi>, %min3A_1378, %reduce_min3A_1380 [1] : vector<256x1024xi32> to vector<256xi32>
    %ne3A_1382 = arith.constant 2147483647 : i32
    %ne3A_1383 = vector.broadcast %ne3A_1382 : i32 to vector<256xi32>
    %ne3A_1384 = arith.cmpi ne, %reduce_min3A_1381, %ne3A_1383 : vector<256xi32>
    %and3A_1385 = arith.constant 2047 : i32
    %and3A_1386 = vector.broadcast %and3A_1385 : i32 to vector<256xi32>
    %and3A_1387 = arith.andi %reduce_min3A_1381, %and3A_1386 : vector<256xi32>
    %select_n3A_1388 = arith.select %ne3A_1384, %and3A_1387, %add3A_79 : vector<256xi1>, vector<256xi32>
    %swap3A_1389 = arith.constant 0 : index
    %swap3A_1390 = arith.constant 0 : index
    %swap3A_1391 = arith.constant 56 : index
    %swap3A_1392 = arith.constant 0 : index
    %swap3A_1393 = vector.load %arg7[%swap3A_1389, %swap3A_1390, %swap3A_1391, %swap3A_1392] : memref<1x1x64x256xi32, #tpu.memory_space<vmem>>, vector<1x1x1x256xi32>
    %swap3A_1394 = vector.shape_cast %swap3A_1393 : vector<1x1x1x256xi32> to vector<256xi32>
    %swap3A_1395 = vector.shape_cast %select_n3A_1388 : vector<256xi32> to vector<1x1x1x256xi32>
    tpu.vector_store %arg7[%swap3A_1389, %swap3A_1390, %swap3A_1391, %swap3A_1392], %swap3A_1395 {strides = array<i32>} : memref<1x1x64x256xi32, #tpu.memory_space<vmem>>, vector<1x1x1x256xi32>,
    %broadcast_in_dim3A_1396 = vector.shape_cast %reduce_min3A_1381 : vector<256xi32> to vector<256x1xi32>
    %eq3A_1397 = vector.broadcast %broadcast_in_dim3A_1396 : vector<256x1xi32> to vector<256x1024xi32>
    %eq3A_1398 = arith.cmpi eq, %min3A_1378, %eq3A_1397 : vector<256x1024xi32>
    %select_n3A_1399 = arith.select %eq3A_1398, %max3A_1379, %min3A_1378 : vector<256x1024xi1>, vector<256x1024xi32>
    %jit3A_1400 = arith.constant 2147483647 : i32
    %broadcast_in_dim3A_1401 = vector.broadcast %jit3A_1400 : i32 to vector<256x1024xi32>
    %select_n3A_1402 = arith.select %eq3A_1398, %broadcast_in_dim3A_1401, %max3A_1379 : vector<256x1024xi1>, vector<256x1024xi32>
    %reduce_min3A_1403 = arith.constant dense<2147483647> : vector<256xi32>
    %reduce_min3A_1404 = vector.multi_reduction <minsi>, %select_n3A_1399, %reduce_min3A_1403 [1] : vector<256x1024xi32> to vector<256xi32>
    %ne3A_1405 = arith.constant 2147483647 : i32
    %ne3A_1406 = vector.broadcast %ne3A_1405 : i32 to vector<256xi32>
    %ne3A_1407 = arith.cmpi ne, %reduce_min3A_1404, %ne3A_1406 : vector<256xi32>
    %and3A_1408 = arith.constant 2047 : i32
    %and3A_1409 = vector.broadcast %and3A_1408 : i32 to vector<256xi32>
    %and3A_1410 = arith.andi %reduce_min3A_1404, %and3A_1409 : vector<256xi32>
    %select_n3A_1411 = arith.select %ne3A_1407, %and3A_1410, %add3A_79 : vector<256xi1>, vector<256xi32>
    %swap3A_1412 = arith.constant 0 : index
    %swap3A_1413 = arith.constant 0 : index
    %swap3A_1414 = arith.constant 57 : index
    %swap3A_1415 = arith.constant 0 : index
    %swap3A_1416 = vector.load %arg7[%swap3A_1412, %swap3A_1413, %swap3A_1414, %swap3A_1415] : memref<1x1x64x256xi32, #tpu.memory_space<vmem>>, vector<1x1x1x256xi32>
    %swap3A_1417 = vector.shape_cast %swap3A_1416 : vector<1x1x1x256xi32> to vector<256xi32>
    %swap3A_1418 = vector.shape_cast %select_n3A_1411 : vector<256xi32> to vector<1x1x1x256xi32>
    tpu.vector_store %arg7[%swap3A_1412, %swap3A_1413, %swap3A_1414, %swap3A_1415], %swap3A_1418 {strides = array<i32>} : memref<1x1x64x256xi32, #tpu.memory_space<vmem>>, vector<1x1x1x256xi32>,
    %broadcast_in_dim3A_1419 = vector.shape_cast %reduce_min3A_1404 : vector<256xi32> to vector<256x1xi32>
    %eq3A_1420 = vector.broadcast %broadcast_in_dim3A_1419 : vector<256x1xi32> to vector<256x1024xi32>
    %eq3A_1421 = arith.cmpi eq, %select_n3A_1399, %eq3A_1420 : vector<256x1024xi32>
    %select_n3A_1422 = arith.select %eq3A_1421, %select_n3A_1402, %select_n3A_1399 : vector<256x1024xi1>, vector<256x1024xi32>
    %jit3A_1423 = arith.constant 2147483647 : i32
    %broadcast_in_dim3A_1424 = vector.broadcast %jit3A_1423 : i32 to vector<256x1024xi32>
    %select_n3A_1425 = arith.select %eq3A_1421, %broadcast_in_dim3A_1424, %select_n3A_1402 : vector<256x1024xi1>, vector<256x1024xi32>
    %reduce_min3A_1426 = arith.constant dense<2147483647> : vector<256xi32>
    %reduce_min3A_1427 = vector.multi_reduction <minsi>, %select_n3A_1422, %reduce_min3A_1426 [1] : vector<256x1024xi32> to vector<256xi32>
    %ne3A_1428 = arith.constant 2147483647 : i32
    %ne3A_1429 = vector.broadcast %ne3A_1428 : i32 to vector<256xi32>
    %ne3A_1430 = arith.cmpi ne, %reduce_min3A_1427, %ne3A_1429 : vector<256xi32>
    %and3A_1431 = arith.constant 2047 : i32
    %and3A_1432 = vector.broadcast %and3A_1431 : i32 to vector<256xi32>
    %and3A_1433 = arith.andi %reduce_min3A_1427, %and3A_1432 : vector<256xi32>
    %select_n3A_1434 = arith.select %ne3A_1430, %and3A_1433, %add3A_79 : vector<256xi1>, vector<256xi32>
    %swap3A_1435 = arith.constant 0 : index
    %swap3A_1436 = arith.constant 0 : index
    %swap3A_1437 = arith.constant 58 : index
    %swap3A_1438 = arith.constant 0 : index
    %swap3A_1439 = vector.load %arg7[%swap3A_1435, %swap3A_1436, %swap3A_1437, %swap3A_1438] : memref<1x1x64x256xi32, #tpu.memory_space<vmem>>, vector<1x1x1x256xi32>
    %swap3A_1440 = vector.shape_cast %swap3A_1439 : vector<1x1x1x256xi32> to vector<256xi32>
    %swap3A_1441 = vector.shape_cast %select_n3A_1434 : vector<256xi32> to vector<1x1x1x256xi32>
    tpu.vector_store %arg7[%swap3A_1435, %swap3A_1436, %swap3A_1437, %swap3A_1438], %swap3A_1441 {strides = array<i32>} : memref<1x1x64x256xi32, #tpu.memory_space<vmem>>, vector<1x1x1x256xi32>,
    %broadcast_in_dim3A_1442 = vector.shape_cast %reduce_min3A_1427 : vector<256xi32> to vector<256x1xi32>
    %eq3A_1443 = vector.broadcast %broadcast_in_dim3A_1442 : vector<256x1xi32> to vector<256x1024xi32>
    %eq3A_1444 = arith.cmpi eq, %select_n3A_1422, %eq3A_1443 : vector<256x1024xi32>
    %select_n3A_1445 = arith.select %eq3A_1444, %select_n3A_1425, %select_n3A_1422 : vector<256x1024xi1>, vector<256x1024xi32>
    %reduce_min3A_1446 = arith.constant dense<2147483647> : vector<256xi32>
    %reduce_min3A_1447 = vector.multi_reduction <minsi>, %select_n3A_1445, %reduce_min3A_1446 [1] : vector<256x1024xi32> to vector<256xi32>
    %ne3A_1448 = arith.constant 2147483647 : i32
    %ne3A_1449 = vector.broadcast %ne3A_1448 : i32 to vector<256xi32>
    %ne3A_1450 = arith.cmpi ne, %reduce_min3A_1447, %ne3A_1449 : vector<256xi32>
    %and3A_1451 = arith.constant 2047 : i32
    %and3A_1452 = vector.broadcast %and3A_1451 : i32 to vector<256xi32>
    %and3A_1453 = arith.andi %reduce_min3A_1447, %and3A_1452 : vector<256xi32>
    %select_n3A_1454 = arith.select %ne3A_1450, %and3A_1453, %add3A_79 : vector<256xi1>, vector<256xi32>
    %swap3A_1455 = arith.constant 0 : index
    %swap3A_1456 = arith.constant 0 : index
    %swap3A_1457 = arith.constant 59 : index
    %swap3A_1458 = arith.constant 0 : index
    %swap3A_1459 = vector.load %arg7[%swap3A_1455, %swap3A_1456, %swap3A_1457, %swap3A_1458] : memref<1x1x64x256xi32, #tpu.memory_space<vmem>>, vector<1x1x1x256xi32>
    %swap3A_1460 = vector.shape_cast %swap3A_1459 : vector<1x1x1x256xi32> to vector<256xi32>
    %swap3A_1461 = vector.shape_cast %select_n3A_1454 : vector<256xi32> to vector<1x1x1x256xi32>
    tpu.vector_store %arg7[%swap3A_1455, %swap3A_1456, %swap3A_1457, %swap3A_1458], %swap3A_1461 {strides = array<i32>} : memref<1x1x64x256xi32, #tpu.memory_space<vmem>>, vector<1x1x1x256xi32>,
    %eq3A_1462 = arith.constant 15 : i32
    %eq3A_1463 = vector.broadcast %eq3A_1462 : i32 to vector<256x2048xi32>
    %eq3A_1464 = arith.cmpi eq, %select_n3A, %eq3A_1463 : vector<256x2048xi32>
    %jit3A_1465 = arith.constant 2147483647 : i32
    %broadcast_in_dim3A_1466 = vector.broadcast %jit3A_1465 : i32 to vector<256x2048xi32>
    %select_n3A_1467 = arith.select %eq3A_1464, %or3A, %broadcast_in_dim3A_1466 : vector<256x2048xi1>, vector<256x2048xi32>
    %slice3A_1468 = vector.extract_strided_slice %select_n3A_1467 {offsets = [0, 0], sizes = [256, 1024], strides = [1, 1]} : vector<256x2048xi32> to vector<256x1024xi32>
    %slice3A_1469 = vector.extract_strided_slice %select_n3A_1467 {offsets = [0, 1024], sizes = [256, 1024], strides = [1, 1]} : vector<256x2048xi32> to vector<256x1024xi32>
    %min3A_1470 = arith.minsi %slice3A_1468, %slice3A_1469 : vector<256x1024xi32>
    %max3A_1471 = arith.maxsi %slice3A_1468, %slice3A_1469 : vector<256x1024xi32>
    %reduce_min3A_1472 = arith.constant dense<2147483647> : vector<256xi32>
    %reduce_min3A_1473 = vector.multi_reduction <minsi>, %min3A_1470, %reduce_min3A_1472 [1] : vector<256x1024xi32> to vector<256xi32>
    %ne3A_1474 = arith.constant 2147483647 : i32
    %ne3A_1475 = vector.broadcast %ne3A_1474 : i32 to vector<256xi32>
    %ne3A_1476 = arith.cmpi ne, %reduce_min3A_1473, %ne3A_1475 : vector<256xi32>
    %and3A_1477 = arith.constant 2047 : i32
    %and3A_1478 = vector.broadcast %and3A_1477 : i32 to vector<256xi32>
    %and3A_1479 = arith.andi %reduce_min3A_1473, %and3A_1478 : vector<256xi32>
    %select_n3A_1480 = arith.select %ne3A_1476, %and3A_1479, %add3A_79 : vector<256xi1>, vector<256xi32>
    %swap3A_1481 = arith.constant 0 : index
    %swap3A_1482 = arith.constant 0 : index
    %swap3A_1483 = arith.constant 60 : index
    %swap3A_1484 = arith.constant 0 : index
    %swap3A_1485 = vector.load %arg7[%swap3A_1481, %swap3A_1482, %swap3A_1483, %swap3A_1484] : memref<1x1x64x256xi32, #tpu.memory_space<vmem>>, vector<1x1x1x256xi32>
    %swap3A_1486 = vector.shape_cast %swap3A_1485 : vector<1x1x1x256xi32> to vector<256xi32>
    %swap3A_1487 = vector.shape_cast %select_n3A_1480 : vector<256xi32> to vector<1x1x1x256xi32>
    tpu.vector_store %arg7[%swap3A_1481, %swap3A_1482, %swap3A_1483, %swap3A_1484], %swap3A_1487 {strides = array<i32>} : memref<1x1x64x256xi32, #tpu.memory_space<vmem>>, vector<1x1x1x256xi32>,
    %broadcast_in_dim3A_1488 = vector.shape_cast %reduce_min3A_1473 : vector<256xi32> to vector<256x1xi32>
    %eq3A_1489 = vector.broadcast %broadcast_in_dim3A_1488 : vector<256x1xi32> to vector<256x1024xi32>
    %eq3A_1490 = arith.cmpi eq, %min3A_1470, %eq3A_1489 : vector<256x1024xi32>
    %select_n3A_1491 = arith.select %eq3A_1490, %max3A_1471, %min3A_1470 : vector<256x1024xi1>, vector<256x1024xi32>
    %jit3A_1492 = arith.constant 2147483647 : i32
    %broadcast_in_dim3A_1493 = vector.broadcast %jit3A_1492 : i32 to vector<256x1024xi32>
    %select_n3A_1494 = arith.select %eq3A_1490, %broadcast_in_dim3A_1493, %max3A_1471 : vector<256x1024xi1>, vector<256x1024xi32>
    %reduce_min3A_1495 = arith.constant dense<2147483647> : vector<256xi32>
    %reduce_min3A_1496 = vector.multi_reduction <minsi>, %select_n3A_1491, %reduce_min3A_1495 [1] : vector<256x1024xi32> to vector<256xi32>
    %ne3A_1497 = arith.constant 2147483647 : i32
    %ne3A_1498 = vector.broadcast %ne3A_1497 : i32 to vector<256xi32>
    %ne3A_1499 = arith.cmpi ne, %reduce_min3A_1496, %ne3A_1498 : vector<256xi32>
    %and3A_1500 = arith.constant 2047 : i32
    %and3A_1501 = vector.broadcast %and3A_1500 : i32 to vector<256xi32>
    %and3A_1502 = arith.andi %reduce_min3A_1496, %and3A_1501 : vector<256xi32>
    %select_n3A_1503 = arith.select %ne3A_1499, %and3A_1502, %add3A_79 : vector<256xi1>, vector<256xi32>
    %swap3A_1504 = arith.constant 0 : index
    %swap3A_1505 = arith.constant 0 : index
    %swap3A_1506 = arith.constant 61 : index
    %swap3A_1507 = arith.constant 0 : index
    %swap3A_1508 = vector.load %arg7[%swap3A_1504, %swap3A_1505, %swap3A_1506, %swap3A_1507] : memref<1x1x64x256xi32, #tpu.memory_space<vmem>>, vector<1x1x1x256xi32>
    %swap3A_1509 = vector.shape_cast %swap3A_1508 : vector<1x1x1x256xi32> to vector<256xi32>
    %swap3A_1510 = vector.shape_cast %select_n3A_1503 : vector<256xi32> to vector<1x1x1x256xi32>
    tpu.vector_store %arg7[%swap3A_1504, %swap3A_1505, %swap3A_1506, %swap3A_1507], %swap3A_1510 {strides = array<i32>} : memref<1x1x64x256xi32, #tpu.memory_space<vmem>>, vector<1x1x1x256xi32>,
    %broadcast_in_dim3A_1511 = vector.shape_cast %reduce_min3A_1496 : vector<256xi32> to vector<256x1xi32>
    %eq3A_1512 = vector.broadcast %broadcast_in_dim3A_1511 : vector<256x1xi32> to vector<256x1024xi32>
    %eq3A_1513 = arith.cmpi eq, %select_n3A_1491, %eq3A_1512 : vector<256x1024xi32>
    %select_n3A_1514 = arith.select %eq3A_1513, %select_n3A_1494, %select_n3A_1491 : vector<256x1024xi1>, vector<256x1024xi32>
    %jit3A_1515 = arith.constant 2147483647 : i32
    %broadcast_in_dim3A_1516 = vector.broadcast %jit3A_1515 : i32 to vector<256x1024xi32>
    %select_n3A_1517 = arith.select %eq3A_1513, %broadcast_in_dim3A_1516, %select_n3A_1494 : vector<256x1024xi1>, vector<256x1024xi32>
    %reduce_min3A_1518 = arith.constant dense<2147483647> : vector<256xi32>
    %reduce_min3A_1519 = vector.multi_reduction <minsi>, %select_n3A_1514, %reduce_min3A_1518 [1] : vector<256x1024xi32> to vector<256xi32>
    %ne3A_1520 = arith.constant 2147483647 : i32
    %ne3A_1521 = vector.broadcast %ne3A_1520 : i32 to vector<256xi32>
    %ne3A_1522 = arith.cmpi ne, %reduce_min3A_1519, %ne3A_1521 : vector<256xi32>
    %and3A_1523 = arith.constant 2047 : i32
    %and3A_1524 = vector.broadcast %and3A_1523 : i32 to vector<256xi32>
    %and3A_1525 = arith.andi %reduce_min3A_1519, %and3A_1524 : vector<256xi32>
    %select_n3A_1526 = arith.select %ne3A_1522, %and3A_1525, %add3A_79 : vector<256xi1>, vector<256xi32>
    %swap3A_1527 = arith.constant 0 : index
    %swap3A_1528 = arith.constant 0 : index
    %swap3A_1529 = arith.constant 62 : index
    %swap3A_1530 = arith.constant 0 : index
    %swap3A_1531 = vector.load %arg7[%swap3A_1527, %swap3A_1528, %swap3A_1529, %swap3A_1530] : memref<1x1x64x256xi32, #tpu.memory_space<vmem>>, vector<1x1x1x256xi32>
    %swap3A_1532 = vector.shape_cast %swap3A_1531 : vector<1x1x1x256xi32> to vector<256xi32>
    %swap3A_1533 = vector.shape_cast %select_n3A_1526 : vector<256xi32> to vector<1x1x1x256xi32>
    tpu.vector_store %arg7[%swap3A_1527, %swap3A_1528, %swap3A_1529, %swap3A_1530], %swap3A_1533 {strides = array<i32>} : memref<1x1x64x256xi32, #tpu.memory_space<vmem>>, vector<1x1x1x256xi32>,
    %broadcast_in_dim3A_1534 = vector.shape_cast %reduce_min3A_1519 : vector<256xi32> to vector<256x1xi32>
    %eq3A_1535 = vector.broadcast %broadcast_in_dim3A_1534 : vector<256x1xi32> to vector<256x1024xi32>
    %eq3A_1536 = arith.cmpi eq, %select_n3A_1514, %eq3A_1535 : vector<256x1024xi32>
    %select_n3A_1537 = arith.select %eq3A_1536, %select_n3A_1517, %select_n3A_1514 : vector<256x1024xi1>, vector<256x1024xi32>
    %reduce_min3A_1538 = arith.constant dense<2147483647> : vector<256xi32>
    %reduce_min3A_1539 = vector.multi_reduction <minsi>, %select_n3A_1537, %reduce_min3A_1538 [1] : vector<256x1024xi32> to vector<256xi32>
    %ne3A_1540 = arith.constant 2147483647 : i32
    %ne3A_1541 = vector.broadcast %ne3A_1540 : i32 to vector<256xi32>
    %ne3A_1542 = arith.cmpi ne, %reduce_min3A_1539, %ne3A_1541 : vector<256xi32>
    %and3A_1543 = arith.constant 2047 : i32
    %and3A_1544 = vector.broadcast %and3A_1543 : i32 to vector<256xi32>
    %and3A_1545 = arith.andi %reduce_min3A_1539, %and3A_1544 : vector<256xi32>
    %select_n3A_1546 = arith.select %ne3A_1542, %and3A_1545, %add3A_79 : vector<256xi1>, vector<256xi32>
    %swap3A_1547 = arith.constant 0 : index
    %swap3A_1548 = arith.constant 0 : index
    %swap3A_1549 = arith.constant 63 : index
    %swap3A_1550 = arith.constant 0 : index
    %swap3A_1551 = vector.load %arg7[%swap3A_1547, %swap3A_1548, %swap3A_1549, %swap3A_1550] : memref<1x1x64x256xi32, #tpu.memory_space<vmem>>, vector<1x1x1x256xi32>
    %swap3A_1552 = vector.shape_cast %swap3A_1551 : vector<1x1x1x256xi32> to vector<256xi32>
    %swap3A_1553 = vector.shape_cast %select_n3A_1546 : vector<256xi32> to vector<1x1x1x256xi32>
    tpu.vector_store %arg7[%swap3A_1547, %swap3A_1548, %swap3A_1549, %swap3A_1550], %swap3A_1553 {strides = array<i32>} : memref<1x1x64x256xi32, #tpu.memory_space<vmem>>, vector<1x1x1x256xi32>,
    %mul3A_1554 = arith.constant 256 : i32
    %mul3A_1555 = arith.muli %arg1, %mul3A_1554 : i32
    %get3A_1556 = arith.constant 0 : index
    %get3A_1557 = arith.constant 0 : index
    %get3A_1558 = arith.index_cast %mul3A_1555 : i32 to index
    %get3A_1559 = vector.load %arg4[%get3A_1556, %get3A_1557, %get3A_1558] : memref<1x32x2048xf32, #tpu.memory_space<vmem>>, vector<1x32x256xf32>
    %get3A_1560 = vector.shape_cast %get3A_1559 : vector<1x32x256xf32> to vector<32x256xf32>
    %get3A_1561 = arith.constant 0 : index
    %get3A_1562 = arith.constant 0 : index
    %get3A_1563 = vector.load %arg5[%get3A_1561, %get3A_1562] : memref<1x32xf32, #tpu.memory_space<vmem>>, vector<1x32xf32>
    %dot_general3A_1564 = arith.constant dense<0.000000e+00> : vector<1x256xf32>
    %dot_general3A_1565 = tpu.matmul %get3A_1563, %get3A_1560, %dot_general3A_1564 {dimension_numbers = #tpu.dot_dimension_numbers<[1], [0], [0], [1], [0, 0, 1, 1], [], []>, transpose_lhs_hint = false} : vector<1x32xf32>, vector<32x256xf32>, vector<1x256xf32> -> vector<1x256xf32>
    %squeeze3A_1566 = vector.shape_cast %dot_general3A_1565 : vector<1x256xf32> to vector<256xf32>
    %swap3A_1567 = arith.constant 0 : index
    %swap3A_1568 = arith.constant 0 : index
    %swap3A_1569 = arith.constant 0 : index
    %swap3A_1570 = vector.load %arg8[%swap3A_1567, %swap3A_1568, %swap3A_1569] : memref<1x1x256xf32, #tpu.memory_space<vmem>>, vector<1x1x256xf32>
    %swap3A_1571 = vector.shape_cast %swap3A_1570 : vector<1x1x256xf32> to vector<256xf32>
    %swap3A_1572 = vector.shape_cast %squeeze3A_1566 : vector<256xf32> to vector<1x1x256xf32>
    tpu.vector_store %arg8[%swap3A_1567, %swap3A_1568, %swap3A_1569], %swap3A_1572 {strides = array<i32>} : memref<1x1x256xf32, #tpu.memory_space<vmem>>, vector<1x1x256xf32>,
    %get3A_1573 = arith.constant 0 : index
    %get3A_1574 = arith.constant 0 : index
    %get3A_1575 = vector.load %arg6[%get3A_1573, %get3A_1574] : memref<32x32xf32, #tpu.memory_space<vmem>>, vector<32x32xf32>
    %dot_general3A_1576 = arith.constant dense<0.000000e+00> : vector<32x256xf32>
    %dot_general3A_1577 = tpu.matmul %get3A_1575, %get3A_1560, %dot_general3A_1576 {dimension_numbers = #tpu.dot_dimension_numbers<[1], [0], [0], [1], [0, 0, 1, 1], [], []>, transpose_lhs_hint = false} : vector<32x32xf32>, vector<32x256xf32>, vector<32x256xf32> -> vector<32x256xf32>
    %swap3A_1578 = arith.constant 0 : index
    %swap3A_1579 = arith.constant 0 : index
    %swap3A_1580 = arith.constant 0 : index
    %swap3A_1581 = vector.load %arg9[%swap3A_1578, %swap3A_1579, %swap3A_1580] : memref<1x32x256xf32, #tpu.memory_space<vmem>>, vector<1x32x256xf32>
    %swap3A_1582 = vector.shape_cast %swap3A_1581 : vector<1x32x256xf32> to vector<32x256xf32>
    %swap3A_1583 = vector.shape_cast %dot_general3A_1577 : vector<32x256xf32> to vector<1x32x256xf32>
    tpu.vector_store %arg9[%swap3A_1578, %swap3A_1579, %swap3A_1580], %swap3A_1583 {strides = array<i32>} : memref<1x32x256xf32, #tpu.memory_space<vmem>>, vector<1x32x256xf32>,
    return
  }
  func.func @transform_0(%arg0: i32, %arg1: i32) -> (i32, i32, i32) {
    %c0_i32 = arith.constant 0 : i32
    %c0_i32_0 = arith.constant 0 : i32
    %c0_i32_1 = arith.constant 0 : i32
    return %arg0, %c0_i32, %c0_i32_0 : i32, i32, i32
  }
  func.func @transform_1(%arg0: i32, %arg1: i32) -> (i32, i32, i32) {
    %c0_i32 = arith.constant 0 : i32
    %c0_i32_0 = arith.constant 0 : i32
    return %arg0, %c0_i32, %arg1 : i32, i32, i32
  }
  func.func @transform_2(%arg0: i32, %arg1: i32) -> (i32, i32, i32) {
    %c0_i32 = arith.constant 0 : i32
    %c0_i32_0 = arith.constant 0 : i32
    %c0_i32_1 = arith.constant 0 : i32
    return %arg0, %c0_i32, %c0_i32_0 : i32, i32, i32
  }
  func.func @transform_3(%arg0: i32, %arg1: i32) -> (i32, i32) {
    %c0_i32 = arith.constant 0 : i32
    %c0_i32_0 = arith.constant 0 : i32
    %c0_i32_1 = arith.constant 0 : i32
    return %c0_i32, %c0_i32_0 : i32, i32
  }
  func.func @transform_4(%arg0: i32, %arg1: i32) -> (i32, i32) {
    %c0_i32 = arith.constant 0 : i32
    %c0_i32_0 = arith.constant 0 : i32
    %c0_i32_1 = arith.constant 0 : i32
    return %c0_i32, %c0_i32_0 : i32, i32
  }
  func.func @transform_5(%arg0: i32, %arg1: i32) -> (i32, i32, i32, i32) {
    %c0_i32 = arith.constant 0 : i32
    %c0_i32_0 = arith.constant 0 : i32
    %c0_i32_1 = arith.constant 0 : i32
    return %arg0, %arg1, %c0_i32, %c0_i32_0 : i32, i32, i32, i32
  }
  func.func @transform_6(%arg0: i32, %arg1: i32) -> (i32, i32, i32) {
    %c0_i32 = arith.constant 0 : i32
    %c0_i32_0 = arith.constant 0 : i32
    return %arg0, %c0_i32, %arg1 : i32, i32, i32
  }
  func.func @transform_7(%arg0: i32, %arg1: i32) -> (i32, i32, i32) {
    %c0_i32 = arith.constant 0 : i32
    %c0_i32_0 = arith.constant 0 : i32
    return %arg0, %c0_i32, %arg1 : i32, i32, i32
  }
}

</mosaic_0001>

<sc_bundles>
// kernel: kernel.4.cloned.1.call-start
scs
__scs_entry_jumppad:
0x0: {  	(pc) =	sbr.rel $0x88, $3  }
0x1: {  	(tag) =	ssettag $0x0;
	lr =	simm.s32 $0x1  }
0x2: {  	[smem:$0x3F9B] =	sst lr;
	_ =	strace $0xD0000000  }
0x3: {  	_ = 	snop  }
0x4: {  	_ = 	snop  }
0x5: {  	_ = 	snop  }
0x6: {  	_ = 	snop  }
0x7: {  	_ = 	snop  }
__scs_overlays_trampoline_lowered:
0x8: {  	[smem:$0x3FAA] =	sst s0  }
0x9: {  	[smem:$0x3FAB] =	sst s1  }
0xa: {  	[smem:$0x3FAC] =	sst s2  }
0xb: {  	[smem:$0x3FAD] =	sst s3  }
0xc: {  	[smem:$0x3FAE] =	sst s4  }
0xd: {  	[smem:$0x3FAF] =	sst s5  }
0xe: {  	[smem:$0x3FB0] =	sst s6  }
0xf: {  	[smem:$0x3FB1] =	sst s7  }
0x10: {  	[smem:$0x3FB2] =	sst s8  }
0x11: {  	[smem:$0x3FB3] =	sst s9;
	s0 =	simm.s32 @!p0 $0x0  }
0x12: {  	s1 =	sld [smem:$0x3F99];
	s0 =	simm.s32 @p0 $0x1  }
0x13: {  	[smem:$0x3FB4] =	sst s0;
	s0 =	simm.s32 @!p1 $0x0  }
0x14: {  	s2 =	sld [smem:$0x3F98];
	s0 =	simm.s32 @p1 $0x1  }
0x15: {  	[smem:$0x3FB5] =	sst s0;
	s0 =	simm.s32 @!p2 $0x0  }
0x16: {  	s3 =	sld [smem:$0x3FDB];
	s0 =	simm.s32 @p2 $0x1  }
0x17: {  	s4 =	simm.s32 $0x1BF5;
	[smem:$0x3FB7] =	sst s0  }
0x18: {  	s0 =	sld [smem:$0x3F9A];
	_ =	swait.ge [sflag:s4], $0x0  }
0x19: {  	s7 =	sld [smem:$0x3F9B]  }
0x1a: {  	s8 =	sadd.s32 $0xFFFFE003, lr  }
0x1b: {  	s9 =	sadd.s32 $0xFFFFFEF7, lr;
	s5 =	simm.s32 $0xFFFFFFFF;
	p2 =	slt.u32 s8, $0xFFFFF086  }
0x1c: {  	p1 =	slt.u32 s9, $0xF7A;
	s5 =	simm.s32 @!p2 $0x0  }
0x1d: {  	s5 =	simm.s32 @p1 $0x1;
	p0 =	seq.s32 s7, s2  }
0x1e: {  	s7 =	smul.u32 @!p0 $0xF7A, s2;
	p2 =	seq.s32 @!p0 s5, $0x0  }
0x1f: {  	s9 =	smul.u32 $0xF7A, s1;
	s8 =	simm.s32 @!p0 $0x1BF5;
	p2 =	por !p2, p0  }
0x20: {  	[sflag:s8] =	ssyncset.s32 @!p0 $0xFFFFF086;
	s6 =	sadd.s32 @!p0 s3, s7;
	s7 =	simm.s32 @!p0 $0x108  }
0x21: {  	s3 =	sadd.s32 s3, s9;
	s6 =	sadd.s32 @!p0 $0x88, s6;
	s7 =	simm.s32 @p2 $0x1082  }
0x22: {  	[simem:s7], [sflag:s8] =	dma.local @!p0 [hbm:s6], $0xF7A  }
0x23: {  	s9 =	sor.u32 $0xD0000000, s2;
	s6 =	simm.s32 $0x108;
	_ =	swait.ge @!p0 [sflag:s8], $0x0  }
0x24: {  	s3 =	sadd.s32 $0x88, s3;
	s6 =	simm.s32 @!p1 $0x1082;
	[sflag:s4] =	ssyncset.s32 $0xFFFFF086  }
0x25: {  	[simem:s6], [sflag:s4] =	dma.local [hbm:s3], $0xF7A  }
0x26: {  	[smem:$0x3F9B] =	sst s1;
	(tag) =	ssettag s2;
	_ =	strace s9  }
0x27: {  	s1 =	sld [smem:$0x3FAB]  }
0x28: {  	s2 =	sld [smem:$0x3FAC]  }
0x29: {  	s4 =	sld [smem:$0x3FAE]  }
0x2a: {  	p0 =	seq.s32 s5, $0x0;
	s5 =	sld [smem:$0x3FAF]  }
0x2b: {  	s6 =	sld [smem:$0x3FB0]  }
0x2c: {  	s7 =	sld [smem:$0x3FB1]  }
0x2d: {  	s3 =	simm.s32 $0x108;
	s8 =	sld [smem:$0x3FB2]  }
0x2e: {  	s3 =	simm.s32 @!p0 $0x1082;
	s9 =	sld [smem:$0x3FB3]  }
0x2f: {  	lr =	sadd.s32 s0, s3;
	s0 =	sld [smem:$0x3FAA]  }
0x30: {  	s3 =	sld [smem:$0x3FAD]  }
0x31: {  	[smem:$0x3FB6] =	sst s10  }
0x32: {  	s10 =	sld [smem:$0x3FB4];
	_ =	sdelay $0x3  }
0x33: {  	p0 =	seq.s32 s10, $0x1;
	s10 =	sld [smem:$0x3FB6];
	_ =	sdelay $0x3  }
0x34: {  	[smem:$0x3FB6] =	sst s10  }
0x35: {  	s10 =	sld [smem:$0x3FB5];
	_ =	sdelay $0x3  }
0x36: {  	p1 =	seq.s32 s10, $0x1;
	s10 =	sld [smem:$0x3FB6];
	_ =	sdelay $0x3  }
0x37: {  	[smem:$0x3FB6] =	sst s10  }
0x38: {  	s10 =	sld [smem:$0x3FB7]  }
0x39: {  	_ = 	snop;
	(pc) =	sbr.ind lr, $3  }
0x3a: {  	_ = 	snop  }
0x3b: {  	_ = 	snop  }
0x3c: {  	p2 =	seq.s32 s10, $0x1;
	s10 =	sld [smem:$0x3FB6]  }
0x3d: {  	_ =	shalt  }
0x3e: {  	_ =	shalt  }
0x3f: {  	_ =	shalt  }
0x40: {  	_ =	shalt  }
0x41: {  	_ =	shalt  }
0x42: {  	_ =	shalt  }
0x43: {  	_ =	shalt  }
0x44: {  	_ =	shalt  }
0x45: {  	_ =	shalt  }
0x46: {  	_ =	shalt  }
0x47: {  	_ =	shalt  }
0x48: {  	_ =	shalt  }
0x49: {  	_ =	shalt  }
0x4a: {  	_ =	shalt  }
0x4b: {  	_ =	shalt  }
0x4c: {  	_ =	shalt  }
0x4d: {  	_ =	shalt  }
0x4e: {  	_ =	shalt  }
0x4f: {  	_ =	shalt  }
0x50: {  	_ =	shalt  }
0x51: {  	_ =	shalt  }
0x52: {  	_ =	shalt  }
0x53: {  	_ =	shalt  }
0x54: {  	_ =	shalt  }
0x55: {  	_ =	shalt  }
0x56: {  	_ =	shalt  }
0x57: {  	_ =	shalt  }
0x58: {  	_ =	shalt  }
0x59: {  	_ =	shalt  }
0x5a: {  	_ =	shalt  }
0x5b: {  	_ =	shalt  }
0x5c: {  	_ =	shalt  }
0x5d: {  	_ =	shalt  }
0x5e: {  	_ =	shalt  }
0x5f: {  	_ =	shalt  }
0x60: {  	_ =	shalt  }
0x61: {  	_ =	shalt  }
0x62: {  	_ =	shalt  }
0x63: {  	_ =	shalt  }
0x64: {  	_ =	shalt  }
0x65: {  	_ =	shalt  }
0x66: {  	_ =	shalt  }
0x67: {  	_ =	shalt  }
0x68: {  	_ =	shalt  }
0x69: {  	_ =	shalt  }
0x6a: {  	_ =	shalt  }
0x6b: {  	_ =	shalt  }
0x6c: {  	_ =	shalt  }
0x6d: {  	_ =	shalt  }
0x6e: {  	_ =	shalt  }
0x6f: {  	_ =	shalt  }
0x70: {  	_ =	shalt  }
0x71: {  	_ =	shalt  }
0x72: {  	_ =	shalt  }
0x73: {  	_ =	shalt  }
0x74: {  	_ =	shalt  }
0x75: {  	_ =	shalt  }
0x76: {  	_ =	shalt  }
0x77: {  	_ =	shalt  }
0x78: {  	_ =	shalt  }
0x79: {  	_ =	shalt  }
0x7a: {  	_ =	shalt  }
0x7b: {  	_ =	shalt  }
0x7c: {  	_ =	shalt  }
0x7d: {  	_ =	shalt  }
0x7e: {  	_ =	shalt  }
0x7f: {  	_ =	shalt  }
0x80: {  	_ =	shalt  }
0x81: {  	_ =	shalt  }
0x82: {  	_ =	shalt  }
0x83: {  	_ =	shalt  }
0x84: {  	_ =	shalt  }
0x85: {  	_ =	shalt  }
0x86: {  	_ =	shalt  }
0x87: {  	_ =	shalt  }
.Lfunc_end0:
.L_simem_size_0:
called_computation_lowered:
.L_overlay_start_0:
0x88: {  	s2 =	sld [smem:$0x3FD9]  }
0x89: {  	s3 =	sld [smem:$0x3FFE];
	_ =	sdelay $0x1  }
0x8a: {  	s1 =	srdreg.scid  }
0x8b: {  	s0 =	sand.u32 $0x1, s1  }
0x8c: {  	s17 =	sshll.u32 s0, $0xA;
	s2 =	sadd.s32 s3, s2  }
0x8d: {  	s2 =	sadd.s32 s2, s17  }
0x8e: {  	[smem:$0x3FC2] =	sst s2  }
0x8f: {  	_ = 	snop  }
0x90: {  	s2 =	sld [smem:$0x3FD0];
	(tm) =	ssettm $0x1  }
0x91: {  	s18 =	sld [smem:$0x3FFB];
	_ =	sdelay $0x3  }
0x92: {  	_ =	strace s18  }
0x93: {  	s3 =	sld [smem:$0x3FFC];
	_ =	sdelay $0x3  }
0x94: {  	_ =	strace s3  }
0x95: {  	s3 =	sld [smem:$0x3FFD];
	_ =	sdelay $0x3  }
0x96: {  	_ =	strace s3  }
0x97: {  	_ =	strace $0x8FFFFFFF  }
0x98: {  	s19 =	sld [smem:$0x3FDB];
	_ =	sdelay $0x1  }
0x99: {  	s4 =	simm.s32 $_scs_section_size  }
0x9a: {  	s5 =	simm.s32 $_size__tile_overlayer_lowered;
	s6 =	simm.s32 $_tile_overlayer_lowered  }
0x9b: {  	s22 =	simm.s32 $0x1BFF;
	s21 =	sshll.u32 s6, $0x1;
	s3 =	sadd.s32 s4, s19  }
0x9c: {  	s7 =	simm.s32 $0x0;
	s20 =	sshll.u32 s5, $0x1;
	s5 =	sadd.s32 s21, s3  }
0x9d: {  	[timem:s7], [sflag:s22] =	dma.local [hbm:s5], s20  }
0x9e: {  	_ =	swait.ge [sflag:s22], s20  }
0x9f: {  	s4 =	ssub.s32 $0x0, s20;
	[sflag:s22] =	ssyncset.done $0x0  }
0xa0: {  	[sflag:s22] =	ssyncadd.s32 s4;
	_ =	sdelay $0x1  }
0xa1: {  	s23 =	simm.s32 $0x1B8B  }
0xa2: {  	_ =	swait.ge [sflag:s23], $0x1  }
0xa3: {  	[sflag:s23] =	ssyncset.done $0x0  }
0xa4: {  	s25 =	simm.s32 $0x1B8E;
	s24 =	sld [smem:$0x3FFE];
	[sflag:s23] =	ssyncadd.s32 $0xFFFFFFFF  }
0xa5: {  	s26 =	simm.s32 $execute0_lowered;
	[smem:$0x3FD2] =	sst s25  }
0xa6: {  	s5 =	sshll.u32 s26, $0x1;
	_ =	strace $0x80000046;
	[dreg:$0x1] =	wrdreg $0xFFFFFFFF  }
0xa7: {  	s28 =	simm.s32 $_size_execute0_lowered;
	s3 =	sadd.s32 s3, s5;
	[dreg:$0x0] =	wrdreg $0x0  }
0xa8: {  	s5 =	sshll.u32 s28, $0x1;
	[dreg:$0x2] =	wrdreg s3  }
0xa9: {  	[dreg:$0x3] =	wrdreg s5  }
0xaa: {  	[dreg:$0x4] =	wrdreg $0xC0  }
0xab: {  	_ =	task [dreg:s7], $0x5FFFF  }
0xac: {  	[dreg:$0x1] =	wrdreg $0xFFFFFFFF  }
0xad: {  	[dreg:$0x0] =	wrdreg $0x60  }
0xae: {  	[dreg:$0x2] =	wrdreg s2  }
0xaf: {  	[dreg:$0x3] =	wrdreg s24  }
0xb0: {  	[dreg:$0x4] =	wrdreg $0x9  }
0xb1: {  	_ =	task.clear_ibuf [dreg:s7], $0x5FFFF;
	_ =	strace $0x90000046  }
0xb2: {  	s29 =	simm.s32 $0x9;
	_ =	strace $0x80000048  }
0xb3: {  	_ =	swait.ge [sflag:s29], $0x1  }
0xb4: {  	[sflag:s29] =	ssyncadd.s32 $0xFFFFFFFF  }
0xb5: {  	_ =	strace $0x90000048  }
0xb6: {  	_ =	sfence  }
0xb7: {  	s30 =	sld [smem:$0x0];
	_ =	sdelay $0x2  }
0xb8: {  	s31 =	sshll.u32 s1, $0xD;
	s1 =	sshrl.u32 s1, $0x2  }
0xb9: {  	s3 =	sand.u32 $0x4000, s31;
	s1 =	sadd.s32 s1, s30  }
0xba: {  	s0 =	sor.u32 s3, s0;
	s1 =	sshll.u32 s1, $0x11  }
0xbb: {  	s0 =	sor.u32 s1, s0  }
0xbc: {  	s0 =	sadd.s32 $0x8F2B, s0  }
0xbd: {  	[sflag:s0] =	ssyncadd.remote.s32 $0x1  }
0xbe: {  	_ =	sfence.sel $0xFFFF  }
0xbf: {  	[dreg:$0x0] =	wrdreg $0xFFFFFFFF;
	(pc) =	sbr.abs _section_cstart, $3  }
0xc0: {  	[dreg:$0x1] =	wrdreg $0xFFFFFFFF  }
0xc1: {  	_ =	task.clear_ibuf [dreg:s7], $0x2FFFF;
	_ =	strace $0x9FFFFFFF  }
0xc2: {  	(tm) =	ssettm $0x7FFFFFFF  }
0xc3: {  	_ =	shalt  }
tec
execute0_lowered:
.L_overlay_start_1:
0x0: {  	(tag) =	ssettag $0x1  }
0x1: {  	s4 =	rddreg [dreg:$0x0]  }
0x2: {  	s5 =	rddreg [dreg:$0x1]  }
0x3: {  	s0 =	rddreg [dreg:$0x2];
	s2 =	simm.s32 $0x0  }
0x4: {  	s1 =	stileid.u32;
	s3 =	srdreg.scid;
	s12 =	simm.s32 $0x10000  }
0x5: {  	s13 =	simm.s32 $0x400;
	s14 =	simm.s32 $0x10800;
	s15 =	simm.s32 $0x15000  }
0x6: {  	s16 =	simm.s32 $0x15200;
	s17 =	simm.s32 $0x0;
	[smem:$0x7FF] =	sst s2  }
0x7: {  	s3 =	sand.u32 $0x1, s3;
	s6 =	sshll.u32 s1, $0x8;
	s7 =	sshrl.u32 s1, $0x2  }
0x8: {  	s9 =	sshll.u32 s1, $0x2;
	_ =	strace $0x80000047;
	s8 =	sshll.u32 s3, $0x7  }
0x9: {  	s6 =	sand.u32 $0x300, s6;
	s28 =	sshll.u32 s7, $0x11;
	s9 =	sand.u32 $0x30, s9  }
0xa: {  	s7 =	sshll.u32 s7, $0x10;
	s30 =	ssub.s32 $0x2, s3;
	s3 =	sadd.s32 $0x11000, s5  }
0xb: {  	s6 =	sor.u32 s8, s6;
	s10 =	sadd.s32 s9, s5;
	s31 =	sshrl.u32 s30, $0x1  }
0xc: {  	s4 =	sadd.s32 s4, s9;
	s8 =	sor.u32 s28, s6;
	s6 =	sor.u32 s7, s6  }
0xd: {  	s9 =	simm.s32 $0x80;
	s8 =	sshrl.u32 s8, $0x3;
	s6 =	sshrl.u32 s6, $0x3  }
0xe: {  	s29 =	sadd.s32 s8, s5;
	s11 =	sadd.s32 s6, s5;
	s8 =	ssub.s32 s30, s31  }
0xf: {  	s5 =	sadd.s32 $0xC00, s10;
	s10 =	simm.s32 $0x200;
	s6 =	sadd.s32 $0x1000, s29  }
0x10: {  	s7 =	sadd.s32 $0x11200, s11;
	s8 =	smax.u32 s8, $0x1;
	s11 =	simm.s32 $0x1  }
.LBB2_1:
0x11: {  	[tilespmem:s2], [sflag:$0x1] =	stream.strided.gather [hbm4b:s4+s9], $0x10000, s10, s9, $0x38;
	[tilespmem:$0x17200] =	vst v63  }
0x12: {  	_ =	swait.ge [sflag:s11], $0x10000  }
0x13: {  	[sflag:s11] =	ssyncset.done $0x0  }
0x14: {  	[sflag:s11] =	ssyncadd.s32 $0xFFFF0000  }
0x15: {  	[tilespmem:s12], [sflag:$0x1] =	stream.strided.gather [hbm4b:s5+s9], $0x800, s10, s9, $0x38;
	[tilespmem:$0x17200] =	vst v63  }
0x16: {  	_ =	swait.ge [sflag:s11], $0x800  }
0x17: {  	[sflag:s11] =	ssyncset.done $0x0  }
0x18: {  	[sflag:s11] =	ssyncadd.s32 $0xFFFFF800  }
0x19: {  	[tilespmem:s14], [sflag:$0x1] =	stream.strided.gather [hbm4b:s6+s9], $0x4000, s13, s9, $0x38;
	[tilespmem:$0x17200] =	vst v63  }
0x1a: {  	_ =	swait.ge [sflag:s11], $0x4000  }
0x1b: {  	[sflag:s11] =	ssyncset.done $0x0  }
0x1c: {  	[sflag:s11] =	ssyncadd.s32 $0xFFFFC000  }
0x1d: {  	[tilespmem:s15], [sflag:$0x1] =	stream.linear.gather [hbm4b:s3+s2], $0x200, $0x38;
	[tilespmem:$0x17200] =	vst v63  }
0x1e: {  	_ =	swait.ge [sflag:s11], $0x200  }
0x1f: {  	s18 =	simm.s32 $0x0;
	[sflag:s11] =	ssyncset.done $0x0  }
0x20: {  	s19 =	simm.s32 $0x0;
	s20 =	simm.s32 $0x0;
	[sflag:s11] =	ssyncadd.s32 $0xFFFFFE00  }
.LBB2_2:
0x21: {  	s21 =	sshll.u32 s19, $0x2;
	s22 =	sand.u32 $0x7, s18  }
0x22: {  	s21 =	sand.u32 $0xFFFFFE00, s21;
	s22 =	sshll.u32 s22, $0x6  }
0x23: {  	s21 =	sor.u32 s22, s21  }
0x24: {  	s24 =	sshll.u32 s20, $0x4;
	s21 =	sshrl.u32 s21, $0x2  }
0x25: {  	s25 =	simm.s32 $0x0;
	s26 =	simm.s32 $0x40;
	s21 =	sadd.s32 $0x10800, s21  }
0x26: {  	v0 =	vimm.f32 $-Inf;
	s23 =	sand.u32 $0x70, s24;
	s22 =	sand.u32 $0x80, s24;
	v1 =	vld [tilespmem:s21+$0x0];
	s28 =	smov.u32 s21  }
.LBB2_3:
0x27: {  	p0 =	sne.s32 s26, $0xFC0;
	_ =	sdelay $0x6  }
0x28: {  	v1 =	vld.idx.msk [tilespmem:v1+s12+$0x0], $0xffff;
	_ =	sdelay $0x2  }
.Ltmp0:
0x29: {  	(pc) =	sbr.rel @p0 .LBB2_3-.Ltmp0, $4  }
0x2a: {  	_ = 	snop  }
0x2b: {  	s29 =	sshra.s32 s25, $0x2;
	s25 =	smov.u32 s26  }
0x2c: {  	s28 =	sadd.s32 $0x100, s28;
	v5 =	vimm.f32 $0.0e+00;
	v0 =	vmax.f32 v0, v1;
	[tilespmem:s29+$0x14800] =	vst v1  }
0x2d: {  	s26 =	sadd.s32 $0x40, s26;
	v1 =	vld [tilespmem:s28+$0x0]  }
0x2e: {  	_ =	sdelay $0x7  }
0x2f: {  	v1 =	vld.idx.msk [tilespmem:v1+s12+$0x0], $0xffff;
	_ =	sdelay $0x3  }
0x30: {  	s25 =	sshra.s32 s25, $0x2  }
0x31: {  	s26 =	simm.s32 $0x0;
	[tilespmem:s25+$0x14800] =	vst v1  }
0x32: {  	v2 =	vld [tilespmem:s26+$0x14800];
	_ =	sdelay $0x1  }
0x33: {  	s25 =	simm.s32 $0x10  }
0x34: {  	v3 =	vld [tilespmem:s25+$0x14800]  }
0x35: {  	v1 =	vmax.f32 v0, v1  }
0x36: {  	v0 =	vsub.f32 v2, v1;
	_ =	sdelay $0x1  }
0x37: {  	v0 =	vmul.f32 $1.442695020e+00, v0  }
0x38: {  	v2 =	vsub.f32 v3, v1  }
0x39: {  	(erf) = vpow2.f32 v0  }
0x3a: {  	v3 =	vmul.f32 $1.442695020e+00, v2  }
0x3b: {  	s28 =	simm.s32 $0x20  }
0x3c: {  	v2 =	vld [tilespmem:s28+$0x14800];
	(erf) = vpow2.f32 v3;
	_ =	sdelay $0x2  }
0x3d: {  	s29 =	simm.s32 $0xC0;
	v0 =	vimm.f32 $0.0e+00  }
.LBB2_5:
0x3e: {  	p0 =	sne.s32 s29, $0xFC0  }
.Ltmp1:
0x3f: {  	s30 =	sshra.s32 s29, $0x2;
	s29 =	sadd.s32 $0x40, s29;
	v3 =	vsub.f32 v2, v1;
	(pc) =	sbr.rel @p0 .LBB2_5-.Ltmp1, $4  }
0x40: {  	v2 =	vld [tilespmem:s30+$0x14800];
	v4 =	vpop (erf)  }
0x41: {  	v3 =	vmul.f32 $1.442695020e+00, v3;
	[tilespmem:s26+$0x14C00] =	vst v4;
	v0 =	vadd.f32 v4, v0;
	s26 =	smov.u32 s25;
	s25 =	smov.u32 s28;
	s28 =	smov.u32 s30  }
0x42: {  	_ = 	snop  }
0x43: {  	(erf) = vpow2.f32 v3  }
0x44: {  	_ = 	snop  }
0x45: {  	v1 =	vsub.f32 v2, v1;
	_ =	sdelay $0x1  }
0x46: {  	v1 =	vmul.f32 $1.442695020e+00, v1;
	_ =	sdelay $0x1  }
0x47: {  	(erf) = vpow2.f32 v1;
	_ =	sdelay $0x6  }
0x48: {  	v1 =	vpop (erf)  }
0x49: {  	[tilespmem:s26+$0x14C00] =	vst v1;
	v2 =	vpop (erf)  }
0x4a: {  	[tilespmem:s25+$0x14C00] =	vst v2;
	v3 =	vpop (erf)  }
0x4b: {  	[tilespmem:s28+$0x14C00] =	vst v3  }
0x4c: {  	v4 =	vld [tilespmem:s21+$0x0];
	_ =	sdelay $0x2  }
0x4d: {  	v0 =	vadd.f32 v1, v0;
	_ =	sdelay $0x1  }
0x4e: {  	v0 =	vadd.f32 v2, v0;
	v6 =	vadd.s32 $0x7800, v4  }
0x4f: {  	v1 =	vadd.s32 $0x800, v4  }
0x50: {  	s31 =	simm.s32 $0x0;
	v0 =	vadd.f32 v3, v0;
	v3 =	vadd.s32 $0x1000, v4  }
0x51: {  	v16 =	vimm.f32 $0.0e+00;
	v15 =	vimm.f32 $0.0e+00;
	v2 =	vld [tilespmem:s31+$0x14C00];
	v8 =	vadd.s32 $0x1800, v4  }
0x52: {  	v14 =	vimm.f32 $0.0e+00;
	v13 =	vimm.f32 $0.0e+00;
	v10 =	vadd.s32 $0x2800, v4;
	v7 =	vld.idx.msk [tilespmem:v4+s2+$0x0], $0xffff  }
0x53: {  	v12 =	vimm.f32 $0.0e+00;
	v11 =	vimm.f32 $0.0e+00;
	v9 =	vadd.s32 $0x2000, v4;
	v6 =	vld.idx.msk [tilespmem:v6+s2+$0x0], $0xffff  }
0x54: {  	v17 =	vadd.s32 $0x3000, v4;
	v30 =	vadd.s32 $0x3800, v4;
	v29 =	vadd.s32 $0x4000, v4;
	v1 =	vld.idx.msk [tilespmem:v1+s2+$0x0], $0xffff  }
0x55: {  	v24 =	vadd.s32 $0x4800, v4;
	v23 =	vadd.s32 $0x5000, v4;
	v22 =	vadd.s32 $0x5800, v4;
	v28 =	vld.idx.msk [tilespmem:v3+s2+$0x0], $0xffff  }
0x56: {  	v20 =	vadd.s32 $0x6000, v4;
	v19 =	vadd.s32 $0x6800, v4;
	v18 =	vadd.s32 $0x7000, v4;
	v27 =	vld.idx.msk [tilespmem:v8+s2+$0x0], $0xffff  }
0x57: {  	v4 =	vimm.f32 $0.0e+00;
	v25 =	vld.idx.msk [tilespmem:v10+s2+$0x0], $0xffff;
	v10 =	vimm.f32 $0.0e+00;
	v7 =	vmul.f32 v7, v2  }
0x58: {  	s26 =	sadd.s32 $0x100, s21;
	v26 =	vld.idx.msk [tilespmem:v9+s2+$0x0], $0xffff;
	v9 =	vimm.f32 $0.0e+00;
	v8 =	vimm.f32 $0.0e+00;
	v6 =	vmul.f32 v6, v2  }
0x59: {  	v31 =	vld [tilespmem:s26+$0x0];
	v3 =	vimm.f32 $0.0e+00;
	v21 =	vadd.f32 v7, v5;
	v32 =	vmul.f32 v1, v2  }
0x5a: {  	s25 =	simm.s32 $0x40;
	s28 =	simm.s32 $0x80;
	v17 =	vld.idx.msk [tilespmem:v17+s2+$0x0], $0xffff;
	v7 =	vimm.f32 $0.0e+00;
	v1 =	vadd.f32 v6, v5;
	v6 =	vimm.f32 $0.0e+00  }
.LBB2_7:
0x5b: {  	p0 =	sne.s32 s28, $0xFC0;
	v28 =	vmul.f32 v28, v2;
	v33 =	vld.idx.msk [tilespmem:v30+s2+$0x0], $0xffff  }
0x5c: {  	v27 =	vmul.f32 v27, v2;
	v5 =	vadd.f32 v32, v5;
	v32 =	vld.idx.msk [tilespmem:v29+s2+$0x0], $0xffff  }
0x5d: {  	v26 =	vmul.f32 v26, v2;
	v16 =	vadd.f32 v28, v16;
	v28 =	vld.idx.msk [tilespmem:v24+s2+$0x0], $0xffff  }
0x5e: {  	v15 =	vadd.f32 v27, v15;
	v25 =	vmul.f32 v25, v2;
	v27 =	vld.idx.msk [tilespmem:v23+s2+$0x0], $0xffff  }
0x5f: {  	v34 =	vadd.s32 $0x800, v31;
	v35 =	vadd.s32 $0x1000, v31;
	v36 =	vadd.s32 $0x7800, v31;
	v37 =	vld.idx.msk [tilespmem:v22+s2+$0x0], $0xffff  }
0x60: {  	v38 =	vadd.s32 $0x1800, v31;
	v39 =	vadd.s32 $0x2000, v31;
	v40 =	vadd.s32 $0x2800, v31;
	v41 =	vld.idx.msk [tilespmem:v20+s2+$0x0], $0xffff  }
0x61: {  	v42 =	vadd.s32 $0x3000, v31;
	v30 =	vadd.s32 $0x3800, v31;
	v29 =	vadd.s32 $0x4000, v31;
	v43 =	vld.idx.msk [tilespmem:v19+s2+$0x0], $0xffff  }
0x62: {  	v24 =	vadd.s32 $0x4800, v31;
	v23 =	vadd.s32 $0x5000, v31;
	v22 =	vadd.s32 $0x5800, v31;
	v44 =	vld.idx.msk [tilespmem:v18+s2+$0x0], $0xffff  }
0x63: {  	v20 =	vadd.s32 $0x6000, v31;
	v19 =	vadd.s32 $0x6800, v31;
	v18 =	vadd.s32 $0x7000, v31;
	v45 =	vld.idx.msk [tilespmem:v31+s2+$0x0], $0xffff  }
0x64: {  	s29 =	sshra.s32 s25, $0x2;
	s25 =	smov.u32 s28;
	v14 =	vadd.f32 v26, v14;
	v17 =	vmul.f32 v17, v2;
	v26 =	vmul.f32 v33, v2;
	v31 =	vld.idx.msk [tilespmem:v36+s2+$0x0], $0xffff  }
0x65: {  	v13 =	vadd.f32 v25, v13;
	v25 =	vmul.f32 v32, v2;
	v32 =	vmul.f32 v28, v2;
	v33 =	vld [tilespmem:s29+$0x14C00]  }
0x66: {  	v12 =	vadd.f32 v17, v12;
	v17 =	vmul.f32 v27, v2;
	v36 =	vmul.f32 v37, v2;
	v34 =	vld.idx.msk [tilespmem:v34+s2+$0x0], $0xffff  }
0x67: {  	v11 =	vadd.f32 v26, v11;
	v37 =	vmul.f32 v43, v2;
	v28 =	vld.idx.msk [tilespmem:v35+s2+$0x0], $0xffff;
	v35 =	vmul.f32 v41, v2  }
.Ltmp2:
0x68: {  	v10 =	vadd.f32 v25, v10;
	v9 =	vadd.f32 v32, v9;
	v27 =	vld.idx.msk [tilespmem:v38+s2+$0x0], $0xffff;
	v38 =	vmul.f32 v44, v2;
	(pc) =	sbr.rel @p0 .LBB2_7-.Ltmp2, $4  }
0x69: {  	v8 =	vadd.f32 v17, v8;
	v7 =	vadd.f32 v36, v7;
	v26 =	vld.idx.msk [tilespmem:v39+s2+$0x0], $0xffff  }
0x6a: {  	v6 =	vadd.f32 v35, v6;
	v32 =	vmul.f32 v45, v33;
	v25 =	vld.idx.msk [tilespmem:v40+s2+$0x0], $0xffff;
	v36 =	vmul.f32 v31, v33  }
0x6b: {  	s26 =	sadd.s32 $0x100, s26;
	v4 =	vadd.f32 v37, v4;
	v3 =	vadd.f32 v38, v3;
	v2 =	vmov v33;
	v17 =	vld.idx.msk [tilespmem:v42+s2+$0x0], $0xffff  }
0x6c: {  	s28 =	sadd.s32 $0x40, s28;
	v31 =	vld [tilespmem:s26+$0x0];
	v21 =	vadd.f32 v32, v21;
	v32 =	vmul.f32 v34, v2;
	v1 =	vadd.f32 v36, v1  }
0x6d: {  	_ =	sdelay $0x3  }
0x6e: {  	v30 =	vld.idx.msk [tilespmem:v30+s2+$0x0], $0xffff  }
0x6f: {  	v29 =	vld.idx.msk [tilespmem:v29+s2+$0x0], $0xffff  }
0x70: {  	v33 =	vld.idx.msk [tilespmem:v24+s2+$0x0], $0xffff  }
0x71: {  	v34 =	vld.idx.msk [tilespmem:v23+s2+$0x0], $0xffff  }
0x72: {  	v24 =	vld.idx.msk [tilespmem:v22+s2+$0x0], $0xffff  }
0x73: {  	v23 =	vld.idx.msk [tilespmem:v20+s2+$0x0], $0xffff  }
0x74: {  	v22 =	vld.idx.msk [tilespmem:v19+s2+$0x0], $0xffff;
	v35 =	vadd.s32 $0x7800, v31  }
0x75: {  	v20 =	vld.idx.msk [tilespmem:v18+s2+$0x0], $0xffff;
	v36 =	vadd.s32 $0x800, v31  }
0x76: {  	s25 =	sshra.s32 s25, $0x2;
	v48 =	vld [tilespmem:$0x15000];
	v37 =	vadd.s32 $0x1000, v31  }
0x77: {  	v19 =	vld [tilespmem:s25+$0x14C00];
	v38 =	vadd.s32 $0x1800, v31  }
0x78: {  	(erf) = vrcp.f32 v0;
	v39 =	vld.idx.msk [tilespmem:v31+s2+$0x0], $0xffff;
	v40 =	vadd.s32 $0x2000, v31  }
0x79: {  	v56 =	vadd.s32 $0x2800, v31;
	v18 =	vld.idx.msk [tilespmem:v35+s2+$0x0], $0xffff  }
0x7a: {  	v41 =	vadd.s32 $0x3000, v31;
	v36 =	vld.idx.msk [tilespmem:v36+s2+$0x0], $0xffff  }
0x7b: {  	v0 =	vadd.s32 $0x3800, v31;
	v37 =	vld.idx.msk [tilespmem:v37+s2+$0x0], $0xffff  }
0x7c: {  	v42 =	vadd.s32 $0x4000, v31;
	v38 =	vld.idx.msk [tilespmem:v38+s2+$0x0], $0xffff  }
0x7d: {  	v43 =	vadd.s32 $0x4800, v31;
	v40 =	vld.idx.msk [tilespmem:v40+s2+$0x0], $0xffff  }
0x7e: {  	v44 =	vadd.s32 $0x5000, v31;
	v35 =	vld.idx.msk [tilespmem:v56+s2+$0x0], $0xffff;
	v39 =	vmul.f32 v39, v19  }
0x7f: {  	v45 =	vadd.s32 $0x5800, v31;
	v41 =	vld.idx.msk [tilespmem:v41+s2+$0x0], $0xffff  }
0x80: {  	v47 =	vadd.s32 $0x6000, v31;
	v46 =	vld.idx.msk [tilespmem:v0+s2+$0x0], $0xffff;
	v21 =	vadd.f32 v39, v21  }
0x81: {  	v49 =	vadd.s32 $0x6800, v31;
	v57 =	vld.idx.msk [tilespmem:v42+s2+$0x0], $0xffff;
	v0 =	vpop (erf)  }
0x82: {  	v31 =	vadd.s32 $0x7000, v31;
	v58 =	vld.idx.msk [tilespmem:v43+s2+$0x0], $0xffff;
	v21 =	vmul.f32 v21, v0  }
0x83: {  	v59 =	vld.idx.msk [tilespmem:v44+s2+$0x0], $0xffff  }
0x84: {  	v60 =	vld.idx.msk [tilespmem:v45+s2+$0x0], $0xffff;
	v21 =	vadd.f32 v48, v21  }
0x85: {  	v61 =	vld.idx.msk [tilespmem:v47+s2+$0x0], $0xffff  }
0x86: {  	v62 =	vld.idx.msk [tilespmem:v49+s2+$0x0], $0xffff;
	v21 =	vmax.f32 v21, $0.0e+00  }
0x87: {  	v5 =	vadd.f32 v32, v5;
	v31 =	vld.idx.msk [tilespmem:v31+s2+$0x0], $0xffff;
	v63 =	vmul.f32 v36, v19;
	[tilespmem:s24+$0x15200] =	vst v21  }
0x88: {  	v21 =	vld [tilespmem:$0x15010]  }
0x89: {  	v5 =	vadd.f32 v63, v5;
	_ =	sdelay $0x1  }
0x8a: {  	v5 =	vmul.f32 v5, v0;
	_ =	sdelay $0x1  }
0x8b: {  	v5 =	vadd.f32 v21, v5  }
0x8c: {  	v21 =	vmul.f32 v28, v2  }
0x8d: {  	s22 =	sadd.s32 s23, s22;
	v5 =	vmax.f32 v5, $0.0e+00  }
0x8e: {  	v16 =	vadd.f32 v21, v16;
	v21 =	vmul.f32 v37, v19;
	[tilespmem:s22+$0x15300] =	vst v5  }
0x8f: {  	v5 =	vld [tilespmem:$0x15020]  }
0x90: {  	v16 =	vadd.f32 v21, v16;
	_ =	sdelay $0x1  }
0x91: {  	v16 =	vmul.f32 v16, v0;
	_ =	sdelay $0x1  }
0x92: {  	v5 =	vadd.f32 v5, v16  }
0x93: {  	v16 =	vmul.f32 v27, v2  }
0x94: {  	v5 =	vmax.f32 v5, $0.0e+00  }
0x95: {  	v15 =	vadd.f32 v16, v15;
	v16 =	vmul.f32 v38, v19;
	[tilespmem:s22+$0x15400] =	vst v5  }
0x96: {  	v5 =	vld [tilespmem:$0x15030]  }
0x97: {  	v15 =	vadd.f32 v16, v15;
	_ =	sdelay $0x1  }
0x98: {  	v15 =	vmul.f32 v15, v0;
	_ =	sdelay $0x1  }
0x99: {  	v5 =	vadd.f32 v5, v15  }
0x9a: {  	v15 =	vmul.f32 v26, v2  }
0x9b: {  	v5 =	vmax.f32 v5, $0.0e+00  }
0x9c: {  	v14 =	vadd.f32 v15, v14;
	v15 =	vmul.f32 v40, v19;
	[tilespmem:s22+$0x15500] =	vst v5  }
0x9d: {  	v5 =	vld [tilespmem:$0x15040]  }
0x9e: {  	v14 =	vadd.f32 v15, v14;
	_ =	sdelay $0x1  }
0x9f: {  	v14 =	vmul.f32 v14, v0;
	_ =	sdelay $0x1  }
0xa0: {  	v5 =	vadd.f32 v5, v14  }
0xa1: {  	v14 =	vmul.f32 v25, v2  }
0xa2: {  	v5 =	vmax.f32 v5, $0.0e+00  }
0xa3: {  	v13 =	vadd.f32 v14, v13;
	v14 =	vmul.f32 v35, v19;
	[tilespmem:s22+$0x15600] =	vst v5  }
0xa4: {  	v5 =	vld [tilespmem:$0x15050]  }
0xa5: {  	v13 =	vadd.f32 v14, v13;
	_ =	sdelay $0x1  }
0xa6: {  	v13 =	vmul.f32 v13, v0;
	_ =	sdelay $0x1  }
0xa7: {  	v5 =	vadd.f32 v5, v13  }
0xa8: {  	v13 =	vmul.f32 v17, v2  }
0xa9: {  	v5 =	vmax.f32 v5, $0.0e+00  }
0xaa: {  	v12 =	vadd.f32 v13, v12;
	v13 =	vmul.f32 v41, v19;
	[tilespmem:s22+$0x15700] =	vst v5  }
0xab: {  	v5 =	vld [tilespmem:$0x15060]  }
0xac: {  	v12 =	vadd.f32 v13, v12;
	_ =	sdelay $0x1  }
0xad: {  	v12 =	vmul.f32 v12, v0;
	_ =	sdelay $0x1  }
0xae: {  	v5 =	vadd.f32 v5, v12  }
0xaf: {  	v12 =	vmul.f32 v30, v2  }
0xb0: {  	v5 =	vmax.f32 v5, $0.0e+00  }
0xb1: {  	v11 =	vadd.f32 v12, v11;
	v12 =	vmul.f32 v46, v19;
	[tilespmem:s22+$0x15800] =	vst v5  }
0xb2: {  	v5 =	vld [tilespmem:$0x15070]  }
0xb3: {  	v11 =	vadd.f32 v12, v11;
	_ =	sdelay $0x1  }
0xb4: {  	v11 =	vmul.f32 v11, v0;
	_ =	sdelay $0x1  }
0xb5: {  	v5 =	vadd.f32 v5, v11  }
0xb6: {  	v11 =	vmul.f32 v29, v2  }
0xb7: {  	v5 =	vmax.f32 v5, $0.0e+00  }
0xb8: {  	v10 =	vadd.f32 v11, v10;
	v11 =	vmul.f32 v57, v19;
	[tilespmem:s22+$0x15900] =	vst v5  }
0xb9: {  	v5 =	vld [tilespmem:$0x15080]  }
0xba: {  	v10 =	vadd.f32 v11, v10;
	_ =	sdelay $0x1  }
0xbb: {  	v10 =	vmul.f32 v10, v0;
	_ =	sdelay $0x1  }
0xbc: {  	v5 =	vadd.f32 v5, v10  }
0xbd: {  	v10 =	vmul.f32 v33, v2  }
0xbe: {  	v5 =	vmax.f32 v5, $0.0e+00  }
0xbf: {  	v9 =	vadd.f32 v10, v9;
	v10 =	vmul.f32 v58, v19;
	[tilespmem:s22+$0x15A00] =	vst v5  }
0xc0: {  	v5 =	vld [tilespmem:$0x15090]  }
0xc1: {  	v9 =	vadd.f32 v10, v9;
	_ =	sdelay $0x1  }
0xc2: {  	v9 =	vmul.f32 v9, v0;
	_ =	sdelay $0x1  }
0xc3: {  	v5 =	vadd.f32 v5, v9  }
0xc4: {  	v9 =	vmul.f32 v34, v2  }
0xc5: {  	v5 =	vmax.f32 v5, $0.0e+00  }
0xc6: {  	v8 =	vadd.f32 v9, v8;
	v9 =	vmul.f32 v59, v19;
	[tilespmem:s22+$0x15B00] =	vst v5  }
0xc7: {  	v5 =	vld [tilespmem:$0x150A0]  }
0xc8: {  	v8 =	vadd.f32 v9, v8;
	_ =	sdelay $0x1  }
0xc9: {  	v8 =	vmul.f32 v8, v0;
	_ =	sdelay $0x1  }
0xca: {  	v5 =	vadd.f32 v5, v8  }
0xcb: {  	v8 =	vmul.f32 v24, v2  }
0xcc: {  	v5 =	vmax.f32 v5, $0.0e+00  }
0xcd: {  	v7 =	vadd.f32 v8, v7;
	v8 =	vmul.f32 v60, v19;
	[tilespmem:s22+$0x15C00] =	vst v5  }
0xce: {  	v5 =	vld [tilespmem:$0x150B0]  }
0xcf: {  	v7 =	vadd.f32 v8, v7;
	_ =	sdelay $0x1  }
0xd0: {  	v7 =	vmul.f32 v7, v0;
	_ =	sdelay $0x1  }
0xd1: {  	v5 =	vadd.f32 v5, v7  }
0xd2: {  	v7 =	vmul.f32 v23, v2  }
0xd3: {  	v5 =	vmax.f32 v5, $0.0e+00  }
0xd4: {  	v6 =	vadd.f32 v7, v6;
	v7 =	vmul.f32 v61, v19;
	[tilespmem:s22+$0x15D00] =	vst v5  }
0xd5: {  	v5 =	vld [tilespmem:$0x150C0]  }
0xd6: {  	v6 =	vadd.f32 v7, v6;
	_ =	sdelay $0x1  }
0xd7: {  	v6 =	vmul.f32 v6, v0;
	_ =	sdelay $0x1  }
0xd8: {  	v5 =	vadd.f32 v5, v6  }
0xd9: {  	v6 =	vmul.f32 v22, v2  }
0xda: {  	v5 =	vmax.f32 v5, $0.0e+00  }
0xdb: {  	v4 =	vadd.f32 v6, v4;
	v6 =	vmul.f32 v62, v19;
	[tilespmem:s22+$0x15E00] =	vst v5  }
0xdc: {  	v5 =	vld [tilespmem:$0x150D0]  }
0xdd: {  	v4 =	vadd.f32 v6, v4;
	_ =	sdelay $0x1  }
0xde: {  	v4 =	vmul.f32 v4, v0;
	_ =	sdelay $0x1  }
0xdf: {  	v4 =	vadd.f32 v5, v4  }
0xe0: {  	v2 =	vmul.f32 v20, v2  }
0xe1: {  	v4 =	vmax.f32 v4, $0.0e+00  }
0xe2: {  	v2 =	vadd.f32 v2, v3;
	v3 =	vmul.f32 v31, v19;
	[tilespmem:s22+$0x15F00] =	vst v4  }
0xe3: {  	v4 =	vld [tilespmem:$0x150E0]  }
0xe4: {  	v2 =	vadd.f32 v3, v2;
	_ =	sdelay $0x1  }
0xe5: {  	v2 =	vmul.f32 v2, v0;
	_ =	sdelay $0x1  }
0xe6: {  	v2 =	vadd.f32 v4, v2;
	_ =	sdelay $0x1  }
0xe7: {  	v2 =	vmax.f32 v2, $0.0e+00  }
0xe8: {  	v3 =	vmul.f32 v18, v19;
	[tilespmem:s22+$0x16000] =	vst v2  }
0xe9: {  	v2 =	vld [tilespmem:$0x150F0]  }
0xea: {  	v1 =	vadd.f32 v3, v1;
	_ =	sdelay $0x1  }
0xeb: {  	v1 =	vmul.f32 v1, v0;
	_ =	sdelay $0x1  }
0xec: {  	v1 =	vadd.f32 v2, v1;
	_ =	sdelay $0x1  }
0xed: {  	v1 =	vmax.f32 v1, $0.0e+00  }
0xee: {  	[tilespmem:s22+$0x16100] =	vst v1  }
0xef: {  	v1 =	vld [tilespmem:s21+$0x0];
	_ =	sdelay $0x4  }
0xf0: {  	v2 =	vadd.s32 $0xF800, v1;
	_ =	sdelay $0x1  }
0xf1: {  	v3 =	vadd.s32 $0x8000, v1  }
0xf2: {  	v16 =	vimm.f32 $0.0e+00;
	v5 =	vadd.s32 $0x8800, v1  }
0xf3: {  	v15 =	vimm.f32 $0.0e+00;
	v14 =	vimm.f32 $0.0e+00;
	v6 =	vadd.s32 $0x9000, v1  }
0xf4: {  	s31 =	simm.s32 $0x0;
	v17 =	vimm.f32 $0.0e+00;
	v13 =	vimm.f32 $0.0e+00;
	v7 =	vadd.s32 $0x9800, v1;
	v4 =	vld.idx.msk [tilespmem:v2+s2+$0x0], $0xffff  }
0xf5: {  	v12 =	vimm.f32 $0.0e+00;
	v11 =	vimm.f32 $0.0e+00;
	v8 =	vadd.s32 $0xA000, v1;
	v2 =	vld [tilespmem:s31+$0x14C00]  }
0xf6: {  	v10 =	vimm.f32 $0.0e+00;
	v9 =	vimm.f32 $0.0e+00;
	v20 =	vadd.s32 $0xA800, v1;
	v3 =	vld.idx.msk [tilespmem:v3+s2+$0x0], $0xffff  }
0xf7: {  	v31 =	vadd.s32 $0xB000, v1;
	v30 =	vadd.s32 $0xB800, v1;
	v29 =	vadd.s32 $0xC000, v1;
	v28 =	vld.idx.msk [tilespmem:v5+s2+$0x0], $0xffff  }
0xf8: {  	v24 =	vadd.s32 $0xC800, v1;
	v23 =	vadd.s32 $0xD000, v1;
	v22 =	vadd.s32 $0xD800, v1;
	v27 =	vld.idx.msk [tilespmem:v6+s2+$0x0], $0xffff  }
0xf9: {  	v21 =	vadd.s32 $0xE000, v1;
	v19 =	vadd.s32 $0xE800, v1;
	v18 =	vadd.s32 $0xF000, v1;
	v26 =	vld.idx.msk [tilespmem:v7+s2+$0x0], $0xffff  }
0xfa: {  	s23 =	sadd.s32 $0x100, s21;
	v25 =	vld.idx.msk [tilespmem:v8+s2+$0x0], $0xffff;
	v8 =	vimm.f32 $0.0e+00;
	v7 =	vimm.f32 $0.0e+00;
	v4 =	vmul.f32 v4, v2  }
0xfb: {  	v32 =	vld [tilespmem:s23+$0x0];
	v6 =	vimm.f32 $0.0e+00;
	v5 =	vimm.f32 $0.0e+00;
	v33 =	vmul.f32 v3, v2  }
0xfc: {  	s24 =	simm.s32 $0x80;
	s21 =	simm.s32 $0x40;
	v20 =	vld.idx.msk [tilespmem:v20+s2+$0x0], $0xffff;
	v3 =	vimm.f32 $0.0e+00;
	v1 =	vadd.f32 v4, v16;
	v4 =	vimm.f32 $0.0e+00  }
.LBB2_9:
0xfd: {  	p0 =	sne.s32 s24, $0xFC0;
	v28 =	vmul.f32 v28, v2;
	v34 =	vld.idx.msk [tilespmem:v31+s2+$0x0], $0xffff  }
0xfe: {  	v27 =	vmul.f32 v27, v2;
	v16 =	vadd.f32 v33, v16;
	v33 =	vld.idx.msk [tilespmem:v30+s2+$0x0], $0xffff  }
0xff: {  	v26 =	vmul.f32 v26, v2;
	v17 =	vadd.f32 v28, v17;
	v28 =	vld.idx.msk [tilespmem:v29+s2+$0x0], $0xffff  }
0x100: {  	v15 =	vadd.f32 v27, v15;
	v25 =	vmul.f32 v25, v2;
	v27 =	vld.idx.msk [tilespmem:v24+s2+$0x0], $0xffff  }
0x101: {  	v35 =	vadd.s32 $0x8000, v32;
	v36 =	vadd.s32 $0x8800, v32;
	v37 =	vadd.s32 $0xF800, v32;
	v38 =	vld.idx.msk [tilespmem:v23+s2+$0x0], $0xffff  }
0x102: {  	v39 =	vadd.s32 $0x9000, v32;
	v40 =	vadd.s32 $0x9800, v32;
	v41 =	vadd.s32 $0xA000, v32;
	v42 =	vld.idx.msk [tilespmem:v22+s2+$0x0], $0xffff  }
0x103: {  	v43 =	vadd.s32 $0xA800, v32;
	v31 =	vadd.s32 $0xB000, v32;
	v30 =	vadd.s32 $0xB800, v32;
	v44 =	vld.idx.msk [tilespmem:v21+s2+$0x0], $0xffff  }
0x104: {  	v29 =	vadd.s32 $0xC000, v32;
	v24 =	vadd.s32 $0xC800, v32;
	v23 =	vadd.s32 $0xD000, v32;
	v45 =	vld.idx.msk [tilespmem:v19+s2+$0x0], $0xffff  }
0x105: {  	v22 =	vadd.s32 $0xD800, v32;
	v21 =	vadd.s32 $0xE000, v32;
	v19 =	vadd.s32 $0xE800, v32;
	v46 =	vld.idx.msk [tilespmem:v18+s2+$0x0], $0xffff  }
0x106: {  	s25 =	sshra.s32 s21, $0x2;
	s21 =	smov.u32 s24;
	v20 =	vmul.f32 v20, v2;
	v34 =	vmul.f32 v34, v2;
	v18 =	vadd.s32 $0xF000, v32;
	v32 =	vld.idx.msk [tilespmem:v37+s2+$0x0], $0xffff  }
0x107: {  	v14 =	vadd.f32 v26, v14;
	v26 =	vmul.f32 v33, v2;
	v33 =	vmul.f32 v28, v2;
	v37 =	vld [tilespmem:s25+$0x14C00]  }
0x108: {  	v13 =	vadd.f32 v25, v13;
	v25 =	vmul.f32 v27, v2;
	v38 =	vmul.f32 v38, v2;
	v35 =	vld.idx.msk [tilespmem:v35+s2+$0x0], $0xffff  }
0x109: {  	v12 =	vadd.f32 v20, v12;
	v20 =	vmul.f32 v42, v2;
	v28 =	vld.idx.msk [tilespmem:v36+s2+$0x0], $0xffff;
	v36 =	vmul.f32 v44, v2  }
.Ltmp3:
0x10a: {  	v11 =	vadd.f32 v34, v11;
	v10 =	vadd.f32 v26, v10;
	v34 =	vmul.f32 v45, v2;
	v27 =	vld.idx.msk [tilespmem:v39+s2+$0x0], $0xffff;
	(pc) =	sbr.rel @p0 .LBB2_9-.Ltmp3, $4  }
0x10b: {  	v9 =	vadd.f32 v33, v9;
	v8 =	vadd.f32 v25, v8;
	v39 =	vmul.f32 v46, v2;
	v26 =	vld.idx.msk [tilespmem:v40+s2+$0x0], $0xffff  }
0x10c: {  	v7 =	vadd.f32 v38, v7;
	v6 =	vadd.f32 v20, v6;
	v25 =	vld.idx.msk [tilespmem:v41+s2+$0x0], $0xffff;
	v40 =	vmul.f32 v32, v37  }
0x10d: {  	s23 =	sadd.s32 $0x100, s23;
	v5 =	vadd.f32 v36, v5;
	v4 =	vadd.f32 v34, v4;
	v2 =	vmov v37;
	v20 =	vld.idx.msk [tilespmem:v43+s2+$0x0], $0xffff  }
0x10e: {  	s24 =	sadd.s32 $0x40, s24;
	v3 =	vadd.f32 v39, v3;
	v33 =	vmul.f32 v35, v2;
	v32 =	vld [tilespmem:s23+$0x0];
	v1 =	vadd.f32 v40, v1  }
0x10f: {  	_ =	sdelay $0x3  }
0x110: {  	v31 =	vld.idx.msk [tilespmem:v31+s2+$0x0], $0xffff  }
0x111: {  	v30 =	vld.idx.msk [tilespmem:v30+s2+$0x0], $0xffff  }
0x112: {  	v29 =	vld.idx.msk [tilespmem:v29+s2+$0x0], $0xffff  }
0x113: {  	v34 =	vld.idx.msk [tilespmem:v24+s2+$0x0], $0xffff  }
0x114: {  	v36 =	vld.idx.msk [tilespmem:v23+s2+$0x0], $0xffff  }
0x115: {  	v55 =	vld.idx.msk [tilespmem:v22+s2+$0x0], $0xffff  }
0x116: {  	v56 =	vld.idx.msk [tilespmem:v21+s2+$0x0], $0xffff;
	v35 =	vadd.s32 $0xF800, v32  }
0x117: {  	v22 =	vld.idx.msk [tilespmem:v19+s2+$0x0], $0xffff;
	v37 =	vadd.s32 $0x8000, v32  }
0x118: {  	v21 =	vld.idx.msk [tilespmem:v18+s2+$0x0], $0xffff;
	v38 =	vadd.s32 $0x8800, v32  }
0x119: {  	s21 =	sshra.s32 s21, $0x2;
	v48 =	vld [tilespmem:$0x15100];
	v39 =	vadd.s32 $0x9000, v32  }
0x11a: {  	v19 =	vld [tilespmem:s21+$0x14C00];
	v40 =	vadd.s32 $0x9800, v32  }
0x11b: {  	v57 =	vadd.s32 $0xA000, v32;
	v18 =	vld.idx.msk [tilespmem:v35+s2+$0x0], $0xffff  }
0x11c: {  	v41 =	vadd.s32 $0xA800, v32;
	v37 =	vld.idx.msk [tilespmem:v37+s2+$0x0], $0xffff  }
0x11d: {  	v42 =	vadd.s32 $0xB000, v32;
	v38 =	vld.idx.msk [tilespmem:v38+s2+$0x0], $0xffff  }
0x11e: {  	v43 =	vadd.s32 $0xB800, v32;
	v39 =	vld.idx.msk [tilespmem:v39+s2+$0x0], $0xffff  }
0x11f: {  	v44 =	vadd.s32 $0xC000, v32;
	v40 =	vld.idx.msk [tilespmem:v40+s2+$0x0], $0xffff  }
0x120: {  	v45 =	vadd.s32 $0xC800, v32;
	v35 =	vld.idx.msk [tilespmem:v57+s2+$0x0], $0xffff  }
0x121: {  	v16 =	vadd.f32 v33, v16;
	v46 =	vadd.s32 $0xD000, v32;
	v41 =	vld.idx.msk [tilespmem:v41+s2+$0x0], $0xffff;
	v37 =	vmul.f32 v37, v19  }
0x122: {  	v58 =	vadd.s32 $0xD800, v32;
	v42 =	vld.idx.msk [tilespmem:v42+s2+$0x0], $0xffff  }
0x123: {  	v47 =	vadd.s32 $0xE000, v32;
	v43 =	vld.idx.msk [tilespmem:v43+s2+$0x0], $0xffff;
	v16 =	vadd.f32 v37, v16  }
0x124: {  	v60 =	vadd.s32 $0xF000, v32;
	v44 =	vld.idx.msk [tilespmem:v44+s2+$0x0], $0xffff  }
0x125: {  	v59 =	vadd.s32 $0xE800, v32;
	v45 =	vld.idx.msk [tilespmem:v45+s2+$0x0], $0xffff;
	v16 =	vmul.f32 v16, v0  }
0x126: {  	v46 =	vld.idx.msk [tilespmem:v46+s2+$0x0], $0xffff  }
0x127: {  	v33 =	vld.idx.msk [tilespmem:v58+s2+$0x0], $0xffff;
	v16 =	vadd.f32 v48, v16  }
0x128: {  	v28 =	vmul.f32 v28, v2;
	v47 =	vld.idx.msk [tilespmem:v47+s2+$0x0], $0xffff  }
0x129: {  	v32 =	vld.idx.msk [tilespmem:v60+s2+$0x0], $0xffff;
	v16 =	vmax.f32 v16, $0.0e+00  }
0x12a: {  	v17 =	vadd.f32 v28, v17;
	v61 =	vmul.f32 v38, v19;
	v37 =	vld.idx.msk [tilespmem:v59+s2+$0x0], $0xffff;
	[tilespmem:s22+$0x16200] =	vst v16  }
0x12b: {  	v16 =	vld [tilespmem:$0x15110]  }
0x12c: {  	v17 =	vadd.f32 v61, v17;
	_ =	sdelay $0x1  }
0x12d: {  	v17 =	vmul.f32 v17, v0;
	_ =	sdelay $0x1  }
0x12e: {  	v16 =	vadd.f32 v16, v17  }
0x12f: {  	v62 =	vmul.f32 v27, v2  }
0x130: {  	v16 =	vmax.f32 v16, $0.0e+00  }
0x131: {  	v15 =	vadd.f32 v62, v15;
	v63 =	vmul.f32 v39, v19;
	[tilespmem:s22+$0x16300] =	vst v16  }
0x132: {  	v16 =	vld [tilespmem:$0x15120]  }
0x133: {  	v15 =	vadd.f32 v63, v15;
	_ =	sdelay $0x1  }
0x134: {  	v15 =	vmul.f32 v15, v0;
	_ =	sdelay $0x1  }
0x135: {  	v15 =	vadd.f32 v16, v15  }
0x136: {  	v26 =	vmul.f32 v26, v2  }
0x137: {  	v15 =	vmax.f32 v15, $0.0e+00  }
0x138: {  	v14 =	vadd.f32 v26, v14;
	v27 =	vmul.f32 v40, v19;
	[tilespmem:s22+$0x16400] =	vst v15  }
0x139: {  	v15 =	vld [tilespmem:$0x15130]  }
0x13a: {  	v14 =	vadd.f32 v27, v14;
	_ =	sdelay $0x1  }
0x13b: {  	v14 =	vmul.f32 v14, v0;
	_ =	sdelay $0x1  }
0x13c: {  	v14 =	vadd.f32 v15, v14  }
0x13d: {  	v28 =	vmul.f32 v25, v2  }
0x13e: {  	v14 =	vmax.f32 v14, $0.0e+00  }
0x13f: {  	v13 =	vadd.f32 v28, v13;
	v35 =	vmul.f32 v35, v19;
	[tilespmem:s22+$0x16500] =	vst v14  }
0x140: {  	v14 =	vld [tilespmem:$0x15140]  }
0x141: {  	v13 =	vadd.f32 v35, v13;
	_ =	sdelay $0x1  }
0x142: {  	v13 =	vmul.f32 v13, v0;
	_ =	sdelay $0x1  }
0x143: {  	v13 =	vadd.f32 v14, v13  }
0x144: {  	v38 =	vmul.f32 v20, v2  }
0x145: {  	v13 =	vmax.f32 v13, $0.0e+00  }
0x146: {  	v39 =	vmul.f32 v41, v19;
	v12 =	vadd.f32 v38, v12;
	[tilespmem:s22+$0x16600] =	vst v13  }
0x147: {  	v13 =	vld [tilespmem:$0x15150]  }
0x148: {  	v12 =	vadd.f32 v39, v12;
	_ =	sdelay $0x1  }
0x149: {  	v12 =	vmul.f32 v12, v0;
	_ =	sdelay $0x1  }
0x14a: {  	v12 =	vadd.f32 v13, v12  }
0x14b: {  	v40 =	vmul.f32 v31, v2  }
0x14c: {  	v12 =	vmax.f32 v12, $0.0e+00  }
0x14d: {  	v41 =	vmul.f32 v42, v19;
	v11 =	vadd.f32 v40, v11;
	[tilespmem:s22+$0x16700] =	vst v12  }
0x14e: {  	v12 =	vld [tilespmem:$0x15160]  }
0x14f: {  	v11 =	vadd.f32 v41, v11;
	_ =	sdelay $0x1  }
0x150: {  	v11 =	vmul.f32 v11, v0;
	_ =	sdelay $0x1  }
0x151: {  	v11 =	vadd.f32 v12, v11  }
0x152: {  	v42 =	vmul.f32 v30, v2  }
0x153: {  	v11 =	vmax.f32 v11, $0.0e+00  }
0x154: {  	v43 =	vmul.f32 v43, v19;
	v10 =	vadd.f32 v42, v10;
	[tilespmem:s22+$0x16800] =	vst v11  }
0x155: {  	v11 =	vld [tilespmem:$0x15170]  }
0x156: {  	v10 =	vadd.f32 v43, v10;
	_ =	sdelay $0x1  }
0x157: {  	v10 =	vmul.f32 v10, v0;
	_ =	sdelay $0x1  }
0x158: {  	v10 =	vadd.f32 v11, v10  }
0x159: {  	v48 =	vmul.f32 v29, v2  }
0x15a: {  	v10 =	vmax.f32 v10, $0.0e+00  }
0x15b: {  	v49 =	vmul.f32 v44, v19;
	v9 =	vadd.f32 v48, v9;
	[tilespmem:s22+$0x16900] =	vst v10  }
0x15c: {  	v10 =	vld [tilespmem:$0x15180]  }
0x15d: {  	v9 =	vadd.f32 v49, v9;
	_ =	sdelay $0x1  }
0x15e: {  	v9 =	vmul.f32 v9, v0;
	_ =	sdelay $0x1  }
0x15f: {  	v9 =	vadd.f32 v10, v9  }
0x160: {  	v50 =	vmul.f32 v34, v2  }
0x161: {  	v9 =	vmax.f32 v9, $0.0e+00  }
0x162: {  	v8 =	vadd.f32 v50, v8;
	v51 =	vmul.f32 v45, v19;
	[tilespmem:s22+$0x16A00] =	vst v9  }
0x163: {  	v9 =	vld [tilespmem:$0x15190]  }
0x164: {  	v8 =	vadd.f32 v51, v8;
	_ =	sdelay $0x1  }
0x165: {  	v8 =	vmul.f32 v8, v0;
	_ =	sdelay $0x1  }
0x166: {  	v8 =	vadd.f32 v9, v8  }
0x167: {  	v52 =	vmul.f32 v36, v2  }
0x168: {  	v8 =	vmax.f32 v8, $0.0e+00  }
0x169: {  	v7 =	vadd.f32 v52, v7;
	v53 =	vmul.f32 v46, v19;
	[tilespmem:s22+$0x16B00] =	vst v8  }
0x16a: {  	v8 =	vld [tilespmem:$0x151A0]  }
0x16b: {  	v7 =	vadd.f32 v53, v7;
	_ =	sdelay $0x1  }
0x16c: {  	v7 =	vmul.f32 v7, v0;
	_ =	sdelay $0x1  }
0x16d: {  	v7 =	vadd.f32 v8, v7  }
0x16e: {  	v54 =	vmul.f32 v55, v2  }
0x16f: {  	v7 =	vmax.f32 v7, $0.0e+00  }
0x170: {  	v6 =	vadd.f32 v54, v6;
	v55 =	vmul.f32 v33, v19;
	[tilespmem:s22+$0x16C00] =	vst v7  }
0x171: {  	v7 =	vld [tilespmem:$0x151B0]  }
0x172: {  	v6 =	vadd.f32 v55, v6;
	_ =	sdelay $0x1  }
0x173: {  	v6 =	vmul.f32 v6, v0;
	_ =	sdelay $0x1  }
0x174: {  	v6 =	vadd.f32 v7, v6  }
0x175: {  	v56 =	vmul.f32 v56, v2  }
0x176: {  	v6 =	vmax.f32 v6, $0.0e+00  }
0x177: {  	v5 =	vadd.f32 v56, v5;
	v57 =	vmul.f32 v47, v19;
	[tilespmem:s22+$0x16D00] =	vst v6  }
0x178: {  	v6 =	vld [tilespmem:$0x151C0]  }
0x179: {  	v5 =	vadd.f32 v57, v5;
	_ =	sdelay $0x1  }
0x17a: {  	v5 =	vmul.f32 v5, v0;
	_ =	sdelay $0x1  }
0x17b: {  	v5 =	vadd.f32 v6, v5  }
0x17c: {  	v58 =	vmul.f32 v22, v2  }
0x17d: {  	v5 =	vmax.f32 v5, $0.0e+00  }
0x17e: {  	v4 =	vadd.f32 v58, v4;
	v59 =	vmul.f32 v37, v19;
	[tilespmem:s22+$0x16E00] =	vst v5  }
0x17f: {  	v5 =	vld [tilespmem:$0x151D0]  }
0x180: {  	v4 =	vadd.f32 v59, v4;
	_ =	sdelay $0x1  }
0x181: {  	v4 =	vmul.f32 v4, v0;
	_ =	sdelay $0x1  }
0x182: {  	v4 =	vadd.f32 v5, v4  }
0x183: {  	v60 =	vmul.f32 v21, v2  }
0x184: {  	v4 =	vmax.f32 v4, $0.0e+00  }
0x185: {  	v61 =	vmul.f32 v32, v19;
	v2 =	vadd.f32 v60, v3;
	[tilespmem:s22+$0x16F00] =	vst v4  }
0x186: {  	v4 =	vld [tilespmem:$0x151E0]  }
0x187: {  	v2 =	vadd.f32 v61, v2;
	_ =	sdelay $0x1  }
0x188: {  	v2 =	vmul.f32 v2, v0;
	_ =	sdelay $0x1  }
0x189: {  	v2 =	vadd.f32 v4, v2;
	_ =	sdelay $0x1  }
0x18a: {  	v2 =	vmax.f32 v2, $0.0e+00  }
0x18b: {  	v62 =	vmul.f32 v18, v19;
	[tilespmem:s22+$0x17000] =	vst v2  }
0x18c: {  	v2 =	vld [tilespmem:$0x151F0]  }
0x18d: {  	v1 =	vadd.f32 v62, v1  }
0x18e: {  	s20 =	sadd.s32 $0x1, s20  }
0x18f: {  	p0 =	sne.s32 s20, $0x10;
	v63 =	vmul.f32 v1, v0  }
.Ltmp4:
0x190: {  	_ = 	snop;
	(pc) =	sbr.rel @p0 .LBB2_2-.Ltmp4, $3  }
0x191: {  	v0 =	vadd.f32 v2, v63;
	_ =	sdelay $0x1  }
0x192: {  	v0 =	vmax.f32 v0, $0.0e+00  }
0x193: {  	s19 =	sadd.s32 $0x10, s19;
	s18 =	sadd.s32 $0x1, s18;
	[tilespmem:s22+$0x17100] =	vst v0  }
0x194: {  	s17 =	sadd.s32 $0x1, s17  }
0x195: {  	p0 =	sne.s32 s17, s8  }
.Ltmp5:
0x196: {  	_ = 	snop;
	(pc) =	sbr.rel @p0 .LBB2_1-.Ltmp5, $4  }
0x197: {  	[hbm4b:s7+s9] =	stream.strided.scatter [tilespmem:s16], [sflag:$0x1], $0x2000, s13, s9, $0x38;
	[tilespmem:$0x17200] =	vst v63  }
0x198: {  	_ =	swait.ge [sflag:s11], $0x2000  }
0x199: {  	[sflag:s11] =	ssyncset.done $0x0  }
0x19a: {  	[sflag:s11] =	ssyncadd.s32 $0xFFFFE000  }
0x19b: {  	_ =	sfence.sel $0x180000  }
0x19c: {  	[bflag:$0x0] =	sbarrier.arrive $0xFFFF  }
0x19d: {  	p0 =	sne.s32 s1, $0x0;
	_ =	strace $0x90000047  }
0x19e: {  	s0 =	sadd.s32 @!p0 $0x100000, s0;
	[bflag:$0x2] =	sbarrier.arrive $0xFFFF  }
0x19f: {  	[sflag:s0] =	ssyncadd.tile.s32 @!p0 $0x1;
	_ =	shalt  }
.Lfunc_end2:
_tile_overlayer_lowered:
.L_overlay_start_2:
0x1a0: {  	(tag) =	ssettag $0x2  }
0x1a1: {  	s0 =	rddreg [dreg:$0x0];
	s2 =	stileid.u32  }
0x1a2: {  	s1 =	rddreg [dreg:$0x1];
	p0 =	sne.s32 s2, $0x0  }
0x1a3: {  	s3 =	rddreg [dreg:$0x2];
	[bflag:$0x3] =	sbarrier.arrive $0xFFFF;
	s2 =	simm.s32 @!p0 $0x1C01  }
0x1a4: {  	[timem:s3], [sflag:s2] =	dma.local @!p0 [hbm:s0], s1  }
0x1a5: {  	s0 =	simm.s32 @!p0 $0x1  }
0x1a6: {  	_ =	swait.ge @!p0 [sflag:s0], s1  }
0x1a7: {  	s1 =	ssub.s32 @!p0 $0x0, s1;
	[sflag:s0] =	ssyncset.done @!p0 $0x0  }
0x1a8: {  	[sflag:s0] =	ssyncadd.s32 @!p0 s1  }
0x1a9: {  	[bflag:$0x3] =	sbarrier.arrive $0xFFFF  }
0x1aa: {  	_ =	shalt  }

</sc_bundles>
